<compile_context>
chip_gen: v7x
topology: tpu7x:2x2x1
jax: 0.10.2.dev20260603
libtpu: 0.0.44.dev20260713+nightly
codegen_flags: <defaults>
</compile_context>

<pallas_src>
import functools

import jax
import jax.numpy as jnp
from jax import lax
from jax.experimental import pallas as pl
from jax.experimental.pallas import tpu as pltpu
from jax.experimental.pallas import tpu_sc as plsc

_B, _NPG = 16, 128
_N = _B * _NPG
_E = _N * 32
_IN, _H = 128, 256

_NC, _NS = 2, 16
_BR = 32
_CHUNK = 2048
_NCHK = _E // _CHUNK


def _leaky(z):
    return jnp.where(z >= 0, z, 0.01 * z)


def _make_sc_hist():
    mesh = plsc.VectorSubcoreMesh(core_axis_name="c", subcore_axis_name="s",
                                  num_cores=_NC, num_subcores=_NS)

    nchk_q = _NCHK // 4

    @functools.partial(
        pl.kernel,
        out_type=jax.ShapeDtypeStruct((4, 8 * _BR, _N), jnp.int32),
        mesh=mesh,
        scratch_types=[
            pltpu.VMEM((2, _CHUNK), jnp.int32),
            pltpu.VMEM((2, _CHUNK), jnp.int32),
            pltpu.VMEM((_BR, _N), jnp.int32),
            pltpu.SemaphoreType.DMA,
            pltpu.SemaphoreType.DMA,
        ],
        compiler_params=pltpu.CompilerParams(needs_layout_passes=False),
    )
    def hist(src_hbm, dst_hbm, a_hbm, srcv, dstv, accv, sem1, sem2):
        c = lax.axis_index("c")
        s = lax.axis_index("s")
        q = c * 2 + lax.div(s, 8)
        rg = lax.rem(s, 8)
        base = rg * (8 * _BR)
        zeros16 = jnp.zeros((16,), jnp.int32)
        one16 = jnp.full((16,), 1, jnp.int32)
        four16 = jnp.full((16,), 4, jnp.int32)

        @plsc.parallel_loop(0, _N // 16, unroll=4)
        def _(cc):
            sl = pl.ds(cc * 16, 16)
            for r in range(_BR):
                accv[r, sl] = zeros16

        pltpu.async_copy(src_hbm.at[q, 0], srcv.at[0], sem1)
        pltpu.async_copy(dst_hbm.at[q, 0], dstv.at[0], sem2)

        def pair(j, carry):
            for b in range(2):
                k = 2 * j + b
                pltpu.make_async_copy(src_hbm.at[q, 0], srcv.at[b],
                                      sem1).wait()
                pltpu.make_async_copy(dst_hbm.at[q, 0], dstv.at[b],
                                      sem2).wait()

                @pl.when(k + 1 < nchk_q)
                def _():
                    pltpu.async_copy(src_hbm.at[q, k + 1], srcv.at[1 - b],
                                     sem1)
                    pltpu.async_copy(dst_hbm.at[q, k + 1], dstv.at[1 - b],
                                     sem2)

                @plsc.parallel_loop(0, _CHUNK // 16, unroll=8)
                def _(i):
                    sl = pl.ds(i * 16, 16)
                    d16 = dstv[b, sl]
                    s16 = srcv[b, sl]
                    loc = d16 - base
                    m = loc.astype(jnp.uint32) < jnp.uint32(8 * _BR)
                    row = jnp.bitwise_and(loc, _BR - 1)
                    fld = jax.lax.shift_right_logical(
                        jnp.bitwise_and(loc, 8 * _BR - 1), 5)
                    val = jax.lax.shift_left(one16, fld * four16)
                    plsc.addupdate_scatter(accv, [row, s16], val, mask=m)

            return carry

        lax.fori_loop(0, nchk_q // 2, pair, 0)
        pltpu.sync_copy(accv, a_hbm.at[q, pl.ds(rg * _BR, _BR)])

    return hist


_sc_hist = _make_sc_hist()


def _fused_tc_kernel(bx_ref, wt_ref, a_ref,
                     w1_ref, b1_ref, w2_ref, b2_ref,
                     w3_ref, b3_ref, w4_ref, b4_ref,
                     cw1_ref, cb1_ref, cg_ref, cbeta_ref, cw2_ref, cb2_ref,
                     lg_ref, u2_ref, kl_ref, ct_ref):
    f32 = jnp.float32
    x = jnp.dot(bx_ref[...], wt_ref[...], preferred_element_type=f32)
    packed = (a_ref[0] + a_ref[1] + a_ref[2] + a_ref[3]).reshape(8, _BR, _N)
    fields = [jnp.bitwise_and(jax.lax.shift_right_logical(packed, 4 * k), 15)
              for k in range(8)]
    adj = jnp.concatenate(fields, axis=1).reshape(_N, _N).astype(f32)

    z = x + jnp.dot(adj, x, preferred_element_type=f32)
    z = jnp.maximum(jnp.dot(z, w1_ref[...], preferred_element_type=f32)
                    + b1_ref[...], 0.0)
    z = jnp.dot(z, w2_ref[...], preferred_element_type=f32) + b2_ref[...]
    h1 = _leaky(z)

    z = h1 + jnp.dot(adj, h1, preferred_element_type=f32)
    z = jnp.maximum(jnp.dot(z, w3_ref[...], preferred_element_type=f32)
                    + b3_ref[...], 0.0)
    z = jnp.dot(z, w4_ref[...], preferred_element_type=f32) + b4_ref[...]
    h2 = _leaky(z)

    t_all = jnp.dot(h2, cw1_ref[...], preferred_element_type=f32) + cb1_ref[...]
    cg = cg_ref[...]
    cbeta = cbeta_ref[...]

    z1_rows = []
    z2_rows = []
    kl_val = jnp.float32(0.0)
    for g in range(_B):
        sl = slice(g * _NPG, (g + 1) * _NPG)
        hg = h2[sl, :]
        tg = t_all[sl, :]
        mu = jnp.mean(tg, axis=0, keepdims=True)
        var = jnp.mean((tg - mu) ** 2, axis=0, keepdims=True)
        tn = jnp.maximum((tg - mu) / jnp.sqrt(var + 1e-5) * cg + cbeta, 0.0)
        pv = jnp.dot(tn, cw2_ref[...], preferred_element_type=f32) + cb2_ref[...]
        gate = jax.nn.sigmoid(lg_ref[sl, :] + pv)
        lam = 1.0 - gate
        mean_g = jnp.mean(hg, axis=0, keepdims=True)
        std_g = jnp.sqrt(jnp.sum((hg - mean_g) ** 2, axis=0, keepdims=True)
                         / jnp.float32(_NPG - 1))
        n_mean = gate * hg + lam * mean_g
        n_std = lam * std_g
        noisy = n_mean + u2_ref[sl, :] * n_std
        z1_rows.append(jnp.sum(noisy, axis=0, keepdims=True))
        z2_rows.append(jnp.sum(hg, axis=0, keepdims=True))
        if g == _B - 1:
            epsk = jnp.float32(1e-07)
            sd = std_g + epsk
            term1 = 0.5 * (n_std ** 2) / (sd ** 2)
            term2 = jnp.sum(((n_mean - mean_g) / sd) ** 2, axis=0,
                            keepdims=True)
            kl_val = jnp.mean(term1 + term2)

    z1 = jnp.concatenate(z1_rows, axis=0)
    z2 = jnp.concatenate(z2_rows, axis=0)
    z1 = z1 / jnp.maximum(
        jnp.sqrt(jnp.sum(z1 * z1, axis=1, keepdims=True)), 1e-12)
    z2 = z2 / jnp.maximum(
        jnp.sqrt(jnp.sum(z2 * z2, axis=1, keepdims=True)), 1e-12)
    dn = (((1,), (1,)), ((), ()))
    refl = jnp.exp(jax.lax.dot_general(z1, z1, dn,
                                       preferred_element_type=f32))
    btw = jnp.exp(jax.lax.dot_general(z1, z2, dn,
                                      preferred_element_type=f32))
    eye = (jax.lax.broadcasted_iota(jnp.int32, (_B, _B), 0)
           == jax.lax.broadcasted_iota(jnp.int32, (_B, _B), 1)
           ).astype(f32)
    d_refl = jnp.sum(refl * eye, axis=1)
    d_btw = jnp.sum(btw * eye, axis=1)
    denom = jnp.sum(refl, axis=1) + jnp.sum(btw, axis=1) - d_refl
    ct_val = jnp.mean(jnp.log(denom) - jnp.log(d_btw))

    kl_ref[...] = jnp.reshape(kl_val, (1, 1))
    ct_ref[...] = jnp.reshape(ct_val, (1, 1))


def kernel(batch_x, x_subs, params, edge_index, sub_edge_index):
    p = params
    src2 = edge_index[0].reshape(4, _NCHK // 4, _CHUNK)
    dst2 = edge_index[1].reshape(4, _NCHK // 4, _CHUNK)

    bias = 1e-4
    u = jax.random.uniform(jax.random.PRNGKey(1), (_B, _NPG, 1), jnp.float32)
    e = (2.0 * bias - 1.0) * u + (1.0 - bias)
    lg = (jnp.log(e) - jnp.log(1.0 - e)).reshape(_N, 1)
    u2 = jax.random.uniform(jax.random.PRNGKey(2), (_B, _NPG, _H),
                            jnp.float32).reshape(_N, _H)

    adj = _sc_hist(src2, dst2)

    kl, ct = pl.pallas_call(
        _fused_tc_kernel,
        out_shape=(jax.ShapeDtypeStruct((1, 1), jnp.float32),
                   jax.ShapeDtypeStruct((1, 1), jnp.float32)),
    )(batch_x, p['Wt'], adj,
      p['e1_W1'], p['e1_b1'].reshape(1, _H),
      p['e1_W2'], p['e1_b2'].reshape(1, _H),
      p['e1_W3'], p['e1_b3'].reshape(1, _H),
      p['e1_W4'], p['e1_b4'].reshape(1, _H),
      p['cW1'], p['cb1'].reshape(1, _H),
      p['cg'].reshape(1, _H), p['cbeta'].reshape(1, _H),
      p['cW2'], p['cb2'].reshape(1, 1),
      lg, u2)

    recon = jnp.asarray(-1.0, jnp.float32)
    return (kl[0, 0], ct[0, 0], recon)

# --- scband reference (transcript-rebuilt; emitter-appended) ---
"""Pipeline reference for scband-mainmodel-20005957664844 (READ-ONLY COPY).

The authoritative reference and input builder live on the scoring server;
editing this copy changes nothing except your own understanding.
"""

import jax, jax.numpy as jnp
import numpy as np

B, NPG, SUBS = 16, 128, 16
N = B * NPG
E = N * 32
NSUB = N * SUBS
ESUB = NSUB * 16
IN_DIM, H = 128, 256


def _lin(k, fi, fo):
    return jax.random.normal(k, (fi, fo), jnp.float32) / np.sqrt(fi)


def setup_inputs():
    key = jax.random.PRNGKey(0)
    ks = jax.random.split(key, 40)
    batch_x = jax.random.normal(ks[0], (N, IN_DIM), jnp.float32)
    x_subs = jax.random.normal(ks[1], (NSUB, IN_DIM), jnp.float32)
    edge_index = jax.random.randint(ks[2], (2, E), 0, N, jnp.int32)
    sub_edge_index = jax.random.randint(ks[3], (2, ESUB), 0, NSUB, jnp.int32)
    p = {}
    p['Wt'] = _lin(ks[4], IN_DIM, IN_DIM)
    i = 5
    for enc in ('e1', 'e2'):
        p[enc + '_W1'] = _lin(ks[i], IN_DIM, H); p[enc + '_b1'] = jnp.zeros((H,), jnp.float32)
        p[enc + '_W2'] = _lin(ks[i + 1], H, H); p[enc + '_b2'] = jnp.zeros((H,), jnp.float32)
        p[enc + '_W3'] = _lin(ks[i + 2], H, H); p[enc + '_b3'] = jnp.zeros((H,), jnp.float32)
        p[enc + '_W4'] = _lin(ks[i + 3], H, H); p[enc + '_b4'] = jnp.zeros((H,), jnp.float32)
        i += 4
    p['mW1'] = _lin(ks[i], 2 * H, H); p['mb1'] = jnp.zeros((H,), jnp.float32)
    p['mW2'] = _lin(ks[i + 1], H, H); p['mb2'] = jnp.zeros((H,), jnp.float32)
    p['cW1'] = _lin(ks[i + 2], H, H); p['cb1'] = jnp.zeros((H,), jnp.float32)
    p['cg'] = jnp.ones((H,), jnp.float32); p['cbeta'] = jnp.zeros((H,), jnp.float32)
    p['cW2'] = _lin(ks[i + 3], H, 1); p['cb2'] = jnp.zeros((1,), jnp.float32)
    return {'batch_x': batch_x, 'x_subs': x_subs, 'params': p, 'edge_index': edge_index, 'sub_edge_index': sub_edge_index}


def _gin(x, src, dst, n, p, pre):
    # two GINConv layers (sum aggregation, eps=0) each followed by leaky_relu
    h = x
    layers = ((pre + '_W1', pre + '_b1', pre + '_W2', pre + '_b2'),
              (pre + '_W3', pre + '_b3', pre + '_W4', pre + '_b4'))
    for (w1, b1, w2, b2) in layers:
        agg = jnp.zeros((n, h.shape[1]), h.dtype).at[dst].add(h[src])
        z = h + agg
        z = jnp.maximum(z @ p[w1] + p[b1], 0.0)
        z = z @ p[w2] + p[b2]
        h = jnp.where(z >= 0, z, 0.01 * z)
    return h


def _normalize(z):
    return z / jnp.maximum(jnp.linalg.norm(z, axis=1, keepdims=True), 1e-12)


def reference(batch_x, x_subs, params, edge_index, sub_edge_index):
    p = params
    x = batch_x @ p['Wt']
    xs = x_subs @ p['Wt']
    gfn = _gin(x, edge_index[0], edge_index[1], N, p, 'e1')
    sfn = _gin(xs, sub_edge_index[0], sub_edge_index[1], NSUB, p, 'e2')
    gf = gfn.reshape(B, NPG, H)
    g_read = gf.sum(1)  # readout='sum' => dgl.sum_nodes
    # compression (compressor MLP with per-graph BatchNorm batch stats)
    t = gf @ p['cW1'] + p['cb1']
    mu = t.mean(axis=1, keepdims=True)
    var = t.var(axis=1, keepdims=True)
    tn = jnp.maximum((t - mu) / jnp.sqrt(var + 1e-5) * p['cg'] + p['cbeta'], 0.0)
    pv = tn @ p['cW2'] + p['cb2']  # [B, NPG, 1]
    bias = 1e-4
    u = jax.random.uniform(jax.random.PRNGKey(1), pv.shape, jnp.float32)
    e = (2.0 * bias - 1.0) * u + (1.0 - bias)
    gate = jax.nn.sigmoid(jnp.log(e) - jnp.log(1.0 - e) + pv)
    lam_neg = 1.0 - gate
    static = jax.lax.stop_gradient(gf)
    mean = static.mean(axis=1, keepdims=True)
    std = jnp.std(static, axis=1, keepdims=True, ddof=1)
    n_mean = gate * gf + lam_neg * mean
    n_std = lam_neg * std
    noisy = n_mean + jax.random.uniform(jax.random.PRNGKey(2), n_mean.shape, jnp.float32) * n_std
    epsk = 1e-07
    # faithful to original bug: KL tensor is cat of the LAST graph's KL with itself
    kl_last = 0.5 * (n_std[-1] ** 2 / (std[-1] + epsk) ** 2) + jnp.sum(((n_mean[-1] - mean[-1]) / (std[-1] + epsk)) ** 2, axis=0)
    kl_all = jnp.concatenate([kl_last, kl_last], axis=0)
    kl_loss = jnp.mean(kl_all)
    noisy_flat = noisy.reshape(N, H)
    sub_read = sfn.reshape(N, SUBS, H).sum(1)  # dgl.sum_nodes over each 16-node subgraph
    imap = jnp.concatenate([noisy_flat, sub_read], axis=-1)
    imap = jnp.maximum(imap @ p['mW1'] + p['mb1'], 0.0) @ p['mW2'] + p['mb2']  # feeds recon loss (disabled: recons_type='none')
    z1 = _normalize(noisy.sum(1))
    z2 = _normalize(g_read)
    refl = jnp.exp(z1 @ z1.T)
    btw = jnp.exp(z1 @ z2.T)
    contrast = jnp.mean(-jnp.log(jnp.diag(btw) / (refl.sum(1) + btw.sum(1) - jnp.diag(refl))))
    recon = jnp.asarray(-1.0, jnp.float32)
    return (kl_loss, contrast, recon)

if __name__ == "__main__":
    import jax
    _d = setup_inputs()
    print(jax.jit(kernel)(*tuple(_d.values())))

</pallas_src>

<mosaic_0001>
#map = affine_map<(d0, d1) -> (0, 0, 0)>
module attributes {stable_mosaic.version = 14 : i64} {
  func.func @hist(%arg0: i32, %arg1: i32, %arg2: memref<4x8x2048xi32, #tpu.memory_space<hbm>>, %arg3: memref<4x8x2048xi32, #tpu.memory_space<hbm>>, %arg4: memref<4x256x2048xi32, #tpu.memory_space<hbm>>, %arg5: memref<2x2048xi32, #tpu.memory_space<vmem>>, %arg6: memref<2x2048xi32, #tpu.memory_space<vmem>>, %arg7: memref<32x2048xi32, #tpu.memory_space<vmem>>, %arg8: memref<!tpu.dma_semaphore, #tpu.memory_space<semaphore_mem>>, %arg9: memref<!tpu.dma_semaphore, #tpu.memory_space<semaphore_mem>>) attributes {dimension_semantics = [#tpu.dimension_semantics<core_parallel>, #tpu.dimension_semantics<subcore_parallel>], iteration_bounds = array<i64: 2, 16>, scalar_prefetch = 0 : i64, scratch_operands = 5 : i64, tpu.core_type = #tpu.core_type<sc_vector_subcore>, window_params = [{transform_indices = #map}, {transform_indices = #map}, {transform_indices = #map}]} {
    %mul3A = arith.constant 2 : i32
    %mul3A_0 = arith.muli %arg0, %mul3A : i32
    %div3A = arith.constant 8 : i32
    %div3A_1 = arith.divsi %arg1, %div3A : i32
    %add3A = arith.addi %mul3A_0, %div3A_1 : i32
    %rem3A = arith.constant 8 : i32
    %rem3A_2 = arith.remsi %arg1, %rem3A : i32
    %mul3A_3 = arith.constant 256 : i32
    %mul3A_4 = arith.muli %rem3A_2, %mul3A_3 : i32
    %broadcast_in_dim3A = arith.constant 0 : i32
    %broadcast_in_dim3A_5 = vector.broadcast %broadcast_in_dim3A : i32 to vector<16xi32>
    %broadcast_in_dim3A_6 = arith.constant 1 : i32
    %broadcast_in_dim3A_7 = vector.broadcast %broadcast_in_dim3A_6 : i32 to vector<16xi32>
    %broadcast_in_dim3A_8 = arith.constant 4 : i32
    %broadcast_in_dim3A_9 = vector.broadcast %broadcast_in_dim3A_8 : i32 to vector<16xi32>
    %parallel_loop3A = arith.constant 0 : i32
    %parallel_loop3A_10 = arith.constant 128 : i32
    %parallel_loop3A_11 = arith.constant 1 : i32
    scf.for %parallel_loop3A_46 = %parallel_loop3A to %parallel_loop3A_10 step %parallel_loop3A_11  : i32 {
      %parallel_loop3A_47 = arith.constant 16 : i32
      %parallel_loop3A_48 = arith.muli %parallel_loop3A_46, %parallel_loop3A_47 : i32
      %parallel_loop3A_49 = arith.constant 0 : i32
      %parallel_loop3A_50 = arith.index_cast %parallel_loop3A_49 : i32 to index
      %parallel_loop3A_51 = arith.index_cast %parallel_loop3A_48 : i32 to index
      %parallel_loop3A_52 = tpu.vector_load %arg7[%parallel_loop3A_50, %parallel_loop3A_51] {strides = array<i32>} : memref<32x2048xi32, #tpu.memory_space<vmem>>, vector<16xi32>,
      tpu.vector_store %arg7[%parallel_loop3A_50, %parallel_loop3A_51], %broadcast_in_dim3A_5 {strides = array<i32>} : memref<32x2048xi32, #tpu.memory_space<vmem>>, vector<16xi32>,
      %parallel_loop3A_53 = arith.constant 1 : i32
      %parallel_loop3A_54 = arith.index_cast %parallel_loop3A_53 : i32 to index
      %parallel_loop3A_55 = arith.index_cast %parallel_loop3A_48 : i32 to index
      %parallel_loop3A_56 = tpu.vector_load %arg7[%parallel_loop3A_54, %parallel_loop3A_55] {strides = array<i32>} : memref<32x2048xi32, #tpu.memory_space<vmem>>, vector<16xi32>,
      tpu.vector_store %arg7[%parallel_loop3A_54, %parallel_loop3A_55], %broadcast_in_dim3A_5 {strides = array<i32>} : memref<32x2048xi32, #tpu.memory_space<vmem>>, vector<16xi32>,
      %parallel_loop3A_57 = arith.constant 2 : i32
      %parallel_loop3A_58 = arith.index_cast %parallel_loop3A_57 : i32 to index
      %parallel_loop3A_59 = arith.index_cast %parallel_loop3A_48 : i32 to index
      %parallel_loop3A_60 = tpu.vector_load %arg7[%parallel_loop3A_58, %parallel_loop3A_59] {strides = array<i32>} : memref<32x2048xi32, #tpu.memory_space<vmem>>, vector<16xi32>,
      tpu.vector_store %arg7[%parallel_loop3A_58, %parallel_loop3A_59], %broadcast_in_dim3A_5 {strides = array<i32>} : memref<32x2048xi32, #tpu.memory_space<vmem>>, vector<16xi32>,
      %parallel_loop3A_61 = arith.constant 3 : i32
      %parallel_loop3A_62 = arith.index_cast %parallel_loop3A_61 : i32 to index
      %parallel_loop3A_63 = arith.index_cast %parallel_loop3A_48 : i32 to index
      %parallel_loop3A_64 = tpu.vector_load %arg7[%parallel_loop3A_62, %parallel_loop3A_63] {strides = array<i32>} : memref<32x2048xi32, #tpu.memory_space<vmem>>, vector<16xi32>,
      tpu.vector_store %arg7[%parallel_loop3A_62, %parallel_loop3A_63], %broadcast_in_dim3A_5 {strides = array<i32>} : memref<32x2048xi32, #tpu.memory_space<vmem>>, vector<16xi32>,
      %parallel_loop3A_65 = arith.constant 4 : i32
      %parallel_loop3A_66 = arith.index_cast %parallel_loop3A_65 : i32 to index
      %parallel_loop3A_67 = arith.index_cast %parallel_loop3A_48 : i32 to index
      %parallel_loop3A_68 = tpu.vector_load %arg7[%parallel_loop3A_66, %parallel_loop3A_67] {strides = array<i32>} : memref<32x2048xi32, #tpu.memory_space<vmem>>, vector<16xi32>,
      tpu.vector_store %arg7[%parallel_loop3A_66, %parallel_loop3A_67], %broadcast_in_dim3A_5 {strides = array<i32>} : memref<32x2048xi32, #tpu.memory_space<vmem>>, vector<16xi32>,
      %parallel_loop3A_69 = arith.constant 5 : i32
      %parallel_loop3A_70 = arith.index_cast %parallel_loop3A_69 : i32 to index
      %parallel_loop3A_71 = arith.index_cast %parallel_loop3A_48 : i32 to index
      %parallel_loop3A_72 = tpu.vector_load %arg7[%parallel_loop3A_70, %parallel_loop3A_71] {strides = array<i32>} : memref<32x2048xi32, #tpu.memory_space<vmem>>, vector<16xi32>,
      tpu.vector_store %arg7[%parallel_loop3A_70, %parallel_loop3A_71], %broadcast_in_dim3A_5 {strides = array<i32>} : memref<32x2048xi32, #tpu.memory_space<vmem>>, vector<16xi32>,
      %parallel_loop3A_73 = arith.constant 6 : i32
      %parallel_loop3A_74 = arith.index_cast %parallel_loop3A_73 : i32 to index
      %parallel_loop3A_75 = arith.index_cast %parallel_loop3A_48 : i32 to index
      %parallel_loop3A_76 = tpu.vector_load %arg7[%parallel_loop3A_74, %parallel_loop3A_75] {strides = array<i32>} : memref<32x2048xi32, #tpu.memory_space<vmem>>, vector<16xi32>,
      tpu.vector_store %arg7[%parallel_loop3A_74, %parallel_loop3A_75], %broadcast_in_dim3A_5 {strides = array<i32>} : memref<32x2048xi32, #tpu.memory_space<vmem>>, vector<16xi32>,
      %parallel_loop3A_77 = arith.constant 7 : i32
      %parallel_loop3A_78 = arith.index_cast %parallel_loop3A_77 : i32 to index
      %parallel_loop3A_79 = arith.index_cast %parallel_loop3A_48 : i32 to index
      %parallel_loop3A_80 = tpu.vector_load %arg7[%parallel_loop3A_78, %parallel_loop3A_79] {strides = array<i32>} : memref<32x2048xi32, #tpu.memory_space<vmem>>, vector<16xi32>,
      tpu.vector_store %arg7[%parallel_loop3A_78, %parallel_loop3A_79], %broadcast_in_dim3A_5 {strides = array<i32>} : memref<32x2048xi32, #tpu.memory_space<vmem>>, vector<16xi32>,
      %parallel_loop3A_81 = arith.constant 8 : i32
      %parallel_loop3A_82 = arith.index_cast %parallel_loop3A_81 : i32 to index
      %parallel_loop3A_83 = arith.index_cast %parallel_loop3A_48 : i32 to index
      %parallel_loop3A_84 = tpu.vector_load %arg7[%parallel_loop3A_82, %parallel_loop3A_83] {strides = array<i32>} : memref<32x2048xi32, #tpu.memory_space<vmem>>, vector<16xi32>,
      tpu.vector_store %arg7[%parallel_loop3A_82, %parallel_loop3A_83], %broadcast_in_dim3A_5 {strides = array<i32>} : memref<32x2048xi32, #tpu.memory_space<vmem>>, vector<16xi32>,
      %parallel_loop3A_85 = arith.constant 9 : i32
      %parallel_loop3A_86 = arith.index_cast %parallel_loop3A_85 : i32 to index
      %parallel_loop3A_87 = arith.index_cast %parallel_loop3A_48 : i32 to index
      %parallel_loop3A_88 = tpu.vector_load %arg7[%parallel_loop3A_86, %parallel_loop3A_87] {strides = array<i32>} : memref<32x2048xi32, #tpu.memory_space<vmem>>, vector<16xi32>,
      tpu.vector_store %arg7[%parallel_loop3A_86, %parallel_loop3A_87], %broadcast_in_dim3A_5 {strides = array<i32>} : memref<32x2048xi32, #tpu.memory_space<vmem>>, vector<16xi32>,
      %parallel_loop3A_89 = arith.constant 10 : i32
      %parallel_loop3A_90 = arith.index_cast %parallel_loop3A_89 : i32 to index
      %parallel_loop3A_91 = arith.index_cast %parallel_loop3A_48 : i32 to index
      %parallel_loop3A_92 = tpu.vector_load %arg7[%parallel_loop3A_90, %parallel_loop3A_91] {strides = array<i32>} : memref<32x2048xi32, #tpu.memory_space<vmem>>, vector<16xi32>,
      tpu.vector_store %arg7[%parallel_loop3A_90, %parallel_loop3A_91], %broadcast_in_dim3A_5 {strides = array<i32>} : memref<32x2048xi32, #tpu.memory_space<vmem>>, vector<16xi32>,
      %parallel_loop3A_93 = arith.constant 11 : i32
      %parallel_loop3A_94 = arith.index_cast %parallel_loop3A_93 : i32 to index
      %parallel_loop3A_95 = arith.index_cast %parallel_loop3A_48 : i32 to index
      %parallel_loop3A_96 = tpu.vector_load %arg7[%parallel_loop3A_94, %parallel_loop3A_95] {strides = array<i32>} : memref<32x2048xi32, #tpu.memory_space<vmem>>, vector<16xi32>,
      tpu.vector_store %arg7[%parallel_loop3A_94, %parallel_loop3A_95], %broadcast_in_dim3A_5 {strides = array<i32>} : memref<32x2048xi32, #tpu.memory_space<vmem>>, vector<16xi32>,
      %parallel_loop3A_97 = arith.constant 12 : i32
      %parallel_loop3A_98 = arith.index_cast %parallel_loop3A_97 : i32 to index
      %parallel_loop3A_99 = arith.index_cast %parallel_loop3A_48 : i32 to index
      %parallel_loop3A_100 = tpu.vector_load %arg7[%parallel_loop3A_98, %parallel_loop3A_99] {strides = array<i32>} : memref<32x2048xi32, #tpu.memory_space<vmem>>, vector<16xi32>,
      tpu.vector_store %arg7[%parallel_loop3A_98, %parallel_loop3A_99], %broadcast_in_dim3A_5 {strides = array<i32>} : memref<32x2048xi32, #tpu.memory_space<vmem>>, vector<16xi32>,
      %parallel_loop3A_101 = arith.constant 13 : i32
      %parallel_loop3A_102 = arith.index_cast %parallel_loop3A_101 : i32 to index
      %parallel_loop3A_103 = arith.index_cast %parallel_loop3A_48 : i32 to index
      %parallel_loop3A_104 = tpu.vector_load %arg7[%parallel_loop3A_102, %parallel_loop3A_103] {strides = array<i32>} : memref<32x2048xi32, #tpu.memory_space<vmem>>, vector<16xi32>,
      tpu.vector_store %arg7[%parallel_loop3A_102, %parallel_loop3A_103], %broadcast_in_dim3A_5 {strides = array<i32>} : memref<32x2048xi32, #tpu.memory_space<vmem>>, vector<16xi32>,
      %parallel_loop3A_105 = arith.constant 14 : i32
      %parallel_loop3A_106 = arith.index_cast %parallel_loop3A_105 : i32 to index
      %parallel_loop3A_107 = arith.index_cast %parallel_loop3A_48 : i32 to index
      %parallel_loop3A_108 = tpu.vector_load %arg7[%parallel_loop3A_106, %parallel_loop3A_107] {strides = array<i32>} : memref<32x2048xi32, #tpu.memory_space<vmem>>, vector<16xi32>,
      tpu.vector_store %arg7[%parallel_loop3A_106, %parallel_loop3A_107], %broadcast_in_dim3A_5 {strides = array<i32>} : memref<32x2048xi32, #tpu.memory_space<vmem>>, vector<16xi32>,
      %parallel_loop3A_109 = arith.constant 15 : i32
      %parallel_loop3A_110 = arith.index_cast %parallel_loop3A_109 : i32 to index
      %parallel_loop3A_111 = arith.index_cast %parallel_loop3A_48 : i32 to index
      %parallel_loop3A_112 = tpu.vector_load %arg7[%parallel_loop3A_110, %parallel_loop3A_111] {strides = array<i32>} : memref<32x2048xi32, #tpu.memory_space<vmem>>, vector<16xi32>,
      tpu.vector_store %arg7[%parallel_loop3A_110, %parallel_loop3A_111], %broadcast_in_dim3A_5 {strides = array<i32>} : memref<32x2048xi32, #tpu.memory_space<vmem>>, vector<16xi32>,
      %parallel_loop3A_113 = arith.constant 16 : i32
      %parallel_loop3A_114 = arith.index_cast %parallel_loop3A_113 : i32 to index
      %parallel_loop3A_115 = arith.index_cast %parallel_loop3A_48 : i32 to index
      %parallel_loop3A_116 = tpu.vector_load %arg7[%parallel_loop3A_114, %parallel_loop3A_115] {strides = array<i32>} : memref<32x2048xi32, #tpu.memory_space<vmem>>, vector<16xi32>,
      tpu.vector_store %arg7[%parallel_loop3A_114, %parallel_loop3A_115], %broadcast_in_dim3A_5 {strides = array<i32>} : memref<32x2048xi32, #tpu.memory_space<vmem>>, vector<16xi32>,
      %parallel_loop3A_117 = arith.constant 17 : i32
      %parallel_loop3A_118 = arith.index_cast %parallel_loop3A_117 : i32 to index
      %parallel_loop3A_119 = arith.index_cast %parallel_loop3A_48 : i32 to index
      %parallel_loop3A_120 = tpu.vector_load %arg7[%parallel_loop3A_118, %parallel_loop3A_119] {strides = array<i32>} : memref<32x2048xi32, #tpu.memory_space<vmem>>, vector<16xi32>,
      tpu.vector_store %arg7[%parallel_loop3A_118, %parallel_loop3A_119], %broadcast_in_dim3A_5 {strides = array<i32>} : memref<32x2048xi32, #tpu.memory_space<vmem>>, vector<16xi32>,
      %parallel_loop3A_121 = arith.constant 18 : i32
      %parallel_loop3A_122 = arith.index_cast %parallel_loop3A_121 : i32 to index
      %parallel_loop3A_123 = arith.index_cast %parallel_loop3A_48 : i32 to index
      %parallel_loop3A_124 = tpu.vector_load %arg7[%parallel_loop3A_122, %parallel_loop3A_123] {strides = array<i32>} : memref<32x2048xi32, #tpu.memory_space<vmem>>, vector<16xi32>,
      tpu.vector_store %arg7[%parallel_loop3A_122, %parallel_loop3A_123], %broadcast_in_dim3A_5 {strides = array<i32>} : memref<32x2048xi32, #tpu.memory_space<vmem>>, vector<16xi32>,
      %parallel_loop3A_125 = arith.constant 19 : i32
      %parallel_loop3A_126 = arith.index_cast %parallel_loop3A_125 : i32 to index
      %parallel_loop3A_127 = arith.index_cast %parallel_loop3A_48 : i32 to index
      %parallel_loop3A_128 = tpu.vector_load %arg7[%parallel_loop3A_126, %parallel_loop3A_127] {strides = array<i32>} : memref<32x2048xi32, #tpu.memory_space<vmem>>, vector<16xi32>,
      tpu.vector_store %arg7[%parallel_loop3A_126, %parallel_loop3A_127], %broadcast_in_dim3A_5 {strides = array<i32>} : memref<32x2048xi32, #tpu.memory_space<vmem>>, vector<16xi32>,
      %parallel_loop3A_129 = arith.constant 20 : i32
      %parallel_loop3A_130 = arith.index_cast %parallel_loop3A_129 : i32 to index
      %parallel_loop3A_131 = arith.index_cast %parallel_loop3A_48 : i32 to index
      %parallel_loop3A_132 = tpu.vector_load %arg7[%parallel_loop3A_130, %parallel_loop3A_131] {strides = array<i32>} : memref<32x2048xi32, #tpu.memory_space<vmem>>, vector<16xi32>,
      tpu.vector_store %arg7[%parallel_loop3A_130, %parallel_loop3A_131], %broadcast_in_dim3A_5 {strides = array<i32>} : memref<32x2048xi32, #tpu.memory_space<vmem>>, vector<16xi32>,
      %parallel_loop3A_133 = arith.constant 21 : i32
      %parallel_loop3A_134 = arith.index_cast %parallel_loop3A_133 : i32 to index
      %parallel_loop3A_135 = arith.index_cast %parallel_loop3A_48 : i32 to index
      %parallel_loop3A_136 = tpu.vector_load %arg7[%parallel_loop3A_134, %parallel_loop3A_135] {strides = array<i32>} : memref<32x2048xi32, #tpu.memory_space<vmem>>, vector<16xi32>,
      tpu.vector_store %arg7[%parallel_loop3A_134, %parallel_loop3A_135], %broadcast_in_dim3A_5 {strides = array<i32>} : memref<32x2048xi32, #tpu.memory_space<vmem>>, vector<16xi32>,
      %parallel_loop3A_137 = arith.constant 22 : i32
      %parallel_loop3A_138 = arith.index_cast %parallel_loop3A_137 : i32 to index
      %parallel_loop3A_139 = arith.index_cast %parallel_loop3A_48 : i32 to index
      %parallel_loop3A_140 = tpu.vector_load %arg7[%parallel_loop3A_138, %parallel_loop3A_139] {strides = array<i32>} : memref<32x2048xi32, #tpu.memory_space<vmem>>, vector<16xi32>,
      tpu.vector_store %arg7[%parallel_loop3A_138, %parallel_loop3A_139], %broadcast_in_dim3A_5 {strides = array<i32>} : memref<32x2048xi32, #tpu.memory_space<vmem>>, vector<16xi32>,
      %parallel_loop3A_141 = arith.constant 23 : i32
      %parallel_loop3A_142 = arith.index_cast %parallel_loop3A_141 : i32 to index
      %parallel_loop3A_143 = arith.index_cast %parallel_loop3A_48 : i32 to index
      %parallel_loop3A_144 = tpu.vector_load %arg7[%parallel_loop3A_142, %parallel_loop3A_143] {strides = array<i32>} : memref<32x2048xi32, #tpu.memory_space<vmem>>, vector<16xi32>,
      tpu.vector_store %arg7[%parallel_loop3A_142, %parallel_loop3A_143], %broadcast_in_dim3A_5 {strides = array<i32>} : memref<32x2048xi32, #tpu.memory_space<vmem>>, vector<16xi32>,
      %parallel_loop3A_145 = arith.constant 24 : i32
      %parallel_loop3A_146 = arith.index_cast %parallel_loop3A_145 : i32 to index
      %parallel_loop3A_147 = arith.index_cast %parallel_loop3A_48 : i32 to index
      %parallel_loop3A_148 = tpu.vector_load %arg7[%parallel_loop3A_146, %parallel_loop3A_147] {strides = array<i32>} : memref<32x2048xi32, #tpu.memory_space<vmem>>, vector<16xi32>,
      tpu.vector_store %arg7[%parallel_loop3A_146, %parallel_loop3A_147], %broadcast_in_dim3A_5 {strides = array<i32>} : memref<32x2048xi32, #tpu.memory_space<vmem>>, vector<16xi32>,
      %parallel_loop3A_149 = arith.constant 25 : i32
      %parallel_loop3A_150 = arith.index_cast %parallel_loop3A_149 : i32 to index
      %parallel_loop3A_151 = arith.index_cast %parallel_loop3A_48 : i32 to index
      %parallel_loop3A_152 = tpu.vector_load %arg7[%parallel_loop3A_150, %parallel_loop3A_151] {strides = array<i32>} : memref<32x2048xi32, #tpu.memory_space<vmem>>, vector<16xi32>,
      tpu.vector_store %arg7[%parallel_loop3A_150, %parallel_loop3A_151], %broadcast_in_dim3A_5 {strides = array<i32>} : memref<32x2048xi32, #tpu.memory_space<vmem>>, vector<16xi32>,
      %parallel_loop3A_153 = arith.constant 26 : i32
      %parallel_loop3A_154 = arith.index_cast %parallel_loop3A_153 : i32 to index
      %parallel_loop3A_155 = arith.index_cast %parallel_loop3A_48 : i32 to index
      %parallel_loop3A_156 = tpu.vector_load %arg7[%parallel_loop3A_154, %parallel_loop3A_155] {strides = array<i32>} : memref<32x2048xi32, #tpu.memory_space<vmem>>, vector<16xi32>,
      tpu.vector_store %arg7[%parallel_loop3A_154, %parallel_loop3A_155], %broadcast_in_dim3A_5 {strides = array<i32>} : memref<32x2048xi32, #tpu.memory_space<vmem>>, vector<16xi32>,
      %parallel_loop3A_157 = arith.constant 27 : i32
      %parallel_loop3A_158 = arith.index_cast %parallel_loop3A_157 : i32 to index
      %parallel_loop3A_159 = arith.index_cast %parallel_loop3A_48 : i32 to index
      %parallel_loop3A_160 = tpu.vector_load %arg7[%parallel_loop3A_158, %parallel_loop3A_159] {strides = array<i32>} : memref<32x2048xi32, #tpu.memory_space<vmem>>, vector<16xi32>,
      tpu.vector_store %arg7[%parallel_loop3A_158, %parallel_loop3A_159], %broadcast_in_dim3A_5 {strides = array<i32>} : memref<32x2048xi32, #tpu.memory_space<vmem>>, vector<16xi32>,
      %parallel_loop3A_161 = arith.constant 28 : i32
      %parallel_loop3A_162 = arith.index_cast %parallel_loop3A_161 : i32 to index
      %parallel_loop3A_163 = arith.index_cast %parallel_loop3A_48 : i32 to index
      %parallel_loop3A_164 = tpu.vector_load %arg7[%parallel_loop3A_162, %parallel_loop3A_163] {strides = array<i32>} : memref<32x2048xi32, #tpu.memory_space<vmem>>, vector<16xi32>,
      tpu.vector_store %arg7[%parallel_loop3A_162, %parallel_loop3A_163], %broadcast_in_dim3A_5 {strides = array<i32>} : memref<32x2048xi32, #tpu.memory_space<vmem>>, vector<16xi32>,
      %parallel_loop3A_165 = arith.constant 29 : i32
      %parallel_loop3A_166 = arith.index_cast %parallel_loop3A_165 : i32 to index
      %parallel_loop3A_167 = arith.index_cast %parallel_loop3A_48 : i32 to index
      %parallel_loop3A_168 = tpu.vector_load %arg7[%parallel_loop3A_166, %parallel_loop3A_167] {strides = array<i32>} : memref<32x2048xi32, #tpu.memory_space<vmem>>, vector<16xi32>,
      tpu.vector_store %arg7[%parallel_loop3A_166, %parallel_loop3A_167], %broadcast_in_dim3A_5 {strides = array<i32>} : memref<32x2048xi32, #tpu.memory_space<vmem>>, vector<16xi32>,
      %parallel_loop3A_169 = arith.constant 30 : i32
      %parallel_loop3A_170 = arith.index_cast %parallel_loop3A_169 : i32 to index
      %parallel_loop3A_171 = arith.index_cast %parallel_loop3A_48 : i32 to index
      %parallel_loop3A_172 = tpu.vector_load %arg7[%parallel_loop3A_170, %parallel_loop3A_171] {strides = array<i32>} : memref<32x2048xi32, #tpu.memory_space<vmem>>, vector<16xi32>,
      tpu.vector_store %arg7[%parallel_loop3A_170, %parallel_loop3A_171], %broadcast_in_dim3A_5 {strides = array<i32>} : memref<32x2048xi32, #tpu.memory_space<vmem>>, vector<16xi32>,
      %parallel_loop3A_173 = arith.constant 31 : i32
      %parallel_loop3A_174 = arith.index_cast %parallel_loop3A_173 : i32 to index
      %parallel_loop3A_175 = arith.index_cast %parallel_loop3A_48 : i32 to index
      %parallel_loop3A_176 = tpu.vector_load %arg7[%parallel_loop3A_174, %parallel_loop3A_175] {strides = array<i32>} : memref<32x2048xi32, #tpu.memory_space<vmem>>, vector<16xi32>,
      tpu.vector_store %arg7[%parallel_loop3A_174, %parallel_loop3A_175], %broadcast_in_dim3A_5 {strides = array<i32>} : memref<32x2048xi32, #tpu.memory_space<vmem>>, vector<16xi32>,
    } {sc.loop_unroll_factor = 4 : i64, sc.parallel_access}
    %dma_start3A = arith.constant 0 : i32
    %dma_start3A_12 = arith.constant 0 : i32
    %dma_start3A_13 = arith.constant 0 : i32
    %dma_start3A_14 = tpu.memref_slice %arg5[%dma_start3A_12, %dma_start3A_13] : memref<2x2048xi32, #tpu.memory_space<vmem>> -> memref<1x2048xi32, #tpu.memory_space<vmem>>
    %dma_start3A_15 = tpu.memref_squeeze %dma_start3A_14 : memref<1x2048xi32, #tpu.memory_space<vmem>> -> memref<2048xi32, #tpu.memory_space<vmem>>
    %dma_start3A_16 = arith.constant 0 : i32
    %dma_start3A_17 = tpu.memref_slice %arg2[%add3A, %dma_start3A, %dma_start3A_16] : memref<4x8x2048xi32, #tpu.memory_space<hbm>> -> memref<1x1x2048xi32, #tpu.memory_space<hbm>>
    %dma_start3A_18 = tpu.memref_squeeze %dma_start3A_17 : memref<1x1x2048xi32, #tpu.memory_space<hbm>> -> memref<2048xi32, #tpu.memory_space<hbm>>
    %dma_start3A_19 = arith.constant 0 : i32
    %dma_start3A_20 = tpu.memref_slice %arg5[%dma_start3A_12, %dma_start3A_19] : memref<2x2048xi32, #tpu.memory_space<vmem>> -> memref<1x2048xi32, #tpu.memory_space<vmem>>
    %dma_start3A_21 = tpu.memref_squeeze %dma_start3A_20 : memref<1x2048xi32, #tpu.memory_space<vmem>> -> memref<2048xi32, #tpu.memory_space<vmem>>
    %dma_start3A_22 = arith.constant 0 : i32
    %dma_start3A_23 = tpu.memref_slice %arg2[%add3A, %dma_start3A, %dma_start3A_22] : memref<4x8x2048xi32, #tpu.memory_space<hbm>> -> memref<1x1x2048xi32, #tpu.memory_space<hbm>>
    %dma_start3A_24 = tpu.memref_squeeze %dma_start3A_23 : memref<1x1x2048xi32, #tpu.memory_space<hbm>> -> memref<2048xi32, #tpu.memory_space<hbm>>
    tpu.enqueue_dma source(%dma_start3A_24 : memref<2048xi32, #tpu.memory_space<hbm>>) target(%dma_start3A_21 : memref<2048xi32, #tpu.memory_space<vmem>>) target_semaphore(%arg8 : memref<!tpu.dma_semaphore, #tpu.memory_space<semaphore_mem>>)
    %dma_start3A_25 = arith.constant 0 : i32
    %dma_start3A_26 = arith.constant 0 : i32
    %dma_start3A_27 = arith.constant 0 : i32
    %dma_start3A_28 = tpu.memref_slice %arg6[%dma_start3A_26, %dma_start3A_27] : memref<2x2048xi32, #tpu.memory_space<vmem>> -> memref<1x2048xi32, #tpu.memory_space<vmem>>
    %dma_start3A_29 = tpu.memref_squeeze %dma_start3A_28 : memref<1x2048xi32, #tpu.memory_space<vmem>> -> memref<2048xi32, #tpu.memory_space<vmem>>
    %dma_start3A_30 = arith.constant 0 : i32
    %dma_start3A_31 = tpu.memref_slice %arg3[%add3A, %dma_start3A_25, %dma_start3A_30] : memref<4x8x2048xi32, #tpu.memory_space<hbm>> -> memref<1x1x2048xi32, #tpu.memory_space<hbm>>
    %dma_start3A_32 = tpu.memref_squeeze %dma_start3A_31 : memref<1x1x2048xi32, #tpu.memory_space<hbm>> -> memref<2048xi32, #tpu.memory_space<hbm>>
    %dma_start3A_33 = arith.constant 0 : i32
    %dma_start3A_34 = tpu.memref_slice %arg6[%dma_start3A_26, %dma_start3A_33] : memref<2x2048xi32, #tpu.memory_space<vmem>> -> memref<1x2048xi32, #tpu.memory_space<vmem>>
    %dma_start3A_35 = tpu.memref_squeeze %dma_start3A_34 : memref<1x2048xi32, #tpu.memory_space<vmem>> -> memref<2048xi32, #tpu.memory_space<vmem>>
    %dma_start3A_36 = arith.constant 0 : i32
    %dma_start3A_37 = tpu.memref_slice %arg3[%add3A, %dma_start3A_25, %dma_start3A_36] : memref<4x8x2048xi32, #tpu.memory_space<hbm>> -> memref<1x1x2048xi32, #tpu.memory_space<hbm>>
    %dma_start3A_38 = tpu.memref_squeeze %dma_start3A_37 : memref<1x1x2048xi32, #tpu.memory_space<hbm>> -> memref<2048xi32, #tpu.memory_space<hbm>>
    tpu.enqueue_dma source(%dma_start3A_38 : memref<2048xi32, #tpu.memory_space<hbm>>) target(%dma_start3A_35 : memref<2048xi32, #tpu.memory_space<vmem>>) target_semaphore(%arg9 : memref<!tpu.dma_semaphore, #tpu.memory_space<semaphore_mem>>)
    %scan3A = arith.constant 0 : i32
    %scan3A_39 = arith.constant 0 : i32
    %scan3A_40 = arith.constant 4 : i32
    %scan3A_41 = arith.addi %scan3A_39, %scan3A_40 : i32
    %scan3A_42 = arith.constant 1 : i32
    scf.for %scan3A_46 = %scan3A_39 to %scan3A_41 step %scan3A_42  : i32 {
      %mul3A_47 = arith.constant 2 : i32
      %mul3A_48 = arith.muli %mul3A_47, %scan3A_46 : i32
      %add3A_49 = arith.constant 0 : i32
      %add3A_50 = arith.addi %mul3A_48, %add3A_49 : i32
      %dma_wait3A = arith.constant 0 : i32
      %dma_wait3A_51 = arith.constant 0 : i32
      %dma_wait3A_52 = arith.constant 0 : i32
      %dma_wait3A_53 = tpu.memref_slice %arg5[%dma_wait3A_51, %dma_wait3A_52] : memref<2x2048xi32, #tpu.memory_space<vmem>> -> memref<1x2048xi32, #tpu.memory_space<vmem>>
      %dma_wait3A_54 = tpu.memref_squeeze %dma_wait3A_53 : memref<1x2048xi32, #tpu.memory_space<vmem>> -> memref<2048xi32, #tpu.memory_space<vmem>>
      %dma_wait3A_55 = arith.constant 0 : i32
      %dma_wait3A_56 = tpu.memref_slice %arg2[%add3A, %dma_wait3A, %dma_wait3A_55] : memref<4x8x2048xi32, #tpu.memory_space<hbm>> -> memref<1x1x2048xi32, #tpu.memory_space<hbm>>
      %dma_wait3A_57 = tpu.memref_squeeze %dma_wait3A_56 : memref<1x1x2048xi32, #tpu.memory_space<hbm>> -> memref<2048xi32, #tpu.memory_space<hbm>>
      %dma_wait3A_58 = arith.constant 0 : i32
      %dma_wait3A_59 = tpu.memref_slice %arg5[%dma_wait3A_51, %dma_wait3A_58] : memref<2x2048xi32, #tpu.memory_space<vmem>> -> memref<1x2048xi32, #tpu.memory_space<vmem>>
      %dma_wait3A_60 = tpu.memref_squeeze %dma_wait3A_59 : memref<1x2048xi32, #tpu.memory_space<vmem>> -> memref<2048xi32, #tpu.memory_space<vmem>>
      %dma_wait3A_61 = arith.constant 0 : i32
      %dma_wait3A_62 = tpu.memref_slice %arg2[%add3A, %dma_wait3A, %dma_wait3A_61] : memref<4x8x2048xi32, #tpu.memory_space<hbm>> -> memref<1x1x2048xi32, #tpu.memory_space<hbm>>
      %dma_wait3A_63 = tpu.memref_squeeze %dma_wait3A_62 : memref<1x1x2048xi32, #tpu.memory_space<hbm>> -> memref<2048xi32, #tpu.memory_space<hbm>>
      tpu.wait_dma2 semaphore(%arg8 : memref<!tpu.dma_semaphore, #tpu.memory_space<semaphore_mem>>) src(%dma_wait3A_63 : memref<2048xi32, #tpu.memory_space<hbm>>) dst(%dma_wait3A_60 : memref<2048xi32, #tpu.memory_space<vmem>>)
      %dma_wait3A_64 = arith.constant 0 : i32
      %dma_wait3A_65 = arith.constant 0 : i32
      %dma_wait3A_66 = arith.constant 0 : i32
      %dma_wait3A_67 = tpu.memref_slice %arg6[%dma_wait3A_65, %dma_wait3A_66] : memref<2x2048xi32, #tpu.memory_space<vmem>> -> memref<1x2048xi32, #tpu.memory_space<vmem>>
      %dma_wait3A_68 = tpu.memref_squeeze %dma_wait3A_67 : memref<1x2048xi32, #tpu.memory_space<vmem>> -> memref<2048xi32, #tpu.memory_space<vmem>>
      %dma_wait3A_69 = arith.constant 0 : i32
      %dma_wait3A_70 = tpu.memref_slice %arg3[%add3A, %dma_wait3A_64, %dma_wait3A_69] : memref<4x8x2048xi32, #tpu.memory_space<hbm>> -> memref<1x1x2048xi32, #tpu.memory_space<hbm>>
      %dma_wait3A_71 = tpu.memref_squeeze %dma_wait3A_70 : memref<1x1x2048xi32, #tpu.memory_space<hbm>> -> memref<2048xi32, #tpu.memory_space<hbm>>
      %dma_wait3A_72 = arith.constant 0 : i32
      %dma_wait3A_73 = tpu.memref_slice %arg6[%dma_wait3A_65, %dma_wait3A_72] : memref<2x2048xi32, #tpu.memory_space<vmem>> -> memref<1x2048xi32, #tpu.memory_space<vmem>>
      %dma_wait3A_74 = tpu.memref_squeeze %dma_wait3A_73 : memref<1x2048xi32, #tpu.memory_space<vmem>> -> memref<2048xi32, #tpu.memory_space<vmem>>
      %dma_wait3A_75 = arith.constant 0 : i32
      %dma_wait3A_76 = tpu.memref_slice %arg3[%add3A, %dma_wait3A_64, %dma_wait3A_75] : memref<4x8x2048xi32, #tpu.memory_space<hbm>> -> memref<1x1x2048xi32, #tpu.memory_space<hbm>>
      %dma_wait3A_77 = tpu.memref_squeeze %dma_wait3A_76 : memref<1x1x2048xi32, #tpu.memory_space<hbm>> -> memref<2048xi32, #tpu.memory_space<hbm>>
      tpu.wait_dma2 semaphore(%arg9 : memref<!tpu.dma_semaphore, #tpu.memory_space<semaphore_mem>>) src(%dma_wait3A_77 : memref<2048xi32, #tpu.memory_space<hbm>>) dst(%dma_wait3A_74 : memref<2048xi32, #tpu.memory_space<vmem>>)
      %add3A_78 = arith.constant 1 : i32
      %add3A_79 = arith.addi %add3A_50, %add3A_78 : i32
      %lt3A = arith.constant 8 : i32
      %lt3A_80 = arith.cmpi slt, %add3A_79, %lt3A : i32
      %convert_element_type3A = arith.extui %lt3A_80 : i1 to i32
      %cond3A = arith.constant 0 : i32
      %cond3A_81 = arith.cmpi ne, %convert_element_type3A, %cond3A : i32
      scf.if %cond3A_81 {
        %add3A_127 = arith.constant 1 : i32
        %add3A_128 = arith.addi %add3A_50, %add3A_127 : i32
        %dma_start3A_129 = arith.constant 1 : i32
        %dma_start3A_130 = arith.constant 0 : i32
        %dma_start3A_131 = tpu.memref_slice %arg5[%dma_start3A_129, %dma_start3A_130] : memref<2x2048xi32, #tpu.memory_space<vmem>> -> memref<1x2048xi32, #tpu.memory_space<vmem>>
        %dma_start3A_132 = tpu.memref_squeeze %dma_start3A_131 : memref<1x2048xi32, #tpu.memory_space<vmem>> -> memref<2048xi32, #tpu.memory_space<vmem>>
        %dma_start3A_133 = arith.constant 0 : i32
        %dma_start3A_134 = tpu.memref_slice %arg2[%add3A, %add3A_128, %dma_start3A_133] : memref<4x8x2048xi32, #tpu.memory_space<hbm>> -> memref<1x1x2048xi32, #tpu.memory_space<hbm>>
        %dma_start3A_135 = tpu.memref_squeeze %dma_start3A_134 : memref<1x1x2048xi32, #tpu.memory_space<hbm>> -> memref<2048xi32, #tpu.memory_space<hbm>>
        %dma_start3A_136 = arith.constant 0 : i32
        %dma_start3A_137 = tpu.memref_slice %arg5[%dma_start3A_129, %dma_start3A_136] : memref<2x2048xi32, #tpu.memory_space<vmem>> -> memref<1x2048xi32, #tpu.memory_space<vmem>>
        %dma_start3A_138 = tpu.memref_squeeze %dma_start3A_137 : memref<1x2048xi32, #tpu.memory_space<vmem>> -> memref<2048xi32, #tpu.memory_space<vmem>>
        %dma_start3A_139 = arith.constant 0 : i32
        %dma_start3A_140 = tpu.memref_slice %arg2[%add3A, %add3A_128, %dma_start3A_139] : memref<4x8x2048xi32, #tpu.memory_space<hbm>> -> memref<1x1x2048xi32, #tpu.memory_space<hbm>>
        %dma_start3A_141 = tpu.memref_squeeze %dma_start3A_140 : memref<1x1x2048xi32, #tpu.memory_space<hbm>> -> memref<2048xi32, #tpu.memory_space<hbm>>
        tpu.enqueue_dma source(%dma_start3A_141 : memref<2048xi32, #tpu.memory_space<hbm>>) target(%dma_start3A_138 : memref<2048xi32, #tpu.memory_space<vmem>>) target_semaphore(%arg8 : memref<!tpu.dma_semaphore, #tpu.memory_space<semaphore_mem>>)
        %add3A_142 = arith.constant 1 : i32
        %add3A_143 = arith.addi %add3A_50, %add3A_142 : i32
        %dma_start3A_144 = arith.constant 1 : i32
        %dma_start3A_145 = arith.constant 0 : i32
        %dma_start3A_146 = tpu.memref_slice %arg6[%dma_start3A_144, %dma_start3A_145] : memref<2x2048xi32, #tpu.memory_space<vmem>> -> memref<1x2048xi32, #tpu.memory_space<vmem>>
        %dma_start3A_147 = tpu.memref_squeeze %dma_start3A_146 : memref<1x2048xi32, #tpu.memory_space<vmem>> -> memref<2048xi32, #tpu.memory_space<vmem>>
        %dma_start3A_148 = arith.constant 0 : i32
        %dma_start3A_149 = tpu.memref_slice %arg3[%add3A, %add3A_143, %dma_start3A_148] : memref<4x8x2048xi32, #tpu.memory_space<hbm>> -> memref<1x1x2048xi32, #tpu.memory_space<hbm>>
        %dma_start3A_150 = tpu.memref_squeeze %dma_start3A_149 : memref<1x1x2048xi32, #tpu.memory_space<hbm>> -> memref<2048xi32, #tpu.memory_space<hbm>>
        %dma_start3A_151 = arith.constant 0 : i32
        %dma_start3A_152 = tpu.memref_slice %arg6[%dma_start3A_144, %dma_start3A_151] : memref<2x2048xi32, #tpu.memory_space<vmem>> -> memref<1x2048xi32, #tpu.memory_space<vmem>>
        %dma_start3A_153 = tpu.memref_squeeze %dma_start3A_152 : memref<1x2048xi32, #tpu.memory_space<vmem>> -> memref<2048xi32, #tpu.memory_space<vmem>>
        %dma_start3A_154 = arith.constant 0 : i32
        %dma_start3A_155 = tpu.memref_slice %arg3[%add3A, %add3A_143, %dma_start3A_154] : memref<4x8x2048xi32, #tpu.memory_space<hbm>> -> memref<1x1x2048xi32, #tpu.memory_space<hbm>>
        %dma_start3A_156 = tpu.memref_squeeze %dma_start3A_155 : memref<1x1x2048xi32, #tpu.memory_space<hbm>> -> memref<2048xi32, #tpu.memory_space<hbm>>
        tpu.enqueue_dma source(%dma_start3A_156 : memref<2048xi32, #tpu.memory_space<hbm>>) target(%dma_start3A_153 : memref<2048xi32, #tpu.memory_space<vmem>>) target_semaphore(%arg9 : memref<!tpu.dma_semaphore, #tpu.memory_space<semaphore_mem>>)
      } else {
      }
      %parallel_loop3A_82 = arith.constant 0 : i32
      %parallel_loop3A_83 = arith.constant 128 : i32
      %parallel_loop3A_84 = arith.constant 1 : i32
      scf.for %parallel_loop3A_127 = %parallel_loop3A_82 to %parallel_loop3A_83 step %parallel_loop3A_84  : i32 {
        %parallel_loop3A_128 = arith.constant 16 : i32
        %parallel_loop3A_129 = arith.muli %parallel_loop3A_127, %parallel_loop3A_128 : i32
        %parallel_loop3A_130 = arith.constant 0 : i32
        %parallel_loop3A_131 = arith.index_cast %parallel_loop3A_130 : i32 to index
        %parallel_loop3A_132 = arith.index_cast %parallel_loop3A_129 : i32 to index
        %parallel_loop3A_133 = tpu.vector_load %arg6[%parallel_loop3A_131, %parallel_loop3A_132] {strides = array<i32>} : memref<2x2048xi32, #tpu.memory_space<vmem>>, vector<16xi32>,
        %parallel_loop3A_134 = arith.constant 0 : i32
        %parallel_loop3A_135 = arith.index_cast %parallel_loop3A_134 : i32 to index
        %parallel_loop3A_136 = arith.index_cast %parallel_loop3A_129 : i32 to index
        %parallel_loop3A_137 = tpu.vector_load %arg5[%parallel_loop3A_135, %parallel_loop3A_136] {strides = array<i32>} : memref<2x2048xi32, #tpu.memory_space<vmem>>, vector<16xi32>,
        %parallel_loop3A_138 = vector.broadcast %mul3A_4 : i32 to vector<16xi32>
        %parallel_loop3A_139 = arith.subi %parallel_loop3A_133, %parallel_loop3A_138 : vector<16xi32>
        %parallel_loop3A_140 = arith.constant 256 : i32
        %parallel_loop3A_141 = vector.broadcast %parallel_loop3A_140 : i32 to vector<16xi32>
        %parallel_loop3A_142 = arith.cmpi ult, %parallel_loop3A_139, %parallel_loop3A_141 : vector<16xi32>
        %parallel_loop3A_143 = arith.constant 31 : i32
        %parallel_loop3A_144 = vector.broadcast %parallel_loop3A_143 : i32 to vector<16xi32>
        %parallel_loop3A_145 = arith.andi %parallel_loop3A_139, %parallel_loop3A_144 : vector<16xi32>
        %parallel_loop3A_146 = arith.constant 255 : i32
        %parallel_loop3A_147 = vector.broadcast %parallel_loop3A_146 : i32 to vector<16xi32>
        %parallel_loop3A_148 = arith.andi %parallel_loop3A_139, %parallel_loop3A_147 : vector<16xi32>
        %parallel_loop3A_149 = arith.constant 5 : i32
        %parallel_loop3A_150 = vector.broadcast %parallel_loop3A_149 : i32 to vector<16xi32>
        %parallel_loop3A_151 = arith.shrui %parallel_loop3A_148, %parallel_loop3A_150 : vector<16xi32>
        %parallel_loop3A_152 = arith.muli %parallel_loop3A_151, %broadcast_in_dim3A_9 : vector<16xi32>
        %parallel_loop3A_153 = arith.shli %broadcast_in_dim3A_7, %parallel_loop3A_152 : vector<16xi32>
        tpu.vector_store_idx %arg7[%parallel_loop3A_145, %parallel_loop3A_137], %parallel_loop3A_153 masked %parallel_loop3A_142 {add = true} : memref<32x2048xi32, #tpu.memory_space<vmem>>[vector<16xi32>, vector<16xi32>], vector<16xi32>, vector<16xi1>
      } {sc.loop_unroll_factor = 8 : i64, sc.parallel_access}
      %mul3A_85 = arith.constant 2 : i32
      %mul3A_86 = arith.muli %mul3A_85, %scan3A_46 : i32
      %add3A_87 = arith.constant 1 : i32
      %add3A_88 = arith.addi %mul3A_86, %add3A_87 : i32
      %dma_wait3A_89 = arith.constant 0 : i32
      %dma_wait3A_90 = arith.constant 1 : i32
      %dma_wait3A_91 = arith.constant 0 : i32
      %dma_wait3A_92 = tpu.memref_slice %arg5[%dma_wait3A_90, %dma_wait3A_91] : memref<2x2048xi32, #tpu.memory_space<vmem>> -> memref<1x2048xi32, #tpu.memory_space<vmem>>
      %dma_wait3A_93 = tpu.memref_squeeze %dma_wait3A_92 : memref<1x2048xi32, #tpu.memory_space<vmem>> -> memref<2048xi32, #tpu.memory_space<vmem>>
      %dma_wait3A_94 = arith.constant 0 : i32
      %dma_wait3A_95 = tpu.memref_slice %arg2[%add3A, %dma_wait3A_89, %dma_wait3A_94] : memref<4x8x2048xi32, #tpu.memory_space<hbm>> -> memref<1x1x2048xi32, #tpu.memory_space<hbm>>
      %dma_wait3A_96 = tpu.memref_squeeze %dma_wait3A_95 : memref<1x1x2048xi32, #tpu.memory_space<hbm>> -> memref<2048xi32, #tpu.memory_space<hbm>>
      %dma_wait3A_97 = arith.constant 0 : i32
      %dma_wait3A_98 = tpu.memref_slice %arg5[%dma_wait3A_90, %dma_wait3A_97] : memref<2x2048xi32, #tpu.memory_space<vmem>> -> memref<1x2048xi32, #tpu.memory_space<vmem>>
      %dma_wait3A_99 = tpu.memref_squeeze %dma_wait3A_98 : memref<1x2048xi32, #tpu.memory_space<vmem>> -> memref<2048xi32, #tpu.memory_space<vmem>>
      %dma_wait3A_100 = arith.constant 0 : i32
      %dma_wait3A_101 = tpu.memref_slice %arg2[%add3A, %dma_wait3A_89, %dma_wait3A_100] : memref<4x8x2048xi32, #tpu.memory_space<hbm>> -> memref<1x1x2048xi32, #tpu.memory_space<hbm>>
      %dma_wait3A_102 = tpu.memref_squeeze %dma_wait3A_101 : memref<1x1x2048xi32, #tpu.memory_space<hbm>> -> memref<2048xi32, #tpu.memory_space<hbm>>
      tpu.wait_dma2 semaphore(%arg8 : memref<!tpu.dma_semaphore, #tpu.memory_space<semaphore_mem>>) src(%dma_wait3A_102 : memref<2048xi32, #tpu.memory_space<hbm>>) dst(%dma_wait3A_99 : memref<2048xi32, #tpu.memory_space<vmem>>)
      %dma_wait3A_103 = arith.constant 0 : i32
      %dma_wait3A_104 = arith.constant 1 : i32
      %dma_wait3A_105 = arith.constant 0 : i32
      %dma_wait3A_106 = tpu.memref_slice %arg6[%dma_wait3A_104, %dma_wait3A_105] : memref<2x2048xi32, #tpu.memory_space<vmem>> -> memref<1x2048xi32, #tpu.memory_space<vmem>>
      %dma_wait3A_107 = tpu.memref_squeeze %dma_wait3A_106 : memref<1x2048xi32, #tpu.memory_space<vmem>> -> memref<2048xi32, #tpu.memory_space<vmem>>
      %dma_wait3A_108 = arith.constant 0 : i32
      %dma_wait3A_109 = tpu.memref_slice %arg3[%add3A, %dma_wait3A_103, %dma_wait3A_108] : memref<4x8x2048xi32, #tpu.memory_space<hbm>> -> memref<1x1x2048xi32, #tpu.memory_space<hbm>>
      %dma_wait3A_110 = tpu.memref_squeeze %dma_wait3A_109 : memref<1x1x2048xi32, #tpu.memory_space<hbm>> -> memref<2048xi32, #tpu.memory_space<hbm>>
      %dma_wait3A_111 = arith.constant 0 : i32
      %dma_wait3A_112 = tpu.memref_slice %arg6[%dma_wait3A_104, %dma_wait3A_111] : memref<2x2048xi32, #tpu.memory_space<vmem>> -> memref<1x2048xi32, #tpu.memory_space<vmem>>
      %dma_wait3A_113 = tpu.memref_squeeze %dma_wait3A_112 : memref<1x2048xi32, #tpu.memory_space<vmem>> -> memref<2048xi32, #tpu.memory_space<vmem>>
      %dma_wait3A_114 = arith.constant 0 : i32
      %dma_wait3A_115 = tpu.memref_slice %arg3[%add3A, %dma_wait3A_103, %dma_wait3A_114] : memref<4x8x2048xi32, #tpu.memory_space<hbm>> -> memref<1x1x2048xi32, #tpu.memory_space<hbm>>
      %dma_wait3A_116 = tpu.memref_squeeze %dma_wait3A_115 : memref<1x1x2048xi32, #tpu.memory_space<hbm>> -> memref<2048xi32, #tpu.memory_space<hbm>>
      tpu.wait_dma2 semaphore(%arg9 : memref<!tpu.dma_semaphore, #tpu.memory_space<semaphore_mem>>) src(%dma_wait3A_116 : memref<2048xi32, #tpu.memory_space<hbm>>) dst(%dma_wait3A_113 : memref<2048xi32, #tpu.memory_space<vmem>>)
      %add3A_117 = arith.constant 1 : i32
      %add3A_118 = arith.addi %add3A_88, %add3A_117 : i32
      %lt3A_119 = arith.constant 8 : i32
      %lt3A_120 = arith.cmpi slt, %add3A_118, %lt3A_119 : i32
      %convert_element_type3A_121 = arith.extui %lt3A_120 : i1 to i32
      %cond3A_122 = arith.constant 0 : i32
      %cond3A_123 = arith.cmpi ne, %convert_element_type3A_121, %cond3A_122 : i32
      scf.if %cond3A_123 {
        %add3A_127 = arith.constant 1 : i32
        %add3A_128 = arith.addi %add3A_88, %add3A_127 : i32
        %dma_start3A_129 = arith.constant 0 : i32
        %dma_start3A_130 = arith.constant 0 : i32
        %dma_start3A_131 = tpu.memref_slice %arg5[%dma_start3A_129, %dma_start3A_130] : memref<2x2048xi32, #tpu.memory_space<vmem>> -> memref<1x2048xi32, #tpu.memory_space<vmem>>
        %dma_start3A_132 = tpu.memref_squeeze %dma_start3A_131 : memref<1x2048xi32, #tpu.memory_space<vmem>> -> memref<2048xi32, #tpu.memory_space<vmem>>
        %dma_start3A_133 = arith.constant 0 : i32
        %dma_start3A_134 = tpu.memref_slice %arg2[%add3A, %add3A_128, %dma_start3A_133] : memref<4x8x2048xi32, #tpu.memory_space<hbm>> -> memref<1x1x2048xi32, #tpu.memory_space<hbm>>
        %dma_start3A_135 = tpu.memref_squeeze %dma_start3A_134 : memref<1x1x2048xi32, #tpu.memory_space<hbm>> -> memref<2048xi32, #tpu.memory_space<hbm>>
        %dma_start3A_136 = arith.constant 0 : i32
        %dma_start3A_137 = tpu.memref_slice %arg5[%dma_start3A_129, %dma_start3A_136] : memref<2x2048xi32, #tpu.memory_space<vmem>> -> memref<1x2048xi32, #tpu.memory_space<vmem>>
        %dma_start3A_138 = tpu.memref_squeeze %dma_start3A_137 : memref<1x2048xi32, #tpu.memory_space<vmem>> -> memref<2048xi32, #tpu.memory_space<vmem>>
        %dma_start3A_139 = arith.constant 0 : i32
        %dma_start3A_140 = tpu.memref_slice %arg2[%add3A, %add3A_128, %dma_start3A_139] : memref<4x8x2048xi32, #tpu.memory_space<hbm>> -> memref<1x1x2048xi32, #tpu.memory_space<hbm>>
        %dma_start3A_141 = tpu.memref_squeeze %dma_start3A_140 : memref<1x1x2048xi32, #tpu.memory_space<hbm>> -> memref<2048xi32, #tpu.memory_space<hbm>>
        tpu.enqueue_dma source(%dma_start3A_141 : memref<2048xi32, #tpu.memory_space<hbm>>) target(%dma_start3A_138 : memref<2048xi32, #tpu.memory_space<vmem>>) target_semaphore(%arg8 : memref<!tpu.dma_semaphore, #tpu.memory_space<semaphore_mem>>)
        %add3A_142 = arith.constant 1 : i32
        %add3A_143 = arith.addi %add3A_88, %add3A_142 : i32
        %dma_start3A_144 = arith.constant 0 : i32
        %dma_start3A_145 = arith.constant 0 : i32
        %dma_start3A_146 = tpu.memref_slice %arg6[%dma_start3A_144, %dma_start3A_145] : memref<2x2048xi32, #tpu.memory_space<vmem>> -> memref<1x2048xi32, #tpu.memory_space<vmem>>
        %dma_start3A_147 = tpu.memref_squeeze %dma_start3A_146 : memref<1x2048xi32, #tpu.memory_space<vmem>> -> memref<2048xi32, #tpu.memory_space<vmem>>
        %dma_start3A_148 = arith.constant 0 : i32
        %dma_start3A_149 = tpu.memref_slice %arg3[%add3A, %add3A_143, %dma_start3A_148] : memref<4x8x2048xi32, #tpu.memory_space<hbm>> -> memref<1x1x2048xi32, #tpu.memory_space<hbm>>
        %dma_start3A_150 = tpu.memref_squeeze %dma_start3A_149 : memref<1x1x2048xi32, #tpu.memory_space<hbm>> -> memref<2048xi32, #tpu.memory_space<hbm>>
        %dma_start3A_151 = arith.constant 0 : i32
        %dma_start3A_152 = tpu.memref_slice %arg6[%dma_start3A_144, %dma_start3A_151] : memref<2x2048xi32, #tpu.memory_space<vmem>> -> memref<1x2048xi32, #tpu.memory_space<vmem>>
        %dma_start3A_153 = tpu.memref_squeeze %dma_start3A_152 : memref<1x2048xi32, #tpu.memory_space<vmem>> -> memref<2048xi32, #tpu.memory_space<vmem>>
        %dma_start3A_154 = arith.constant 0 : i32
        %dma_start3A_155 = tpu.memref_slice %arg3[%add3A, %add3A_143, %dma_start3A_154] : memref<4x8x2048xi32, #tpu.memory_space<hbm>> -> memref<1x1x2048xi32, #tpu.memory_space<hbm>>
        %dma_start3A_156 = tpu.memref_squeeze %dma_start3A_155 : memref<1x1x2048xi32, #tpu.memory_space<hbm>> -> memref<2048xi32, #tpu.memory_space<hbm>>
        tpu.enqueue_dma source(%dma_start3A_156 : memref<2048xi32, #tpu.memory_space<hbm>>) target(%dma_start3A_153 : memref<2048xi32, #tpu.memory_space<vmem>>) target_semaphore(%arg9 : memref<!tpu.dma_semaphore, #tpu.memory_space<semaphore_mem>>)
      } else {
      }
      %parallel_loop3A_124 = arith.constant 0 : i32
      %parallel_loop3A_125 = arith.constant 128 : i32
      %parallel_loop3A_126 = arith.constant 1 : i32
      scf.for %parallel_loop3A_127 = %parallel_loop3A_124 to %parallel_loop3A_125 step %parallel_loop3A_126  : i32 {
        %parallel_loop3A_128 = arith.constant 16 : i32
        %parallel_loop3A_129 = arith.muli %parallel_loop3A_127, %parallel_loop3A_128 : i32
        %parallel_loop3A_130 = arith.constant 1 : i32
        %parallel_loop3A_131 = arith.index_cast %parallel_loop3A_130 : i32 to index
        %parallel_loop3A_132 = arith.index_cast %parallel_loop3A_129 : i32 to index
        %parallel_loop3A_133 = tpu.vector_load %arg6[%parallel_loop3A_131, %parallel_loop3A_132] {strides = array<i32>} : memref<2x2048xi32, #tpu.memory_space<vmem>>, vector<16xi32>,
        %parallel_loop3A_134 = arith.constant 1 : i32
        %parallel_loop3A_135 = arith.index_cast %parallel_loop3A_134 : i32 to index
        %parallel_loop3A_136 = arith.index_cast %parallel_loop3A_129 : i32 to index
        %parallel_loop3A_137 = tpu.vector_load %arg5[%parallel_loop3A_135, %parallel_loop3A_136] {strides = array<i32>} : memref<2x2048xi32, #tpu.memory_space<vmem>>, vector<16xi32>,
        %parallel_loop3A_138 = vector.broadcast %mul3A_4 : i32 to vector<16xi32>
        %parallel_loop3A_139 = arith.subi %parallel_loop3A_133, %parallel_loop3A_138 : vector<16xi32>
        %parallel_loop3A_140 = arith.constant 256 : i32
        %parallel_loop3A_141 = vector.broadcast %parallel_loop3A_140 : i32 to vector<16xi32>
        %parallel_loop3A_142 = arith.cmpi ult, %parallel_loop3A_139, %parallel_loop3A_141 : vector<16xi32>
        %parallel_loop3A_143 = arith.constant 31 : i32
        %parallel_loop3A_144 = vector.broadcast %parallel_loop3A_143 : i32 to vector<16xi32>
        %parallel_loop3A_145 = arith.andi %parallel_loop3A_139, %parallel_loop3A_144 : vector<16xi32>
        %parallel_loop3A_146 = arith.constant 255 : i32
        %parallel_loop3A_147 = vector.broadcast %parallel_loop3A_146 : i32 to vector<16xi32>
        %parallel_loop3A_148 = arith.andi %parallel_loop3A_139, %parallel_loop3A_147 : vector<16xi32>
        %parallel_loop3A_149 = arith.constant 5 : i32
        %parallel_loop3A_150 = vector.broadcast %parallel_loop3A_149 : i32 to vector<16xi32>
        %parallel_loop3A_151 = arith.shrui %parallel_loop3A_148, %parallel_loop3A_150 : vector<16xi32>
        %parallel_loop3A_152 = arith.muli %parallel_loop3A_151, %broadcast_in_dim3A_9 : vector<16xi32>
        %parallel_loop3A_153 = arith.shli %broadcast_in_dim3A_7, %parallel_loop3A_152 : vector<16xi32>
        tpu.vector_store_idx %arg7[%parallel_loop3A_145, %parallel_loop3A_137], %parallel_loop3A_153 masked %parallel_loop3A_142 {add = true} : memref<32x2048xi32, #tpu.memory_space<vmem>>[vector<16xi32>, vector<16xi32>], vector<16xi32>, vector<16xi1>
      } {sc.loop_unroll_factor = 8 : i64, sc.parallel_access}
    }
    %scan3A_43 = arith.constant 4 : i32
    %mul3A_44 = arith.constant 32 : i32
    %mul3A_45 = arith.muli %rem3A_2, %mul3A_44 : i32
    "tpu.region"() ({
      %run_scoped3A = tpu.sem_alloc : memref<!tpu.dma_semaphore, #tpu.memory_space<semaphore_mem>>
      %dma_start3A_46 = arith.constant 0 : i32
      %dma_start3A_47 = tpu.memref_slice %arg4[%add3A, %mul3A_45, %dma_start3A_46] : memref<4x256x2048xi32, #tpu.memory_space<hbm>> -> memref<1x32x2048xi32, #tpu.memory_space<hbm>>
      %dma_start3A_48 = tpu.memref_squeeze %dma_start3A_47 : memref<1x32x2048xi32, #tpu.memory_space<hbm>> -> memref<32x2048xi32, #tpu.memory_space<hbm>>
      %dma_start3A_49 = arith.constant 0 : i32
      %dma_start3A_50 = tpu.memref_slice %arg4[%add3A, %mul3A_45, %dma_start3A_49] : memref<4x256x2048xi32, #tpu.memory_space<hbm>> -> memref<1x32x2048xi32, #tpu.memory_space<hbm>>
      %dma_start3A_51 = tpu.memref_squeeze %dma_start3A_50 : memref<1x32x2048xi32, #tpu.memory_space<hbm>> -> memref<32x2048xi32, #tpu.memory_space<hbm>>
      tpu.enqueue_dma source(%arg7 : memref<32x2048xi32, #tpu.memory_space<vmem>>) target(%dma_start3A_51 : memref<32x2048xi32, #tpu.memory_space<hbm>>) target_semaphore(%run_scoped3A : memref<!tpu.dma_semaphore, #tpu.memory_space<semaphore_mem>>)
      %dma_wait3A = arith.constant 0 : i32
      %dma_wait3A_52 = tpu.memref_slice %arg4[%add3A, %mul3A_45, %dma_wait3A] : memref<4x256x2048xi32, #tpu.memory_space<hbm>> -> memref<1x32x2048xi32, #tpu.memory_space<hbm>>
      %dma_wait3A_53 = tpu.memref_squeeze %dma_wait3A_52 : memref<1x32x2048xi32, #tpu.memory_space<hbm>> -> memref<32x2048xi32, #tpu.memory_space<hbm>>
      %dma_wait3A_54 = arith.constant 0 : i32
      %dma_wait3A_55 = tpu.memref_slice %arg4[%add3A, %mul3A_45, %dma_wait3A_54] : memref<4x256x2048xi32, #tpu.memory_space<hbm>> -> memref<1x32x2048xi32, #tpu.memory_space<hbm>>
      %dma_wait3A_56 = tpu.memref_squeeze %dma_wait3A_55 : memref<1x32x2048xi32, #tpu.memory_space<hbm>> -> memref<32x2048xi32, #tpu.memory_space<hbm>>
      tpu.wait_dma2 semaphore(%run_scoped3A : memref<!tpu.dma_semaphore, #tpu.memory_space<semaphore_mem>>) src(%arg7 : memref<32x2048xi32, #tpu.memory_space<vmem>>) dst(%dma_wait3A_56 : memref<32x2048xi32, #tpu.memory_space<hbm>>)
      tpu.yield
    }) : () -> ()
    return
  }
}

module attributes {stable_mosaic.version = 14 : i64} {
  func.func @_fused_tc_kernel(%arg0: memref<2048x128xf32, #tpu.memory_space<vmem>>, %arg1: memref<128x128xf32, #tpu.memory_space<vmem>>, %arg2: memref<4x256x2048xi32, #tpu.memory_space<vmem>>, %arg3: memref<128x256xf32, #tpu.memory_space<vmem>>, %arg4: memref<1x256xf32, #tpu.memory_space<vmem>>, %arg5: memref<256x256xf32, #tpu.memory_space<vmem>>, %arg6: memref<1x256xf32, #tpu.memory_space<vmem>>, %arg7: memref<256x256xf32, #tpu.memory_space<vmem>>, %arg8: memref<1x256xf32, #tpu.memory_space<vmem>>, %arg9: memref<256x256xf32, #tpu.memory_space<vmem>>, %arg10: memref<1x256xf32, #tpu.memory_space<vmem>>, %arg11: memref<256x256xf32, #tpu.memory_space<vmem>>, %arg12: memref<1x256xf32, #tpu.memory_space<vmem>>, %arg13: memref<1x256xf32, #tpu.memory_space<vmem>>, %arg14: memref<1x256xf32, #tpu.memory_space<vmem>>, %arg15: memref<256x1xf32, #tpu.memory_space<vmem>>, %arg16: memref<1x1xf32, #tpu.memory_space<vmem>>, %arg17: memref<2048x1xf32, #tpu.memory_space<vmem>>, %arg18: memref<2048x256xf32, #tpu.memory_space<vmem>>, %arg19: memref<1x1xf32, #tpu.memory_space<vmem>>, %arg20: memref<1x1xf32, #tpu.memory_space<vmem>>) attributes {dimension_semantics = [], scalar_prefetch = 0 : i64, scratch_operands = 0 : i64, tpu.core_type = #tpu.core_type<tc>} {
    %get3A = arith.constant 0 : index
    %get3A_0 = arith.constant 0 : index
    %get3A_1 = vector.load %arg0[%get3A, %get3A_0] : memref<2048x128xf32, #tpu.memory_space<vmem>>, vector<2048x128xf32>
    %get3A_2 = arith.constant 0 : index
    %get3A_3 = arith.constant 0 : index
    %get3A_4 = vector.load %arg1[%get3A_2, %get3A_3] : memref<128x128xf32, #tpu.memory_space<vmem>>, vector<128x128xf32>
    %dot_general3A = arith.constant dense<0.000000e+00> : vector<2048x128xf32>
    %dot_general3A_5 = tpu.matmul %get3A_1, %get3A_4, %dot_general3A {dimension_numbers = #tpu.dot_dimension_numbers<[1], [0], [0], [1], [0, 0, 1, 1], [], []>, transpose_lhs_hint = false} : vector<2048x128xf32>, vector<128x128xf32>, vector<2048x128xf32> -> vector<2048x128xf32>
    %get3A_6 = arith.constant 0 : index
    %get3A_7 = arith.constant 0 : index
    %get3A_8 = arith.constant 0 : index
    %get3A_9 = vector.load %arg2[%get3A_6, %get3A_7, %get3A_8] : memref<4x256x2048xi32, #tpu.memory_space<vmem>>, vector<1x256x2048xi32>
    %get3A_10 = vector.shape_cast %get3A_9 : vector<1x256x2048xi32> to vector<256x2048xi32>
    %get3A_11 = arith.constant 1 : index
    %get3A_12 = arith.constant 0 : index
    %get3A_13 = arith.constant 0 : index
    %get3A_14 = vector.load %arg2[%get3A_11, %get3A_12, %get3A_13] : memref<4x256x2048xi32, #tpu.memory_space<vmem>>, vector<1x256x2048xi32>
    %get3A_15 = vector.shape_cast %get3A_14 : vector<1x256x2048xi32> to vector<256x2048xi32>
    %add3A = arith.addi %get3A_10, %get3A_15 : vector<256x2048xi32>
    %get3A_16 = arith.constant 2 : index
    %get3A_17 = arith.constant 0 : index
    %get3A_18 = arith.constant 0 : index
    %get3A_19 = vector.load %arg2[%get3A_16, %get3A_17, %get3A_18] : memref<4x256x2048xi32, #tpu.memory_space<vmem>>, vector<1x256x2048xi32>
    %get3A_20 = vector.shape_cast %get3A_19 : vector<1x256x2048xi32> to vector<256x2048xi32>
    %add3A_21 = arith.addi %add3A, %get3A_20 : vector<256x2048xi32>
    %get3A_22 = arith.constant 3 : index
    %get3A_23 = arith.constant 0 : index
    %get3A_24 = arith.constant 0 : index
    %get3A_25 = vector.load %arg2[%get3A_22, %get3A_23, %get3A_24] : memref<4x256x2048xi32, #tpu.memory_space<vmem>>, vector<1x256x2048xi32>
    %get3A_26 = vector.shape_cast %get3A_25 : vector<1x256x2048xi32> to vector<256x2048xi32>
    %add3A_27 = arith.addi %add3A_21, %get3A_26 : vector<256x2048xi32>
    %reshape3A = vector.shape_cast %add3A_27 : vector<256x2048xi32> to vector<8x32x2048xi32>
    %shift_right_logical3A = arith.constant 0 : i32
    %shift_right_logical3A_28 = vector.broadcast %shift_right_logical3A : i32 to vector<8x32x2048xi32>
    %shift_right_logical3A_29 = arith.shrui %reshape3A, %shift_right_logical3A_28 : vector<8x32x2048xi32>
    %and3A = arith.constant 15 : i32
    %and3A_30 = vector.broadcast %and3A : i32 to vector<8x32x2048xi32>
    %and3A_31 = arith.andi %shift_right_logical3A_29, %and3A_30 : vector<8x32x2048xi32>
    %shift_right_logical3A_32 = arith.constant 4 : i32
    %shift_right_logical3A_33 = vector.broadcast %shift_right_logical3A_32 : i32 to vector<8x32x2048xi32>
    %shift_right_logical3A_34 = arith.shrui %reshape3A, %shift_right_logical3A_33 : vector<8x32x2048xi32>
    %and3A_35 = arith.constant 15 : i32
    %and3A_36 = vector.broadcast %and3A_35 : i32 to vector<8x32x2048xi32>
    %and3A_37 = arith.andi %shift_right_logical3A_34, %and3A_36 : vector<8x32x2048xi32>
    %shift_right_logical3A_38 = arith.constant 8 : i32
    %shift_right_logical3A_39 = vector.broadcast %shift_right_logical3A_38 : i32 to vector<8x32x2048xi32>
    %shift_right_logical3A_40 = arith.shrui %reshape3A, %shift_right_logical3A_39 : vector<8x32x2048xi32>
    %and3A_41 = arith.constant 15 : i32
    %and3A_42 = vector.broadcast %and3A_41 : i32 to vector<8x32x2048xi32>
    %and3A_43 = arith.andi %shift_right_logical3A_40, %and3A_42 : vector<8x32x2048xi32>
    %shift_right_logical3A_44 = arith.constant 12 : i32
    %shift_right_logical3A_45 = vector.broadcast %shift_right_logical3A_44 : i32 to vector<8x32x2048xi32>
    %shift_right_logical3A_46 = arith.shrui %reshape3A, %shift_right_logical3A_45 : vector<8x32x2048xi32>
    %and3A_47 = arith.constant 15 : i32
    %and3A_48 = vector.broadcast %and3A_47 : i32 to vector<8x32x2048xi32>
    %and3A_49 = arith.andi %shift_right_logical3A_46, %and3A_48 : vector<8x32x2048xi32>
    %shift_right_logical3A_50 = arith.constant 16 : i32
    %shift_right_logical3A_51 = vector.broadcast %shift_right_logical3A_50 : i32 to vector<8x32x2048xi32>
    %shift_right_logical3A_52 = arith.shrui %reshape3A, %shift_right_logical3A_51 : vector<8x32x2048xi32>
    %and3A_53 = arith.constant 15 : i32
    %and3A_54 = vector.broadcast %and3A_53 : i32 to vector<8x32x2048xi32>
    %and3A_55 = arith.andi %shift_right_logical3A_52, %and3A_54 : vector<8x32x2048xi32>
    %shift_right_logical3A_56 = arith.constant 20 : i32
    %shift_right_logical3A_57 = vector.broadcast %shift_right_logical3A_56 : i32 to vector<8x32x2048xi32>
    %shift_right_logical3A_58 = arith.shrui %reshape3A, %shift_right_logical3A_57 : vector<8x32x2048xi32>
    %and3A_59 = arith.constant 15 : i32
    %and3A_60 = vector.broadcast %and3A_59 : i32 to vector<8x32x2048xi32>
    %and3A_61 = arith.andi %shift_right_logical3A_58, %and3A_60 : vector<8x32x2048xi32>
    %shift_right_logical3A_62 = arith.constant 24 : i32
    %shift_right_logical3A_63 = vector.broadcast %shift_right_logical3A_62 : i32 to vector<8x32x2048xi32>
    %shift_right_logical3A_64 = arith.shrui %reshape3A, %shift_right_logical3A_63 : vector<8x32x2048xi32>
    %and3A_65 = arith.constant 15 : i32
    %and3A_66 = vector.broadcast %and3A_65 : i32 to vector<8x32x2048xi32>
    %and3A_67 = arith.andi %shift_right_logical3A_64, %and3A_66 : vector<8x32x2048xi32>
    %shift_right_logical3A_68 = arith.constant 28 : i32
    %shift_right_logical3A_69 = vector.broadcast %shift_right_logical3A_68 : i32 to vector<8x32x2048xi32>
    %shift_right_logical3A_70 = arith.shrui %reshape3A, %shift_right_logical3A_69 : vector<8x32x2048xi32>
    %and3A_71 = arith.constant 15 : i32
    %and3A_72 = vector.broadcast %and3A_71 : i32 to vector<8x32x2048xi32>
    %and3A_73 = arith.andi %shift_right_logical3A_70, %and3A_72 : vector<8x32x2048xi32>
    %concatenate3A = tpu.concatenate %and3A_31, %and3A_37, %and3A_43, %and3A_49, %and3A_55, %and3A_61, %and3A_67, %and3A_73 in 1 : vector<8x32x2048xi32>, vector<8x32x2048xi32>, vector<8x32x2048xi32>, vector<8x32x2048xi32>, vector<8x32x2048xi32>, vector<8x32x2048xi32>, vector<8x32x2048xi32>, vector<8x32x2048xi32> -> vector<8x256x2048xi32>
    %reshape3A_74 = vector.shape_cast %concatenate3A : vector<8x256x2048xi32> to vector<2048x2048xi32>
    %convert_element_type3A = arith.sitofp %reshape3A_74 : vector<2048x2048xi32> to vector<2048x2048xf32>
    %dot_general3A_75 = arith.constant dense<0.000000e+00> : vector<2048x128xf32>
    %dot_general3A_76 = tpu.matmul %convert_element_type3A, %dot_general3A_5, %dot_general3A_75 {dimension_numbers = #tpu.dot_dimension_numbers<[1], [0], [0], [1], [0, 0, 1, 1], [], []>, transpose_lhs_hint = false} : vector<2048x2048xf32>, vector<2048x128xf32>, vector<2048x128xf32> -> vector<2048x128xf32>
    %add3A_77 = arith.addf %dot_general3A_5, %dot_general3A_76 : vector<2048x128xf32>
    %get3A_78 = arith.constant 0 : index
    %get3A_79 = arith.constant 0 : index
    %get3A_80 = vector.load %arg3[%get3A_78, %get3A_79] : memref<128x256xf32, #tpu.memory_space<vmem>>, vector<128x256xf32>
    %dot_general3A_81 = arith.constant dense<0.000000e+00> : vector<2048x256xf32>
    %dot_general3A_82 = tpu.matmul %add3A_77, %get3A_80, %dot_general3A_81 {dimension_numbers = #tpu.dot_dimension_numbers<[1], [0], [0], [1], [0, 0, 1, 1], [], []>, transpose_lhs_hint = false} : vector<2048x128xf32>, vector<128x256xf32>, vector<2048x256xf32> -> vector<2048x256xf32>
    %get3A_83 = arith.constant 0 : index
    %get3A_84 = arith.constant 0 : index
    %get3A_85 = vector.load %arg4[%get3A_83, %get3A_84] : memref<1x256xf32, #tpu.memory_space<vmem>>, vector<1x256xf32>
    %add3A_86 = vector.broadcast %get3A_85 : vector<1x256xf32> to vector<2048x256xf32>
    %add3A_87 = arith.addf %dot_general3A_82, %add3A_86 : vector<2048x256xf32>
    %max3A = arith.constant 0.000000e+00 : f32
    %max3A_88 = vector.broadcast %max3A : f32 to vector<2048x256xf32>
    %max3A_89 = arith.maximumf %add3A_87, %max3A_88 : vector<2048x256xf32>
    %get3A_90 = arith.constant 0 : index
    %get3A_91 = arith.constant 0 : index
    %get3A_92 = vector.load %arg5[%get3A_90, %get3A_91] : memref<256x256xf32, #tpu.memory_space<vmem>>, vector<256x256xf32>
    %dot_general3A_93 = arith.constant dense<0.000000e+00> : vector<2048x256xf32>
    %dot_general3A_94 = tpu.matmul %max3A_89, %get3A_92, %dot_general3A_93 {dimension_numbers = #tpu.dot_dimension_numbers<[1], [0], [0], [1], [0, 0, 1, 1], [], []>, transpose_lhs_hint = false} : vector<2048x256xf32>, vector<256x256xf32>, vector<2048x256xf32> -> vector<2048x256xf32>
    %get3A_95 = arith.constant 0 : index
    %get3A_96 = arith.constant 0 : index
    %get3A_97 = vector.load %arg6[%get3A_95, %get3A_96] : memref<1x256xf32, #tpu.memory_space<vmem>>, vector<1x256xf32>
    %add3A_98 = vector.broadcast %get3A_97 : vector<1x256xf32> to vector<2048x256xf32>
    %add3A_99 = arith.addf %dot_general3A_94, %add3A_98 : vector<2048x256xf32>
    %ge3A = arith.constant 0.000000e+00 : f32
    %ge3A_100 = vector.broadcast %ge3A : f32 to vector<2048x256xf32>
    %ge3A_101 = arith.cmpf oge, %add3A_99, %ge3A_100 : vector<2048x256xf32>
    %mul3A = arith.constant 0.00999999977 : f32
    %mul3A_102 = vector.broadcast %mul3A : f32 to vector<2048x256xf32>
    %mul3A_103 = arith.mulf %mul3A_102, %add3A_99 : vector<2048x256xf32>
    %select_n3A = arith.select %ge3A_101, %add3A_99, %mul3A_103 : vector<2048x256xi1>, vector<2048x256xf32>
    %dot_general3A_104 = arith.constant dense<0.000000e+00> : vector<2048x256xf32>
    %dot_general3A_105 = tpu.matmul %convert_element_type3A, %select_n3A, %dot_general3A_104 {dimension_numbers = #tpu.dot_dimension_numbers<[1], [0], [0], [1], [0, 0, 1, 1], [], []>, transpose_lhs_hint = false} : vector<2048x2048xf32>, vector<2048x256xf32>, vector<2048x256xf32> -> vector<2048x256xf32>
    %add3A_106 = arith.addf %select_n3A, %dot_general3A_105 : vector<2048x256xf32>
    %get3A_107 = arith.constant 0 : index
    %get3A_108 = arith.constant 0 : index
    %get3A_109 = vector.load %arg7[%get3A_107, %get3A_108] : memref<256x256xf32, #tpu.memory_space<vmem>>, vector<256x256xf32>
    %dot_general3A_110 = arith.constant dense<0.000000e+00> : vector<2048x256xf32>
    %dot_general3A_111 = tpu.matmul %add3A_106, %get3A_109, %dot_general3A_110 {dimension_numbers = #tpu.dot_dimension_numbers<[1], [0], [0], [1], [0, 0, 1, 1], [], []>, transpose_lhs_hint = false} : vector<2048x256xf32>, vector<256x256xf32>, vector<2048x256xf32> -> vector<2048x256xf32>
    %get3A_112 = arith.constant 0 : index
    %get3A_113 = arith.constant 0 : index
    %get3A_114 = vector.load %arg8[%get3A_112, %get3A_113] : memref<1x256xf32, #tpu.memory_space<vmem>>, vector<1x256xf32>
    %add3A_115 = vector.broadcast %get3A_114 : vector<1x256xf32> to vector<2048x256xf32>
    %add3A_116 = arith.addf %dot_general3A_111, %add3A_115 : vector<2048x256xf32>
    %max3A_117 = arith.constant 0.000000e+00 : f32
    %max3A_118 = vector.broadcast %max3A_117 : f32 to vector<2048x256xf32>
    %max3A_119 = arith.maximumf %add3A_116, %max3A_118 : vector<2048x256xf32>
    %get3A_120 = arith.constant 0 : index
    %get3A_121 = arith.constant 0 : index
    %get3A_122 = vector.load %arg9[%get3A_120, %get3A_121] : memref<256x256xf32, #tpu.memory_space<vmem>>, vector<256x256xf32>
    %dot_general3A_123 = arith.constant dense<0.000000e+00> : vector<2048x256xf32>
    %dot_general3A_124 = tpu.matmul %max3A_119, %get3A_122, %dot_general3A_123 {dimension_numbers = #tpu.dot_dimension_numbers<[1], [0], [0], [1], [0, 0, 1, 1], [], []>, transpose_lhs_hint = false} : vector<2048x256xf32>, vector<256x256xf32>, vector<2048x256xf32> -> vector<2048x256xf32>
    %get3A_125 = arith.constant 0 : index
    %get3A_126 = arith.constant 0 : index
    %get3A_127 = vector.load %arg10[%get3A_125, %get3A_126] : memref<1x256xf32, #tpu.memory_space<vmem>>, vector<1x256xf32>
    %add3A_128 = vector.broadcast %get3A_127 : vector<1x256xf32> to vector<2048x256xf32>
    %add3A_129 = arith.addf %dot_general3A_124, %add3A_128 : vector<2048x256xf32>
    %ge3A_130 = arith.constant 0.000000e+00 : f32
    %ge3A_131 = vector.broadcast %ge3A_130 : f32 to vector<2048x256xf32>
    %ge3A_132 = arith.cmpf oge, %add3A_129, %ge3A_131 : vector<2048x256xf32>
    %mul3A_133 = arith.constant 0.00999999977 : f32
    %mul3A_134 = vector.broadcast %mul3A_133 : f32 to vector<2048x256xf32>
    %mul3A_135 = arith.mulf %mul3A_134, %add3A_129 : vector<2048x256xf32>
    %select_n3A_136 = arith.select %ge3A_132, %add3A_129, %mul3A_135 : vector<2048x256xi1>, vector<2048x256xf32>
    %get3A_137 = arith.constant 0 : index
    %get3A_138 = arith.constant 0 : index
    %get3A_139 = vector.load %arg11[%get3A_137, %get3A_138] : memref<256x256xf32, #tpu.memory_space<vmem>>, vector<256x256xf32>
    %dot_general3A_140 = arith.constant dense<0.000000e+00> : vector<2048x256xf32>
    %dot_general3A_141 = tpu.matmul %select_n3A_136, %get3A_139, %dot_general3A_140 {dimension_numbers = #tpu.dot_dimension_numbers<[1], [0], [0], [1], [0, 0, 1, 1], [], []>, transpose_lhs_hint = false} : vector<2048x256xf32>, vector<256x256xf32>, vector<2048x256xf32> -> vector<2048x256xf32>
    %get3A_142 = arith.constant 0 : index
    %get3A_143 = arith.constant 0 : index
    %get3A_144 = vector.load %arg12[%get3A_142, %get3A_143] : memref<1x256xf32, #tpu.memory_space<vmem>>, vector<1x256xf32>
    %add3A_145 = vector.broadcast %get3A_144 : vector<1x256xf32> to vector<2048x256xf32>
    %add3A_146 = arith.addf %dot_general3A_141, %add3A_145 : vector<2048x256xf32>
    %get3A_147 = arith.constant 0 : index
    %get3A_148 = arith.constant 0 : index
    %get3A_149 = vector.load %arg13[%get3A_147, %get3A_148] : memref<1x256xf32, #tpu.memory_space<vmem>>, vector<1x256xf32>
    %get3A_150 = arith.constant 0 : index
    %get3A_151 = arith.constant 0 : index
    %get3A_152 = vector.load %arg14[%get3A_150, %get3A_151] : memref<1x256xf32, #tpu.memory_space<vmem>>, vector<1x256xf32>
    %slice3A = vector.extract_strided_slice %select_n3A_136 {offsets = [0, 0], sizes = [128, 256], strides = [1, 1]} : vector<2048x256xf32> to vector<128x256xf32>
    %slice3A_153 = vector.extract_strided_slice %add3A_146 {offsets = [0, 0], sizes = [128, 256], strides = [1, 1]} : vector<2048x256xf32> to vector<128x256xf32>
    %reduce_sum3A = arith.constant dense<0.000000e+00> : vector<256xf32>
    %reduce_sum3A_154 = vector.multi_reduction <add>, %slice3A_153, %reduce_sum3A [0] : vector<128x256xf32> to vector<256xf32>
    %broadcast_in_dim3A = vector.shape_cast %reduce_sum3A_154 : vector<256xf32> to vector<1x256xf32>
    %div3A = arith.constant 1.280000e+02 : f32
    %div3A_155 = vector.broadcast %div3A : f32 to vector<1x256xf32>
    %div3A_156 = arith.divf %broadcast_in_dim3A, %div3A_155 : vector<1x256xf32>
    %sub3A = vector.broadcast %div3A_156 : vector<1x256xf32> to vector<128x256xf32>
    %sub3A_157 = arith.subf %slice3A_153, %sub3A : vector<128x256xf32>
    %integer_pow3A = arith.mulf %sub3A_157, %sub3A_157 : vector<128x256xf32>
    %reduce_sum3A_158 = arith.constant dense<0.000000e+00> : vector<256xf32>
    %reduce_sum3A_159 = vector.multi_reduction <add>, %integer_pow3A, %reduce_sum3A_158 [0] : vector<128x256xf32> to vector<256xf32>
    %broadcast_in_dim3A_160 = vector.shape_cast %reduce_sum3A_159 : vector<256xf32> to vector<1x256xf32>
    %div3A_161 = arith.constant 1.280000e+02 : f32
    %div3A_162 = vector.broadcast %div3A_161 : f32 to vector<1x256xf32>
    %div3A_163 = arith.divf %broadcast_in_dim3A_160, %div3A_162 : vector<1x256xf32>
    %sub3A_164 = vector.broadcast %div3A_156 : vector<1x256xf32> to vector<128x256xf32>
    %sub3A_165 = arith.subf %slice3A_153, %sub3A_164 : vector<128x256xf32>
    %add3A_166 = arith.constant 9.99999974E-6 : f32
    %add3A_167 = vector.broadcast %add3A_166 : f32 to vector<1x256xf32>
    %add3A_168 = arith.addf %div3A_163, %add3A_167 : vector<1x256xf32>
    %sqrt3A = math.sqrt %add3A_168 : vector<1x256xf32>
    %div3A_169 = vector.broadcast %sqrt3A : vector<1x256xf32> to vector<128x256xf32>
    %div3A_170 = arith.divf %sub3A_165, %div3A_169 : vector<128x256xf32>
    %mul3A_171 = vector.broadcast %get3A_149 : vector<1x256xf32> to vector<128x256xf32>
    %mul3A_172 = arith.mulf %div3A_170, %mul3A_171 : vector<128x256xf32>
    %add3A_173 = vector.broadcast %get3A_152 : vector<1x256xf32> to vector<128x256xf32>
    %add3A_174 = arith.addf %mul3A_172, %add3A_173 : vector<128x256xf32>
    %max3A_175 = arith.constant 0.000000e+00 : f32
    %max3A_176 = vector.broadcast %max3A_175 : f32 to vector<128x256xf32>
    %max3A_177 = arith.maximumf %add3A_174, %max3A_176 : vector<128x256xf32>
    %get3A_178 = arith.constant 0 : index
    %get3A_179 = arith.constant 0 : index
    %get3A_180 = vector.load %arg15[%get3A_178, %get3A_179] : memref<256x1xf32, #tpu.memory_space<vmem>>, vector<256x1xf32>
    %dot_general3A_181 = arith.constant dense<0.000000e+00> : vector<128x1xf32>
    %dot_general3A_182 = tpu.matmul %max3A_177, %get3A_180, %dot_general3A_181 {dimension_numbers = #tpu.dot_dimension_numbers<[1], [0], [0], [1], [0, 0, 1, 1], [], []>, transpose_lhs_hint = false} : vector<128x256xf32>, vector<256x1xf32>, vector<128x1xf32> -> vector<128x1xf32>
    %get3A_183 = arith.constant 0 : index
    %get3A_184 = arith.constant 0 : index
    %get3A_185 = vector.load %arg16[%get3A_183, %get3A_184] : memref<1x1xf32, #tpu.memory_space<vmem>>, vector<1x1xf32>
    %add3A_186 = vector.broadcast %get3A_185 : vector<1x1xf32> to vector<128x1xf32>
    %add3A_187 = arith.addf %dot_general3A_182, %add3A_186 : vector<128x1xf32>
    %get3A_188 = arith.constant 0 : index
    %get3A_189 = arith.constant 0 : index
    %get3A_190 = vector.load %arg17[%get3A_188, %get3A_189] : memref<2048x1xf32, #tpu.memory_space<vmem>>, vector<128x1xf32>
    %add3A_191 = arith.addf %get3A_190, %add3A_187 : vector<128x1xf32>
    %logistic3A = arith.negf %add3A_191 : vector<128x1xf32>
    %logistic3A_192 = math.exp %logistic3A : vector<128x1xf32>
    %logistic3A_193 = arith.constant 1.000000e+00 : f32
    %logistic3A_194 = vector.broadcast %logistic3A_193 : f32 to vector<128x1xf32>
    %logistic3A_195 = arith.addf %logistic3A_194, %logistic3A_192 : vector<128x1xf32>
    %logistic3A_196 = arith.divf %logistic3A_194, %logistic3A_195 : vector<128x1xf32>
    %sub3A_197 = arith.constant 1.000000e+00 : f32
    %sub3A_198 = vector.broadcast %sub3A_197 : f32 to vector<128x1xf32>
    %sub3A_199 = arith.subf %sub3A_198, %logistic3A_196 : vector<128x1xf32>
    %reduce_sum3A_200 = arith.constant dense<0.000000e+00> : vector<256xf32>
    %reduce_sum3A_201 = vector.multi_reduction <add>, %slice3A, %reduce_sum3A_200 [0] : vector<128x256xf32> to vector<256xf32>
    %broadcast_in_dim3A_202 = vector.shape_cast %reduce_sum3A_201 : vector<256xf32> to vector<1x256xf32>
    %div3A_203 = arith.constant 1.280000e+02 : f32
    %div3A_204 = vector.broadcast %div3A_203 : f32 to vector<1x256xf32>
    %div3A_205 = arith.divf %broadcast_in_dim3A_202, %div3A_204 : vector<1x256xf32>
    %sub3A_206 = vector.broadcast %div3A_205 : vector<1x256xf32> to vector<128x256xf32>
    %sub3A_207 = arith.subf %slice3A, %sub3A_206 : vector<128x256xf32>
    %integer_pow3A_208 = arith.mulf %sub3A_207, %sub3A_207 : vector<128x256xf32>
    %reduce_sum3A_209 = arith.constant dense<0.000000e+00> : vector<256xf32>
    %reduce_sum3A_210 = vector.multi_reduction <add>, %integer_pow3A_208, %reduce_sum3A_209 [0] : vector<128x256xf32> to vector<256xf32>
    %broadcast_in_dim3A_211 = vector.shape_cast %reduce_sum3A_210 : vector<256xf32> to vector<1x256xf32>
    %div3A_212 = arith.constant 1.270000e+02 : f32
    %div3A_213 = vector.broadcast %div3A_212 : f32 to vector<1x256xf32>
    %div3A_214 = arith.divf %broadcast_in_dim3A_211, %div3A_213 : vector<1x256xf32>
    %sqrt3A_215 = math.sqrt %div3A_214 : vector<1x256xf32>
    %mul3A_216 = vector.broadcast %logistic3A_196 : vector<128x1xf32> to vector<128x256xf32>
    %mul3A_217 = arith.mulf %mul3A_216, %slice3A : vector<128x256xf32>
    %mul3A_218 = vector.broadcast %sub3A_199 : vector<128x1xf32> to vector<128x256xf32>
    %mul3A_219 = vector.broadcast %div3A_205 : vector<1x256xf32> to vector<128x256xf32>
    %mul3A_220 = arith.mulf %mul3A_218, %mul3A_219 : vector<128x256xf32>
    %add3A_221 = arith.addf %mul3A_217, %mul3A_220 : vector<128x256xf32>
    %mul3A_222 = vector.broadcast %sub3A_199 : vector<128x1xf32> to vector<128x256xf32>
    %mul3A_223 = vector.broadcast %sqrt3A_215 : vector<1x256xf32> to vector<128x256xf32>
    %mul3A_224 = arith.mulf %mul3A_222, %mul3A_223 : vector<128x256xf32>
    %get3A_225 = arith.constant 0 : index
    %get3A_226 = arith.constant 0 : index
    %get3A_227 = vector.load %arg18[%get3A_225, %get3A_226] : memref<2048x256xf32, #tpu.memory_space<vmem>>, vector<128x256xf32>
    %mul3A_228 = arith.mulf %get3A_227, %mul3A_224 : vector<128x256xf32>
    %add3A_229 = arith.addf %add3A_221, %mul3A_228 : vector<128x256xf32>
    %reduce_sum3A_230 = arith.constant dense<0.000000e+00> : vector<256xf32>
    %reduce_sum3A_231 = vector.multi_reduction <add>, %add3A_229, %reduce_sum3A_230 [0] : vector<128x256xf32> to vector<256xf32>
    %broadcast_in_dim3A_232 = vector.shape_cast %reduce_sum3A_231 : vector<256xf32> to vector<1x256xf32>
    %reduce_sum3A_233 = arith.constant dense<0.000000e+00> : vector<256xf32>
    %reduce_sum3A_234 = vector.multi_reduction <add>, %slice3A, %reduce_sum3A_233 [0] : vector<128x256xf32> to vector<256xf32>
    %broadcast_in_dim3A_235 = vector.shape_cast %reduce_sum3A_234 : vector<256xf32> to vector<1x256xf32>
    %slice3A_236 = vector.extract_strided_slice %select_n3A_136 {offsets = [128, 0], sizes = [128, 256], strides = [1, 1]} : vector<2048x256xf32> to vector<128x256xf32>
    %slice3A_237 = vector.extract_strided_slice %add3A_146 {offsets = [128, 0], sizes = [128, 256], strides = [1, 1]} : vector<2048x256xf32> to vector<128x256xf32>
    %reduce_sum3A_238 = arith.constant dense<0.000000e+00> : vector<256xf32>
    %reduce_sum3A_239 = vector.multi_reduction <add>, %slice3A_237, %reduce_sum3A_238 [0] : vector<128x256xf32> to vector<256xf32>
    %broadcast_in_dim3A_240 = vector.shape_cast %reduce_sum3A_239 : vector<256xf32> to vector<1x256xf32>
    %div3A_241 = arith.constant 1.280000e+02 : f32
    %div3A_242 = vector.broadcast %div3A_241 : f32 to vector<1x256xf32>
    %div3A_243 = arith.divf %broadcast_in_dim3A_240, %div3A_242 : vector<1x256xf32>
    %sub3A_244 = vector.broadcast %div3A_243 : vector<1x256xf32> to vector<128x256xf32>
    %sub3A_245 = arith.subf %slice3A_237, %sub3A_244 : vector<128x256xf32>
    %integer_pow3A_246 = arith.mulf %sub3A_245, %sub3A_245 : vector<128x256xf32>
    %reduce_sum3A_247 = arith.constant dense<0.000000e+00> : vector<256xf32>
    %reduce_sum3A_248 = vector.multi_reduction <add>, %integer_pow3A_246, %reduce_sum3A_247 [0] : vector<128x256xf32> to vector<256xf32>
    %broadcast_in_dim3A_249 = vector.shape_cast %reduce_sum3A_248 : vector<256xf32> to vector<1x256xf32>
    %div3A_250 = arith.constant 1.280000e+02 : f32
    %div3A_251 = vector.broadcast %div3A_250 : f32 to vector<1x256xf32>
    %div3A_252 = arith.divf %broadcast_in_dim3A_249, %div3A_251 : vector<1x256xf32>
    %sub3A_253 = vector.broadcast %div3A_243 : vector<1x256xf32> to vector<128x256xf32>
    %sub3A_254 = arith.subf %slice3A_237, %sub3A_253 : vector<128x256xf32>
    %add3A_255 = arith.constant 9.99999974E-6 : f32
    %add3A_256 = vector.broadcast %add3A_255 : f32 to vector<1x256xf32>
    %add3A_257 = arith.addf %div3A_252, %add3A_256 : vector<1x256xf32>
    %sqrt3A_258 = math.sqrt %add3A_257 : vector<1x256xf32>
    %div3A_259 = vector.broadcast %sqrt3A_258 : vector<1x256xf32> to vector<128x256xf32>
    %div3A_260 = arith.divf %sub3A_254, %div3A_259 : vector<128x256xf32>
    %mul3A_261 = vector.broadcast %get3A_149 : vector<1x256xf32> to vector<128x256xf32>
    %mul3A_262 = arith.mulf %div3A_260, %mul3A_261 : vector<128x256xf32>
    %add3A_263 = vector.broadcast %get3A_152 : vector<1x256xf32> to vector<128x256xf32>
    %add3A_264 = arith.addf %mul3A_262, %add3A_263 : vector<128x256xf32>
    %max3A_265 = arith.constant 0.000000e+00 : f32
    %max3A_266 = vector.broadcast %max3A_265 : f32 to vector<128x256xf32>
    %max3A_267 = arith.maximumf %add3A_264, %max3A_266 : vector<128x256xf32>
    %get3A_268 = arith.constant 0 : index
    %get3A_269 = arith.constant 0 : index
    %get3A_270 = vector.load %arg15[%get3A_268, %get3A_269] : memref<256x1xf32, #tpu.memory_space<vmem>>, vector<256x1xf32>
    %dot_general3A_271 = arith.constant dense<0.000000e+00> : vector<128x1xf32>
    %dot_general3A_272 = tpu.matmul %max3A_267, %get3A_270, %dot_general3A_271 {dimension_numbers = #tpu.dot_dimension_numbers<[1], [0], [0], [1], [0, 0, 1, 1], [], []>, transpose_lhs_hint = false} : vector<128x256xf32>, vector<256x1xf32>, vector<128x1xf32> -> vector<128x1xf32>
    %get3A_273 = arith.constant 0 : index
    %get3A_274 = arith.constant 0 : index
    %get3A_275 = vector.load %arg16[%get3A_273, %get3A_274] : memref<1x1xf32, #tpu.memory_space<vmem>>, vector<1x1xf32>
    %add3A_276 = vector.broadcast %get3A_275 : vector<1x1xf32> to vector<128x1xf32>
    %add3A_277 = arith.addf %dot_general3A_272, %add3A_276 : vector<128x1xf32>
    %get3A_278 = arith.constant 128 : index
    %get3A_279 = arith.constant 0 : index
    %get3A_280 = vector.load %arg17[%get3A_278, %get3A_279] : memref<2048x1xf32, #tpu.memory_space<vmem>>, vector<128x1xf32>
    %add3A_281 = arith.addf %get3A_280, %add3A_277 : vector<128x1xf32>
    %logistic3A_282 = arith.negf %add3A_281 : vector<128x1xf32>
    %logistic3A_283 = math.exp %logistic3A_282 : vector<128x1xf32>
    %logistic3A_284 = arith.constant 1.000000e+00 : f32
    %logistic3A_285 = vector.broadcast %logistic3A_284 : f32 to vector<128x1xf32>
    %logistic3A_286 = arith.addf %logistic3A_285, %logistic3A_283 : vector<128x1xf32>
    %logistic3A_287 = arith.divf %logistic3A_285, %logistic3A_286 : vector<128x1xf32>
    %sub3A_288 = arith.constant 1.000000e+00 : f32
    %sub3A_289 = vector.broadcast %sub3A_288 : f32 to vector<128x1xf32>
    %sub3A_290 = arith.subf %sub3A_289, %logistic3A_287 : vector<128x1xf32>
    %reduce_sum3A_291 = arith.constant dense<0.000000e+00> : vector<256xf32>
    %reduce_sum3A_292 = vector.multi_reduction <add>, %slice3A_236, %reduce_sum3A_291 [0] : vector<128x256xf32> to vector<256xf32>
    %broadcast_in_dim3A_293 = vector.shape_cast %reduce_sum3A_292 : vector<256xf32> to vector<1x256xf32>
    %div3A_294 = arith.constant 1.280000e+02 : f32
    %div3A_295 = vector.broadcast %div3A_294 : f32 to vector<1x256xf32>
    %div3A_296 = arith.divf %broadcast_in_dim3A_293, %div3A_295 : vector<1x256xf32>
    %sub3A_297 = vector.broadcast %div3A_296 : vector<1x256xf32> to vector<128x256xf32>
    %sub3A_298 = arith.subf %slice3A_236, %sub3A_297 : vector<128x256xf32>
    %integer_pow3A_299 = arith.mulf %sub3A_298, %sub3A_298 : vector<128x256xf32>
    %reduce_sum3A_300 = arith.constant dense<0.000000e+00> : vector<256xf32>
    %reduce_sum3A_301 = vector.multi_reduction <add>, %integer_pow3A_299, %reduce_sum3A_300 [0] : vector<128x256xf32> to vector<256xf32>
    %broadcast_in_dim3A_302 = vector.shape_cast %reduce_sum3A_301 : vector<256xf32> to vector<1x256xf32>
    %div3A_303 = arith.constant 1.270000e+02 : f32
    %div3A_304 = vector.broadcast %div3A_303 : f32 to vector<1x256xf32>
    %div3A_305 = arith.divf %broadcast_in_dim3A_302, %div3A_304 : vector<1x256xf32>
    %sqrt3A_306 = math.sqrt %div3A_305 : vector<1x256xf32>
    %mul3A_307 = vector.broadcast %logistic3A_287 : vector<128x1xf32> to vector<128x256xf32>
    %mul3A_308 = arith.mulf %mul3A_307, %slice3A_236 : vector<128x256xf32>
    %mul3A_309 = vector.broadcast %sub3A_290 : vector<128x1xf32> to vector<128x256xf32>
    %mul3A_310 = vector.broadcast %div3A_296 : vector<1x256xf32> to vector<128x256xf32>
    %mul3A_311 = arith.mulf %mul3A_309, %mul3A_310 : vector<128x256xf32>
    %add3A_312 = arith.addf %mul3A_308, %mul3A_311 : vector<128x256xf32>
    %mul3A_313 = vector.broadcast %sub3A_290 : vector<128x1xf32> to vector<128x256xf32>
    %mul3A_314 = vector.broadcast %sqrt3A_306 : vector<1x256xf32> to vector<128x256xf32>
    %mul3A_315 = arith.mulf %mul3A_313, %mul3A_314 : vector<128x256xf32>
    %get3A_316 = arith.constant 128 : index
    %get3A_317 = arith.constant 0 : index
    %get3A_318 = vector.load %arg18[%get3A_316, %get3A_317] : memref<2048x256xf32, #tpu.memory_space<vmem>>, vector<128x256xf32>
    %mul3A_319 = arith.mulf %get3A_318, %mul3A_315 : vector<128x256xf32>
    %add3A_320 = arith.addf %add3A_312, %mul3A_319 : vector<128x256xf32>
    %reduce_sum3A_321 = arith.constant dense<0.000000e+00> : vector<256xf32>
    %reduce_sum3A_322 = vector.multi_reduction <add>, %add3A_320, %reduce_sum3A_321 [0] : vector<128x256xf32> to vector<256xf32>
    %broadcast_in_dim3A_323 = vector.shape_cast %reduce_sum3A_322 : vector<256xf32> to vector<1x256xf32>
    %reduce_sum3A_324 = arith.constant dense<0.000000e+00> : vector<256xf32>
    %reduce_sum3A_325 = vector.multi_reduction <add>, %slice3A_236, %reduce_sum3A_324 [0] : vector<128x256xf32> to vector<256xf32>
    %broadcast_in_dim3A_326 = vector.shape_cast %reduce_sum3A_325 : vector<256xf32> to vector<1x256xf32>
    %slice3A_327 = vector.extract_strided_slice %select_n3A_136 {offsets = [256, 0], sizes = [128, 256], strides = [1, 1]} : vector<2048x256xf32> to vector<128x256xf32>
    %slice3A_328 = vector.extract_strided_slice %add3A_146 {offsets = [256, 0], sizes = [128, 256], strides = [1, 1]} : vector<2048x256xf32> to vector<128x256xf32>
    %reduce_sum3A_329 = arith.constant dense<0.000000e+00> : vector<256xf32>
    %reduce_sum3A_330 = vector.multi_reduction <add>, %slice3A_328, %reduce_sum3A_329 [0] : vector<128x256xf32> to vector<256xf32>
    %broadcast_in_dim3A_331 = vector.shape_cast %reduce_sum3A_330 : vector<256xf32> to vector<1x256xf32>
    %div3A_332 = arith.constant 1.280000e+02 : f32
    %div3A_333 = vector.broadcast %div3A_332 : f32 to vector<1x256xf32>
    %div3A_334 = arith.divf %broadcast_in_dim3A_331, %div3A_333 : vector<1x256xf32>
    %sub3A_335 = vector.broadcast %div3A_334 : vector<1x256xf32> to vector<128x256xf32>
    %sub3A_336 = arith.subf %slice3A_328, %sub3A_335 : vector<128x256xf32>
    %integer_pow3A_337 = arith.mulf %sub3A_336, %sub3A_336 : vector<128x256xf32>
    %reduce_sum3A_338 = arith.constant dense<0.000000e+00> : vector<256xf32>
    %reduce_sum3A_339 = vector.multi_reduction <add>, %integer_pow3A_337, %reduce_sum3A_338 [0] : vector<128x256xf32> to vector<256xf32>
    %broadcast_in_dim3A_340 = vector.shape_cast %reduce_sum3A_339 : vector<256xf32> to vector<1x256xf32>
    %div3A_341 = arith.constant 1.280000e+02 : f32
    %div3A_342 = vector.broadcast %div3A_341 : f32 to vector<1x256xf32>
    %div3A_343 = arith.divf %broadcast_in_dim3A_340, %div3A_342 : vector<1x256xf32>
    %sub3A_344 = vector.broadcast %div3A_334 : vector<1x256xf32> to vector<128x256xf32>
    %sub3A_345 = arith.subf %slice3A_328, %sub3A_344 : vector<128x256xf32>
    %add3A_346 = arith.constant 9.99999974E-6 : f32
    %add3A_347 = vector.broadcast %add3A_346 : f32 to vector<1x256xf32>
    %add3A_348 = arith.addf %div3A_343, %add3A_347 : vector<1x256xf32>
    %sqrt3A_349 = math.sqrt %add3A_348 : vector<1x256xf32>
    %div3A_350 = vector.broadcast %sqrt3A_349 : vector<1x256xf32> to vector<128x256xf32>
    %div3A_351 = arith.divf %sub3A_345, %div3A_350 : vector<128x256xf32>
    %mul3A_352 = vector.broadcast %get3A_149 : vector<1x256xf32> to vector<128x256xf32>
    %mul3A_353 = arith.mulf %div3A_351, %mul3A_352 : vector<128x256xf32>
    %add3A_354 = vector.broadcast %get3A_152 : vector<1x256xf32> to vector<128x256xf32>
    %add3A_355 = arith.addf %mul3A_353, %add3A_354 : vector<128x256xf32>
    %max3A_356 = arith.constant 0.000000e+00 : f32
    %max3A_357 = vector.broadcast %max3A_356 : f32 to vector<128x256xf32>
    %max3A_358 = arith.maximumf %add3A_355, %max3A_357 : vector<128x256xf32>
    %get3A_359 = arith.constant 0 : index
    %get3A_360 = arith.constant 0 : index
    %get3A_361 = vector.load %arg15[%get3A_359, %get3A_360] : memref<256x1xf32, #tpu.memory_space<vmem>>, vector<256x1xf32>
    %dot_general3A_362 = arith.constant dense<0.000000e+00> : vector<128x1xf32>
    %dot_general3A_363 = tpu.matmul %max3A_358, %get3A_361, %dot_general3A_362 {dimension_numbers = #tpu.dot_dimension_numbers<[1], [0], [0], [1], [0, 0, 1, 1], [], []>, transpose_lhs_hint = false} : vector<128x256xf32>, vector<256x1xf32>, vector<128x1xf32> -> vector<128x1xf32>
    %get3A_364 = arith.constant 0 : index
    %get3A_365 = arith.constant 0 : index
    %get3A_366 = vector.load %arg16[%get3A_364, %get3A_365] : memref<1x1xf32, #tpu.memory_space<vmem>>, vector<1x1xf32>
    %add3A_367 = vector.broadcast %get3A_366 : vector<1x1xf32> to vector<128x1xf32>
    %add3A_368 = arith.addf %dot_general3A_363, %add3A_367 : vector<128x1xf32>
    %get3A_369 = arith.constant 256 : index
    %get3A_370 = arith.constant 0 : index
    %get3A_371 = vector.load %arg17[%get3A_369, %get3A_370] : memref<2048x1xf32, #tpu.memory_space<vmem>>, vector<128x1xf32>
    %add3A_372 = arith.addf %get3A_371, %add3A_368 : vector<128x1xf32>
    %logistic3A_373 = arith.negf %add3A_372 : vector<128x1xf32>
    %logistic3A_374 = math.exp %logistic3A_373 : vector<128x1xf32>
    %logistic3A_375 = arith.constant 1.000000e+00 : f32
    %logistic3A_376 = vector.broadcast %logistic3A_375 : f32 to vector<128x1xf32>
    %logistic3A_377 = arith.addf %logistic3A_376, %logistic3A_374 : vector<128x1xf32>
    %logistic3A_378 = arith.divf %logistic3A_376, %logistic3A_377 : vector<128x1xf32>
    %sub3A_379 = arith.constant 1.000000e+00 : f32
    %sub3A_380 = vector.broadcast %sub3A_379 : f32 to vector<128x1xf32>
    %sub3A_381 = arith.subf %sub3A_380, %logistic3A_378 : vector<128x1xf32>
    %reduce_sum3A_382 = arith.constant dense<0.000000e+00> : vector<256xf32>
    %reduce_sum3A_383 = vector.multi_reduction <add>, %slice3A_327, %reduce_sum3A_382 [0] : vector<128x256xf32> to vector<256xf32>
    %broadcast_in_dim3A_384 = vector.shape_cast %reduce_sum3A_383 : vector<256xf32> to vector<1x256xf32>
    %div3A_385 = arith.constant 1.280000e+02 : f32
    %div3A_386 = vector.broadcast %div3A_385 : f32 to vector<1x256xf32>
    %div3A_387 = arith.divf %broadcast_in_dim3A_384, %div3A_386 : vector<1x256xf32>
    %sub3A_388 = vector.broadcast %div3A_387 : vector<1x256xf32> to vector<128x256xf32>
    %sub3A_389 = arith.subf %slice3A_327, %sub3A_388 : vector<128x256xf32>
    %integer_pow3A_390 = arith.mulf %sub3A_389, %sub3A_389 : vector<128x256xf32>
    %reduce_sum3A_391 = arith.constant dense<0.000000e+00> : vector<256xf32>
    %reduce_sum3A_392 = vector.multi_reduction <add>, %integer_pow3A_390, %reduce_sum3A_391 [0] : vector<128x256xf32> to vector<256xf32>
    %broadcast_in_dim3A_393 = vector.shape_cast %reduce_sum3A_392 : vector<256xf32> to vector<1x256xf32>
    %div3A_394 = arith.constant 1.270000e+02 : f32
    %div3A_395 = vector.broadcast %div3A_394 : f32 to vector<1x256xf32>
    %div3A_396 = arith.divf %broadcast_in_dim3A_393, %div3A_395 : vector<1x256xf32>
    %sqrt3A_397 = math.sqrt %div3A_396 : vector<1x256xf32>
    %mul3A_398 = vector.broadcast %logistic3A_378 : vector<128x1xf32> to vector<128x256xf32>
    %mul3A_399 = arith.mulf %mul3A_398, %slice3A_327 : vector<128x256xf32>
    %mul3A_400 = vector.broadcast %sub3A_381 : vector<128x1xf32> to vector<128x256xf32>
    %mul3A_401 = vector.broadcast %div3A_387 : vector<1x256xf32> to vector<128x256xf32>
    %mul3A_402 = arith.mulf %mul3A_400, %mul3A_401 : vector<128x256xf32>
    %add3A_403 = arith.addf %mul3A_399, %mul3A_402 : vector<128x256xf32>
    %mul3A_404 = vector.broadcast %sub3A_381 : vector<128x1xf32> to vector<128x256xf32>
    %mul3A_405 = vector.broadcast %sqrt3A_397 : vector<1x256xf32> to vector<128x256xf32>
    %mul3A_406 = arith.mulf %mul3A_404, %mul3A_405 : vector<128x256xf32>
    %get3A_407 = arith.constant 256 : index
    %get3A_408 = arith.constant 0 : index
    %get3A_409 = vector.load %arg18[%get3A_407, %get3A_408] : memref<2048x256xf32, #tpu.memory_space<vmem>>, vector<128x256xf32>
    %mul3A_410 = arith.mulf %get3A_409, %mul3A_406 : vector<128x256xf32>
    %add3A_411 = arith.addf %add3A_403, %mul3A_410 : vector<128x256xf32>
    %reduce_sum3A_412 = arith.constant dense<0.000000e+00> : vector<256xf32>
    %reduce_sum3A_413 = vector.multi_reduction <add>, %add3A_411, %reduce_sum3A_412 [0] : vector<128x256xf32> to vector<256xf32>
    %broadcast_in_dim3A_414 = vector.shape_cast %reduce_sum3A_413 : vector<256xf32> to vector<1x256xf32>
    %reduce_sum3A_415 = arith.constant dense<0.000000e+00> : vector<256xf32>
    %reduce_sum3A_416 = vector.multi_reduction <add>, %slice3A_327, %reduce_sum3A_415 [0] : vector<128x256xf32> to vector<256xf32>
    %broadcast_in_dim3A_417 = vector.shape_cast %reduce_sum3A_416 : vector<256xf32> to vector<1x256xf32>
    %slice3A_418 = vector.extract_strided_slice %select_n3A_136 {offsets = [384, 0], sizes = [128, 256], strides = [1, 1]} : vector<2048x256xf32> to vector<128x256xf32>
    %slice3A_419 = vector.extract_strided_slice %add3A_146 {offsets = [384, 0], sizes = [128, 256], strides = [1, 1]} : vector<2048x256xf32> to vector<128x256xf32>
    %reduce_sum3A_420 = arith.constant dense<0.000000e+00> : vector<256xf32>
    %reduce_sum3A_421 = vector.multi_reduction <add>, %slice3A_419, %reduce_sum3A_420 [0] : vector<128x256xf32> to vector<256xf32>
    %broadcast_in_dim3A_422 = vector.shape_cast %reduce_sum3A_421 : vector<256xf32> to vector<1x256xf32>
    %div3A_423 = arith.constant 1.280000e+02 : f32
    %div3A_424 = vector.broadcast %div3A_423 : f32 to vector<1x256xf32>
    %div3A_425 = arith.divf %broadcast_in_dim3A_422, %div3A_424 : vector<1x256xf32>
    %sub3A_426 = vector.broadcast %div3A_425 : vector<1x256xf32> to vector<128x256xf32>
    %sub3A_427 = arith.subf %slice3A_419, %sub3A_426 : vector<128x256xf32>
    %integer_pow3A_428 = arith.mulf %sub3A_427, %sub3A_427 : vector<128x256xf32>
    %reduce_sum3A_429 = arith.constant dense<0.000000e+00> : vector<256xf32>
    %reduce_sum3A_430 = vector.multi_reduction <add>, %integer_pow3A_428, %reduce_sum3A_429 [0] : vector<128x256xf32> to vector<256xf32>
    %broadcast_in_dim3A_431 = vector.shape_cast %reduce_sum3A_430 : vector<256xf32> to vector<1x256xf32>
    %div3A_432 = arith.constant 1.280000e+02 : f32
    %div3A_433 = vector.broadcast %div3A_432 : f32 to vector<1x256xf32>
    %div3A_434 = arith.divf %broadcast_in_dim3A_431, %div3A_433 : vector<1x256xf32>
    %sub3A_435 = vector.broadcast %div3A_425 : vector<1x256xf32> to vector<128x256xf32>
    %sub3A_436 = arith.subf %slice3A_419, %sub3A_435 : vector<128x256xf32>
    %add3A_437 = arith.constant 9.99999974E-6 : f32
    %add3A_438 = vector.broadcast %add3A_437 : f32 to vector<1x256xf32>
    %add3A_439 = arith.addf %div3A_434, %add3A_438 : vector<1x256xf32>
    %sqrt3A_440 = math.sqrt %add3A_439 : vector<1x256xf32>
    %div3A_441 = vector.broadcast %sqrt3A_440 : vector<1x256xf32> to vector<128x256xf32>
    %div3A_442 = arith.divf %sub3A_436, %div3A_441 : vector<128x256xf32>
    %mul3A_443 = vector.broadcast %get3A_149 : vector<1x256xf32> to vector<128x256xf32>
    %mul3A_444 = arith.mulf %div3A_442, %mul3A_443 : vector<128x256xf32>
    %add3A_445 = vector.broadcast %get3A_152 : vector<1x256xf32> to vector<128x256xf32>
    %add3A_446 = arith.addf %mul3A_444, %add3A_445 : vector<128x256xf32>
    %max3A_447 = arith.constant 0.000000e+00 : f32
    %max3A_448 = vector.broadcast %max3A_447 : f32 to vector<128x256xf32>
    %max3A_449 = arith.maximumf %add3A_446, %max3A_448 : vector<128x256xf32>
    %get3A_450 = arith.constant 0 : index
    %get3A_451 = arith.constant 0 : index
    %get3A_452 = vector.load %arg15[%get3A_450, %get3A_451] : memref<256x1xf32, #tpu.memory_space<vmem>>, vector<256x1xf32>
    %dot_general3A_453 = arith.constant dense<0.000000e+00> : vector<128x1xf32>
    %dot_general3A_454 = tpu.matmul %max3A_449, %get3A_452, %dot_general3A_453 {dimension_numbers = #tpu.dot_dimension_numbers<[1], [0], [0], [1], [0, 0, 1, 1], [], []>, transpose_lhs_hint = false} : vector<128x256xf32>, vector<256x1xf32>, vector<128x1xf32> -> vector<128x1xf32>
    %get3A_455 = arith.constant 0 : index
    %get3A_456 = arith.constant 0 : index
    %get3A_457 = vector.load %arg16[%get3A_455, %get3A_456] : memref<1x1xf32, #tpu.memory_space<vmem>>, vector<1x1xf32>
    %add3A_458 = vector.broadcast %get3A_457 : vector<1x1xf32> to vector<128x1xf32>
    %add3A_459 = arith.addf %dot_general3A_454, %add3A_458 : vector<128x1xf32>
    %get3A_460 = arith.constant 384 : index
    %get3A_461 = arith.constant 0 : index
    %get3A_462 = vector.load %arg17[%get3A_460, %get3A_461] : memref<2048x1xf32, #tpu.memory_space<vmem>>, vector<128x1xf32>
    %add3A_463 = arith.addf %get3A_462, %add3A_459 : vector<128x1xf32>
    %logistic3A_464 = arith.negf %add3A_463 : vector<128x1xf32>
    %logistic3A_465 = math.exp %logistic3A_464 : vector<128x1xf32>
    %logistic3A_466 = arith.constant 1.000000e+00 : f32
    %logistic3A_467 = vector.broadcast %logistic3A_466 : f32 to vector<128x1xf32>
    %logistic3A_468 = arith.addf %logistic3A_467, %logistic3A_465 : vector<128x1xf32>
    %logistic3A_469 = arith.divf %logistic3A_467, %logistic3A_468 : vector<128x1xf32>
    %sub3A_470 = arith.constant 1.000000e+00 : f32
    %sub3A_471 = vector.broadcast %sub3A_470 : f32 to vector<128x1xf32>
    %sub3A_472 = arith.subf %sub3A_471, %logistic3A_469 : vector<128x1xf32>
    %reduce_sum3A_473 = arith.constant dense<0.000000e+00> : vector<256xf32>
    %reduce_sum3A_474 = vector.multi_reduction <add>, %slice3A_418, %reduce_sum3A_473 [0] : vector<128x256xf32> to vector<256xf32>
    %broadcast_in_dim3A_475 = vector.shape_cast %reduce_sum3A_474 : vector<256xf32> to vector<1x256xf32>
    %div3A_476 = arith.constant 1.280000e+02 : f32
    %div3A_477 = vector.broadcast %div3A_476 : f32 to vector<1x256xf32>
    %div3A_478 = arith.divf %broadcast_in_dim3A_475, %div3A_477 : vector<1x256xf32>
    %sub3A_479 = vector.broadcast %div3A_478 : vector<1x256xf32> to vector<128x256xf32>
    %sub3A_480 = arith.subf %slice3A_418, %sub3A_479 : vector<128x256xf32>
    %integer_pow3A_481 = arith.mulf %sub3A_480, %sub3A_480 : vector<128x256xf32>
    %reduce_sum3A_482 = arith.constant dense<0.000000e+00> : vector<256xf32>
    %reduce_sum3A_483 = vector.multi_reduction <add>, %integer_pow3A_481, %reduce_sum3A_482 [0] : vector<128x256xf32> to vector<256xf32>
    %broadcast_in_dim3A_484 = vector.shape_cast %reduce_sum3A_483 : vector<256xf32> to vector<1x256xf32>
    %div3A_485 = arith.constant 1.270000e+02 : f32
    %div3A_486 = vector.broadcast %div3A_485 : f32 to vector<1x256xf32>
    %div3A_487 = arith.divf %broadcast_in_dim3A_484, %div3A_486 : vector<1x256xf32>
    %sqrt3A_488 = math.sqrt %div3A_487 : vector<1x256xf32>
    %mul3A_489 = vector.broadcast %logistic3A_469 : vector<128x1xf32> to vector<128x256xf32>
    %mul3A_490 = arith.mulf %mul3A_489, %slice3A_418 : vector<128x256xf32>
    %mul3A_491 = vector.broadcast %sub3A_472 : vector<128x1xf32> to vector<128x256xf32>
    %mul3A_492 = vector.broadcast %div3A_478 : vector<1x256xf32> to vector<128x256xf32>
    %mul3A_493 = arith.mulf %mul3A_491, %mul3A_492 : vector<128x256xf32>
    %add3A_494 = arith.addf %mul3A_490, %mul3A_493 : vector<128x256xf32>
    %mul3A_495 = vector.broadcast %sub3A_472 : vector<128x1xf32> to vector<128x256xf32>
    %mul3A_496 = vector.broadcast %sqrt3A_488 : vector<1x256xf32> to vector<128x256xf32>
    %mul3A_497 = arith.mulf %mul3A_495, %mul3A_496 : vector<128x256xf32>
    %get3A_498 = arith.constant 384 : index
    %get3A_499 = arith.constant 0 : index
    %get3A_500 = vector.load %arg18[%get3A_498, %get3A_499] : memref<2048x256xf32, #tpu.memory_space<vmem>>, vector<128x256xf32>
    %mul3A_501 = arith.mulf %get3A_500, %mul3A_497 : vector<128x256xf32>
    %add3A_502 = arith.addf %add3A_494, %mul3A_501 : vector<128x256xf32>
    %reduce_sum3A_503 = arith.constant dense<0.000000e+00> : vector<256xf32>
    %reduce_sum3A_504 = vector.multi_reduction <add>, %add3A_502, %reduce_sum3A_503 [0] : vector<128x256xf32> to vector<256xf32>
    %broadcast_in_dim3A_505 = vector.shape_cast %reduce_sum3A_504 : vector<256xf32> to vector<1x256xf32>
    %reduce_sum3A_506 = arith.constant dense<0.000000e+00> : vector<256xf32>
    %reduce_sum3A_507 = vector.multi_reduction <add>, %slice3A_418, %reduce_sum3A_506 [0] : vector<128x256xf32> to vector<256xf32>
    %broadcast_in_dim3A_508 = vector.shape_cast %reduce_sum3A_507 : vector<256xf32> to vector<1x256xf32>
    %slice3A_509 = vector.extract_strided_slice %select_n3A_136 {offsets = [512, 0], sizes = [128, 256], strides = [1, 1]} : vector<2048x256xf32> to vector<128x256xf32>
    %slice3A_510 = vector.extract_strided_slice %add3A_146 {offsets = [512, 0], sizes = [128, 256], strides = [1, 1]} : vector<2048x256xf32> to vector<128x256xf32>
    %reduce_sum3A_511 = arith.constant dense<0.000000e+00> : vector<256xf32>
    %reduce_sum3A_512 = vector.multi_reduction <add>, %slice3A_510, %reduce_sum3A_511 [0] : vector<128x256xf32> to vector<256xf32>
    %broadcast_in_dim3A_513 = vector.shape_cast %reduce_sum3A_512 : vector<256xf32> to vector<1x256xf32>
    %div3A_514 = arith.constant 1.280000e+02 : f32
    %div3A_515 = vector.broadcast %div3A_514 : f32 to vector<1x256xf32>
    %div3A_516 = arith.divf %broadcast_in_dim3A_513, %div3A_515 : vector<1x256xf32>
    %sub3A_517 = vector.broadcast %div3A_516 : vector<1x256xf32> to vector<128x256xf32>
    %sub3A_518 = arith.subf %slice3A_510, %sub3A_517 : vector<128x256xf32>
    %integer_pow3A_519 = arith.mulf %sub3A_518, %sub3A_518 : vector<128x256xf32>
    %reduce_sum3A_520 = arith.constant dense<0.000000e+00> : vector<256xf32>
    %reduce_sum3A_521 = vector.multi_reduction <add>, %integer_pow3A_519, %reduce_sum3A_520 [0] : vector<128x256xf32> to vector<256xf32>
    %broadcast_in_dim3A_522 = vector.shape_cast %reduce_sum3A_521 : vector<256xf32> to vector<1x256xf32>
    %div3A_523 = arith.constant 1.280000e+02 : f32
    %div3A_524 = vector.broadcast %div3A_523 : f32 to vector<1x256xf32>
    %div3A_525 = arith.divf %broadcast_in_dim3A_522, %div3A_524 : vector<1x256xf32>
    %sub3A_526 = vector.broadcast %div3A_516 : vector<1x256xf32> to vector<128x256xf32>
    %sub3A_527 = arith.subf %slice3A_510, %sub3A_526 : vector<128x256xf32>
    %add3A_528 = arith.constant 9.99999974E-6 : f32
    %add3A_529 = vector.broadcast %add3A_528 : f32 to vector<1x256xf32>
    %add3A_530 = arith.addf %div3A_525, %add3A_529 : vector<1x256xf32>
    %sqrt3A_531 = math.sqrt %add3A_530 : vector<1x256xf32>
    %div3A_532 = vector.broadcast %sqrt3A_531 : vector<1x256xf32> to vector<128x256xf32>
    %div3A_533 = arith.divf %sub3A_527, %div3A_532 : vector<128x256xf32>
    %mul3A_534 = vector.broadcast %get3A_149 : vector<1x256xf32> to vector<128x256xf32>
    %mul3A_535 = arith.mulf %div3A_533, %mul3A_534 : vector<128x256xf32>
    %add3A_536 = vector.broadcast %get3A_152 : vector<1x256xf32> to vector<128x256xf32>
    %add3A_537 = arith.addf %mul3A_535, %add3A_536 : vector<128x256xf32>
    %max3A_538 = arith.constant 0.000000e+00 : f32
    %max3A_539 = vector.broadcast %max3A_538 : f32 to vector<128x256xf32>
    %max3A_540 = arith.maximumf %add3A_537, %max3A_539 : vector<128x256xf32>
    %get3A_541 = arith.constant 0 : index
    %get3A_542 = arith.constant 0 : index
    %get3A_543 = vector.load %arg15[%get3A_541, %get3A_542] : memref<256x1xf32, #tpu.memory_space<vmem>>, vector<256x1xf32>
    %dot_general3A_544 = arith.constant dense<0.000000e+00> : vector<128x1xf32>
    %dot_general3A_545 = tpu.matmul %max3A_540, %get3A_543, %dot_general3A_544 {dimension_numbers = #tpu.dot_dimension_numbers<[1], [0], [0], [1], [0, 0, 1, 1], [], []>, transpose_lhs_hint = false} : vector<128x256xf32>, vector<256x1xf32>, vector<128x1xf32> -> vector<128x1xf32>
    %get3A_546 = arith.constant 0 : index
    %get3A_547 = arith.constant 0 : index
    %get3A_548 = vector.load %arg16[%get3A_546, %get3A_547] : memref<1x1xf32, #tpu.memory_space<vmem>>, vector<1x1xf32>
    %add3A_549 = vector.broadcast %get3A_548 : vector<1x1xf32> to vector<128x1xf32>
    %add3A_550 = arith.addf %dot_general3A_545, %add3A_549 : vector<128x1xf32>
    %get3A_551 = arith.constant 512 : index
    %get3A_552 = arith.constant 0 : index
    %get3A_553 = vector.load %arg17[%get3A_551, %get3A_552] : memref<2048x1xf32, #tpu.memory_space<vmem>>, vector<128x1xf32>
    %add3A_554 = arith.addf %get3A_553, %add3A_550 : vector<128x1xf32>
    %logistic3A_555 = arith.negf %add3A_554 : vector<128x1xf32>
    %logistic3A_556 = math.exp %logistic3A_555 : vector<128x1xf32>
    %logistic3A_557 = arith.constant 1.000000e+00 : f32
    %logistic3A_558 = vector.broadcast %logistic3A_557 : f32 to vector<128x1xf32>
    %logistic3A_559 = arith.addf %logistic3A_558, %logistic3A_556 : vector<128x1xf32>
    %logistic3A_560 = arith.divf %logistic3A_558, %logistic3A_559 : vector<128x1xf32>
    %sub3A_561 = arith.constant 1.000000e+00 : f32
    %sub3A_562 = vector.broadcast %sub3A_561 : f32 to vector<128x1xf32>
    %sub3A_563 = arith.subf %sub3A_562, %logistic3A_560 : vector<128x1xf32>
    %reduce_sum3A_564 = arith.constant dense<0.000000e+00> : vector<256xf32>
    %reduce_sum3A_565 = vector.multi_reduction <add>, %slice3A_509, %reduce_sum3A_564 [0] : vector<128x256xf32> to vector<256xf32>
    %broadcast_in_dim3A_566 = vector.shape_cast %reduce_sum3A_565 : vector<256xf32> to vector<1x256xf32>
    %div3A_567 = arith.constant 1.280000e+02 : f32
    %div3A_568 = vector.broadcast %div3A_567 : f32 to vector<1x256xf32>
    %div3A_569 = arith.divf %broadcast_in_dim3A_566, %div3A_568 : vector<1x256xf32>
    %sub3A_570 = vector.broadcast %div3A_569 : vector<1x256xf32> to vector<128x256xf32>
    %sub3A_571 = arith.subf %slice3A_509, %sub3A_570 : vector<128x256xf32>
    %integer_pow3A_572 = arith.mulf %sub3A_571, %sub3A_571 : vector<128x256xf32>
    %reduce_sum3A_573 = arith.constant dense<0.000000e+00> : vector<256xf32>
    %reduce_sum3A_574 = vector.multi_reduction <add>, %integer_pow3A_572, %reduce_sum3A_573 [0] : vector<128x256xf32> to vector<256xf32>
    %broadcast_in_dim3A_575 = vector.shape_cast %reduce_sum3A_574 : vector<256xf32> to vector<1x256xf32>
    %div3A_576 = arith.constant 1.270000e+02 : f32
    %div3A_577 = vector.broadcast %div3A_576 : f32 to vector<1x256xf32>
    %div3A_578 = arith.divf %broadcast_in_dim3A_575, %div3A_577 : vector<1x256xf32>
    %sqrt3A_579 = math.sqrt %div3A_578 : vector<1x256xf32>
    %mul3A_580 = vector.broadcast %logistic3A_560 : vector<128x1xf32> to vector<128x256xf32>
    %mul3A_581 = arith.mulf %mul3A_580, %slice3A_509 : vector<128x256xf32>
    %mul3A_582 = vector.broadcast %sub3A_563 : vector<128x1xf32> to vector<128x256xf32>
    %mul3A_583 = vector.broadcast %div3A_569 : vector<1x256xf32> to vector<128x256xf32>
    %mul3A_584 = arith.mulf %mul3A_582, %mul3A_583 : vector<128x256xf32>
    %add3A_585 = arith.addf %mul3A_581, %mul3A_584 : vector<128x256xf32>
    %mul3A_586 = vector.broadcast %sub3A_563 : vector<128x1xf32> to vector<128x256xf32>
    %mul3A_587 = vector.broadcast %sqrt3A_579 : vector<1x256xf32> to vector<128x256xf32>
    %mul3A_588 = arith.mulf %mul3A_586, %mul3A_587 : vector<128x256xf32>
    %get3A_589 = arith.constant 512 : index
    %get3A_590 = arith.constant 0 : index
    %get3A_591 = vector.load %arg18[%get3A_589, %get3A_590] : memref<2048x256xf32, #tpu.memory_space<vmem>>, vector<128x256xf32>
    %mul3A_592 = arith.mulf %get3A_591, %mul3A_588 : vector<128x256xf32>
    %add3A_593 = arith.addf %add3A_585, %mul3A_592 : vector<128x256xf32>
    %reduce_sum3A_594 = arith.constant dense<0.000000e+00> : vector<256xf32>
    %reduce_sum3A_595 = vector.multi_reduction <add>, %add3A_593, %reduce_sum3A_594 [0] : vector<128x256xf32> to vector<256xf32>
    %broadcast_in_dim3A_596 = vector.shape_cast %reduce_sum3A_595 : vector<256xf32> to vector<1x256xf32>
    %reduce_sum3A_597 = arith.constant dense<0.000000e+00> : vector<256xf32>
    %reduce_sum3A_598 = vector.multi_reduction <add>, %slice3A_509, %reduce_sum3A_597 [0] : vector<128x256xf32> to vector<256xf32>
    %broadcast_in_dim3A_599 = vector.shape_cast %reduce_sum3A_598 : vector<256xf32> to vector<1x256xf32>
    %slice3A_600 = vector.extract_strided_slice %select_n3A_136 {offsets = [640, 0], sizes = [128, 256], strides = [1, 1]} : vector<2048x256xf32> to vector<128x256xf32>
    %slice3A_601 = vector.extract_strided_slice %add3A_146 {offsets = [640, 0], sizes = [128, 256], strides = [1, 1]} : vector<2048x256xf32> to vector<128x256xf32>
    %reduce_sum3A_602 = arith.constant dense<0.000000e+00> : vector<256xf32>
    %reduce_sum3A_603 = vector.multi_reduction <add>, %slice3A_601, %reduce_sum3A_602 [0] : vector<128x256xf32> to vector<256xf32>
    %broadcast_in_dim3A_604 = vector.shape_cast %reduce_sum3A_603 : vector<256xf32> to vector<1x256xf32>
    %div3A_605 = arith.constant 1.280000e+02 : f32
    %div3A_606 = vector.broadcast %div3A_605 : f32 to vector<1x256xf32>
    %div3A_607 = arith.divf %broadcast_in_dim3A_604, %div3A_606 : vector<1x256xf32>
    %sub3A_608 = vector.broadcast %div3A_607 : vector<1x256xf32> to vector<128x256xf32>
    %sub3A_609 = arith.subf %slice3A_601, %sub3A_608 : vector<128x256xf32>
    %integer_pow3A_610 = arith.mulf %sub3A_609, %sub3A_609 : vector<128x256xf32>
    %reduce_sum3A_611 = arith.constant dense<0.000000e+00> : vector<256xf32>
    %reduce_sum3A_612 = vector.multi_reduction <add>, %integer_pow3A_610, %reduce_sum3A_611 [0] : vector<128x256xf32> to vector<256xf32>
    %broadcast_in_dim3A_613 = vector.shape_cast %reduce_sum3A_612 : vector<256xf32> to vector<1x256xf32>
    %div3A_614 = arith.constant 1.280000e+02 : f32
    %div3A_615 = vector.broadcast %div3A_614 : f32 to vector<1x256xf32>
    %div3A_616 = arith.divf %broadcast_in_dim3A_613, %div3A_615 : vector<1x256xf32>
    %sub3A_617 = vector.broadcast %div3A_607 : vector<1x256xf32> to vector<128x256xf32>
    %sub3A_618 = arith.subf %slice3A_601, %sub3A_617 : vector<128x256xf32>
    %add3A_619 = arith.constant 9.99999974E-6 : f32
    %add3A_620 = vector.broadcast %add3A_619 : f32 to vector<1x256xf32>
    %add3A_621 = arith.addf %div3A_616, %add3A_620 : vector<1x256xf32>
    %sqrt3A_622 = math.sqrt %add3A_621 : vector<1x256xf32>
    %div3A_623 = vector.broadcast %sqrt3A_622 : vector<1x256xf32> to vector<128x256xf32>
    %div3A_624 = arith.divf %sub3A_618, %div3A_623 : vector<128x256xf32>
    %mul3A_625 = vector.broadcast %get3A_149 : vector<1x256xf32> to vector<128x256xf32>
    %mul3A_626 = arith.mulf %div3A_624, %mul3A_625 : vector<128x256xf32>
    %add3A_627 = vector.broadcast %get3A_152 : vector<1x256xf32> to vector<128x256xf32>
    %add3A_628 = arith.addf %mul3A_626, %add3A_627 : vector<128x256xf32>
    %max3A_629 = arith.constant 0.000000e+00 : f32
    %max3A_630 = vector.broadcast %max3A_629 : f32 to vector<128x256xf32>
    %max3A_631 = arith.maximumf %add3A_628, %max3A_630 : vector<128x256xf32>
    %get3A_632 = arith.constant 0 : index
    %get3A_633 = arith.constant 0 : index
    %get3A_634 = vector.load %arg15[%get3A_632, %get3A_633] : memref<256x1xf32, #tpu.memory_space<vmem>>, vector<256x1xf32>
    %dot_general3A_635 = arith.constant dense<0.000000e+00> : vector<128x1xf32>
    %dot_general3A_636 = tpu.matmul %max3A_631, %get3A_634, %dot_general3A_635 {dimension_numbers = #tpu.dot_dimension_numbers<[1], [0], [0], [1], [0, 0, 1, 1], [], []>, transpose_lhs_hint = false} : vector<128x256xf32>, vector<256x1xf32>, vector<128x1xf32> -> vector<128x1xf32>
    %get3A_637 = arith.constant 0 : index
    %get3A_638 = arith.constant 0 : index
    %get3A_639 = vector.load %arg16[%get3A_637, %get3A_638] : memref<1x1xf32, #tpu.memory_space<vmem>>, vector<1x1xf32>
    %add3A_640 = vector.broadcast %get3A_639 : vector<1x1xf32> to vector<128x1xf32>
    %add3A_641 = arith.addf %dot_general3A_636, %add3A_640 : vector<128x1xf32>
    %get3A_642 = arith.constant 640 : index
    %get3A_643 = arith.constant 0 : index
    %get3A_644 = vector.load %arg17[%get3A_642, %get3A_643] : memref<2048x1xf32, #tpu.memory_space<vmem>>, vector<128x1xf32>
    %add3A_645 = arith.addf %get3A_644, %add3A_641 : vector<128x1xf32>
    %logistic3A_646 = arith.negf %add3A_645 : vector<128x1xf32>
    %logistic3A_647 = math.exp %logistic3A_646 : vector<128x1xf32>
    %logistic3A_648 = arith.constant 1.000000e+00 : f32
    %logistic3A_649 = vector.broadcast %logistic3A_648 : f32 to vector<128x1xf32>
    %logistic3A_650 = arith.addf %logistic3A_649, %logistic3A_647 : vector<128x1xf32>
    %logistic3A_651 = arith.divf %logistic3A_649, %logistic3A_650 : vector<128x1xf32>
    %sub3A_652 = arith.constant 1.000000e+00 : f32
    %sub3A_653 = vector.broadcast %sub3A_652 : f32 to vector<128x1xf32>
    %sub3A_654 = arith.subf %sub3A_653, %logistic3A_651 : vector<128x1xf32>
    %reduce_sum3A_655 = arith.constant dense<0.000000e+00> : vector<256xf32>
    %reduce_sum3A_656 = vector.multi_reduction <add>, %slice3A_600, %reduce_sum3A_655 [0] : vector<128x256xf32> to vector<256xf32>
    %broadcast_in_dim3A_657 = vector.shape_cast %reduce_sum3A_656 : vector<256xf32> to vector<1x256xf32>
    %div3A_658 = arith.constant 1.280000e+02 : f32
    %div3A_659 = vector.broadcast %div3A_658 : f32 to vector<1x256xf32>
    %div3A_660 = arith.divf %broadcast_in_dim3A_657, %div3A_659 : vector<1x256xf32>
    %sub3A_661 = vector.broadcast %div3A_660 : vector<1x256xf32> to vector<128x256xf32>
    %sub3A_662 = arith.subf %slice3A_600, %sub3A_661 : vector<128x256xf32>
    %integer_pow3A_663 = arith.mulf %sub3A_662, %sub3A_662 : vector<128x256xf32>
    %reduce_sum3A_664 = arith.constant dense<0.000000e+00> : vector<256xf32>
    %reduce_sum3A_665 = vector.multi_reduction <add>, %integer_pow3A_663, %reduce_sum3A_664 [0] : vector<128x256xf32> to vector<256xf32>
    %broadcast_in_dim3A_666 = vector.shape_cast %reduce_sum3A_665 : vector<256xf32> to vector<1x256xf32>
    %div3A_667 = arith.constant 1.270000e+02 : f32
    %div3A_668 = vector.broadcast %div3A_667 : f32 to vector<1x256xf32>
    %div3A_669 = arith.divf %broadcast_in_dim3A_666, %div3A_668 : vector<1x256xf32>
    %sqrt3A_670 = math.sqrt %div3A_669 : vector<1x256xf32>
    %mul3A_671 = vector.broadcast %logistic3A_651 : vector<128x1xf32> to vector<128x256xf32>
    %mul3A_672 = arith.mulf %mul3A_671, %slice3A_600 : vector<128x256xf32>
    %mul3A_673 = vector.broadcast %sub3A_654 : vector<128x1xf32> to vector<128x256xf32>
    %mul3A_674 = vector.broadcast %div3A_660 : vector<1x256xf32> to vector<128x256xf32>
    %mul3A_675 = arith.mulf %mul3A_673, %mul3A_674 : vector<128x256xf32>
    %add3A_676 = arith.addf %mul3A_672, %mul3A_675 : vector<128x256xf32>
    %mul3A_677 = vector.broadcast %sub3A_654 : vector<128x1xf32> to vector<128x256xf32>
    %mul3A_678 = vector.broadcast %sqrt3A_670 : vector<1x256xf32> to vector<128x256xf32>
    %mul3A_679 = arith.mulf %mul3A_677, %mul3A_678 : vector<128x256xf32>
    %get3A_680 = arith.constant 640 : index
    %get3A_681 = arith.constant 0 : index
    %get3A_682 = vector.load %arg18[%get3A_680, %get3A_681] : memref<2048x256xf32, #tpu.memory_space<vmem>>, vector<128x256xf32>
    %mul3A_683 = arith.mulf %get3A_682, %mul3A_679 : vector<128x256xf32>
    %add3A_684 = arith.addf %add3A_676, %mul3A_683 : vector<128x256xf32>
    %reduce_sum3A_685 = arith.constant dense<0.000000e+00> : vector<256xf32>
    %reduce_sum3A_686 = vector.multi_reduction <add>, %add3A_684, %reduce_sum3A_685 [0] : vector<128x256xf32> to vector<256xf32>
    %broadcast_in_dim3A_687 = vector.shape_cast %reduce_sum3A_686 : vector<256xf32> to vector<1x256xf32>
    %reduce_sum3A_688 = arith.constant dense<0.000000e+00> : vector<256xf32>
    %reduce_sum3A_689 = vector.multi_reduction <add>, %slice3A_600, %reduce_sum3A_688 [0] : vector<128x256xf32> to vector<256xf32>
    %broadcast_in_dim3A_690 = vector.shape_cast %reduce_sum3A_689 : vector<256xf32> to vector<1x256xf32>
    %slice3A_691 = vector.extract_strided_slice %select_n3A_136 {offsets = [768, 0], sizes = [128, 256], strides = [1, 1]} : vector<2048x256xf32> to vector<128x256xf32>
    %slice3A_692 = vector.extract_strided_slice %add3A_146 {offsets = [768, 0], sizes = [128, 256], strides = [1, 1]} : vector<2048x256xf32> to vector<128x256xf32>
    %reduce_sum3A_693 = arith.constant dense<0.000000e+00> : vector<256xf32>
    %reduce_sum3A_694 = vector.multi_reduction <add>, %slice3A_692, %reduce_sum3A_693 [0] : vector<128x256xf32> to vector<256xf32>
    %broadcast_in_dim3A_695 = vector.shape_cast %reduce_sum3A_694 : vector<256xf32> to vector<1x256xf32>
    %div3A_696 = arith.constant 1.280000e+02 : f32
    %div3A_697 = vector.broadcast %div3A_696 : f32 to vector<1x256xf32>
    %div3A_698 = arith.divf %broadcast_in_dim3A_695, %div3A_697 : vector<1x256xf32>
    %sub3A_699 = vector.broadcast %div3A_698 : vector<1x256xf32> to vector<128x256xf32>
    %sub3A_700 = arith.subf %slice3A_692, %sub3A_699 : vector<128x256xf32>
    %integer_pow3A_701 = arith.mulf %sub3A_700, %sub3A_700 : vector<128x256xf32>
    %reduce_sum3A_702 = arith.constant dense<0.000000e+00> : vector<256xf32>
    %reduce_sum3A_703 = vector.multi_reduction <add>, %integer_pow3A_701, %reduce_sum3A_702 [0] : vector<128x256xf32> to vector<256xf32>
    %broadcast_in_dim3A_704 = vector.shape_cast %reduce_sum3A_703 : vector<256xf32> to vector<1x256xf32>
    %div3A_705 = arith.constant 1.280000e+02 : f32
    %div3A_706 = vector.broadcast %div3A_705 : f32 to vector<1x256xf32>
    %div3A_707 = arith.divf %broadcast_in_dim3A_704, %div3A_706 : vector<1x256xf32>
    %sub3A_708 = vector.broadcast %div3A_698 : vector<1x256xf32> to vector<128x256xf32>
    %sub3A_709 = arith.subf %slice3A_692, %sub3A_708 : vector<128x256xf32>
    %add3A_710 = arith.constant 9.99999974E-6 : f32
    %add3A_711 = vector.broadcast %add3A_710 : f32 to vector<1x256xf32>
    %add3A_712 = arith.addf %div3A_707, %add3A_711 : vector<1x256xf32>
    %sqrt3A_713 = math.sqrt %add3A_712 : vector<1x256xf32>
    %div3A_714 = vector.broadcast %sqrt3A_713 : vector<1x256xf32> to vector<128x256xf32>
    %div3A_715 = arith.divf %sub3A_709, %div3A_714 : vector<128x256xf32>
    %mul3A_716 = vector.broadcast %get3A_149 : vector<1x256xf32> to vector<128x256xf32>
    %mul3A_717 = arith.mulf %div3A_715, %mul3A_716 : vector<128x256xf32>
    %add3A_718 = vector.broadcast %get3A_152 : vector<1x256xf32> to vector<128x256xf32>
    %add3A_719 = arith.addf %mul3A_717, %add3A_718 : vector<128x256xf32>
    %max3A_720 = arith.constant 0.000000e+00 : f32
    %max3A_721 = vector.broadcast %max3A_720 : f32 to vector<128x256xf32>
    %max3A_722 = arith.maximumf %add3A_719, %max3A_721 : vector<128x256xf32>
    %get3A_723 = arith.constant 0 : index
    %get3A_724 = arith.constant 0 : index
    %get3A_725 = vector.load %arg15[%get3A_723, %get3A_724] : memref<256x1xf32, #tpu.memory_space<vmem>>, vector<256x1xf32>
    %dot_general3A_726 = arith.constant dense<0.000000e+00> : vector<128x1xf32>
    %dot_general3A_727 = tpu.matmul %max3A_722, %get3A_725, %dot_general3A_726 {dimension_numbers = #tpu.dot_dimension_numbers<[1], [0], [0], [1], [0, 0, 1, 1], [], []>, transpose_lhs_hint = false} : vector<128x256xf32>, vector<256x1xf32>, vector<128x1xf32> -> vector<128x1xf32>
    %get3A_728 = arith.constant 0 : index
    %get3A_729 = arith.constant 0 : index
    %get3A_730 = vector.load %arg16[%get3A_728, %get3A_729] : memref<1x1xf32, #tpu.memory_space<vmem>>, vector<1x1xf32>
    %add3A_731 = vector.broadcast %get3A_730 : vector<1x1xf32> to vector<128x1xf32>
    %add3A_732 = arith.addf %dot_general3A_727, %add3A_731 : vector<128x1xf32>
    %get3A_733 = arith.constant 768 : index
    %get3A_734 = arith.constant 0 : index
    %get3A_735 = vector.load %arg17[%get3A_733, %get3A_734] : memref<2048x1xf32, #tpu.memory_space<vmem>>, vector<128x1xf32>
    %add3A_736 = arith.addf %get3A_735, %add3A_732 : vector<128x1xf32>
    %logistic3A_737 = arith.negf %add3A_736 : vector<128x1xf32>
    %logistic3A_738 = math.exp %logistic3A_737 : vector<128x1xf32>
    %logistic3A_739 = arith.constant 1.000000e+00 : f32
    %logistic3A_740 = vector.broadcast %logistic3A_739 : f32 to vector<128x1xf32>
    %logistic3A_741 = arith.addf %logistic3A_740, %logistic3A_738 : vector<128x1xf32>
    %logistic3A_742 = arith.divf %logistic3A_740, %logistic3A_741 : vector<128x1xf32>
    %sub3A_743 = arith.constant 1.000000e+00 : f32
    %sub3A_744 = vector.broadcast %sub3A_743 : f32 to vector<128x1xf32>
    %sub3A_745 = arith.subf %sub3A_744, %logistic3A_742 : vector<128x1xf32>
    %reduce_sum3A_746 = arith.constant dense<0.000000e+00> : vector<256xf32>
    %reduce_sum3A_747 = vector.multi_reduction <add>, %slice3A_691, %reduce_sum3A_746 [0] : vector<128x256xf32> to vector<256xf32>
    %broadcast_in_dim3A_748 = vector.shape_cast %reduce_sum3A_747 : vector<256xf32> to vector<1x256xf32>
    %div3A_749 = arith.constant 1.280000e+02 : f32
    %div3A_750 = vector.broadcast %div3A_749 : f32 to vector<1x256xf32>
    %div3A_751 = arith.divf %broadcast_in_dim3A_748, %div3A_750 : vector<1x256xf32>
    %sub3A_752 = vector.broadcast %div3A_751 : vector<1x256xf32> to vector<128x256xf32>
    %sub3A_753 = arith.subf %slice3A_691, %sub3A_752 : vector<128x256xf32>
    %integer_pow3A_754 = arith.mulf %sub3A_753, %sub3A_753 : vector<128x256xf32>
    %reduce_sum3A_755 = arith.constant dense<0.000000e+00> : vector<256xf32>
    %reduce_sum3A_756 = vector.multi_reduction <add>, %integer_pow3A_754, %reduce_sum3A_755 [0] : vector<128x256xf32> to vector<256xf32>
    %broadcast_in_dim3A_757 = vector.shape_cast %reduce_sum3A_756 : vector<256xf32> to vector<1x256xf32>
    %div3A_758 = arith.constant 1.270000e+02 : f32
    %div3A_759 = vector.broadcast %div3A_758 : f32 to vector<1x256xf32>
    %div3A_760 = arith.divf %broadcast_in_dim3A_757, %div3A_759 : vector<1x256xf32>
    %sqrt3A_761 = math.sqrt %div3A_760 : vector<1x256xf32>
    %mul3A_762 = vector.broadcast %logistic3A_742 : vector<128x1xf32> to vector<128x256xf32>
    %mul3A_763 = arith.mulf %mul3A_762, %slice3A_691 : vector<128x256xf32>
    %mul3A_764 = vector.broadcast %sub3A_745 : vector<128x1xf32> to vector<128x256xf32>
    %mul3A_765 = vector.broadcast %div3A_751 : vector<1x256xf32> to vector<128x256xf32>
    %mul3A_766 = arith.mulf %mul3A_764, %mul3A_765 : vector<128x256xf32>
    %add3A_767 = arith.addf %mul3A_763, %mul3A_766 : vector<128x256xf32>
    %mul3A_768 = vector.broadcast %sub3A_745 : vector<128x1xf32> to vector<128x256xf32>
    %mul3A_769 = vector.broadcast %sqrt3A_761 : vector<1x256xf32> to vector<128x256xf32>
    %mul3A_770 = arith.mulf %mul3A_768, %mul3A_769 : vector<128x256xf32>
    %get3A_771 = arith.constant 768 : index
    %get3A_772 = arith.constant 0 : index
    %get3A_773 = vector.load %arg18[%get3A_771, %get3A_772] : memref<2048x256xf32, #tpu.memory_space<vmem>>, vector<128x256xf32>
    %mul3A_774 = arith.mulf %get3A_773, %mul3A_770 : vector<128x256xf32>
    %add3A_775 = arith.addf %add3A_767, %mul3A_774 : vector<128x256xf32>
    %reduce_sum3A_776 = arith.constant dense<0.000000e+00> : vector<256xf32>
    %reduce_sum3A_777 = vector.multi_reduction <add>, %add3A_775, %reduce_sum3A_776 [0] : vector<128x256xf32> to vector<256xf32>
    %broadcast_in_dim3A_778 = vector.shape_cast %reduce_sum3A_777 : vector<256xf32> to vector<1x256xf32>
    %reduce_sum3A_779 = arith.constant dense<0.000000e+00> : vector<256xf32>
    %reduce_sum3A_780 = vector.multi_reduction <add>, %slice3A_691, %reduce_sum3A_779 [0] : vector<128x256xf32> to vector<256xf32>
    %broadcast_in_dim3A_781 = vector.shape_cast %reduce_sum3A_780 : vector<256xf32> to vector<1x256xf32>
    %slice3A_782 = vector.extract_strided_slice %select_n3A_136 {offsets = [896, 0], sizes = [128, 256], strides = [1, 1]} : vector<2048x256xf32> to vector<128x256xf32>
    %slice3A_783 = vector.extract_strided_slice %add3A_146 {offsets = [896, 0], sizes = [128, 256], strides = [1, 1]} : vector<2048x256xf32> to vector<128x256xf32>
    %reduce_sum3A_784 = arith.constant dense<0.000000e+00> : vector<256xf32>
    %reduce_sum3A_785 = vector.multi_reduction <add>, %slice3A_783, %reduce_sum3A_784 [0] : vector<128x256xf32> to vector<256xf32>
    %broadcast_in_dim3A_786 = vector.shape_cast %reduce_sum3A_785 : vector<256xf32> to vector<1x256xf32>
    %div3A_787 = arith.constant 1.280000e+02 : f32
    %div3A_788 = vector.broadcast %div3A_787 : f32 to vector<1x256xf32>
    %div3A_789 = arith.divf %broadcast_in_dim3A_786, %div3A_788 : vector<1x256xf32>
    %sub3A_790 = vector.broadcast %div3A_789 : vector<1x256xf32> to vector<128x256xf32>
    %sub3A_791 = arith.subf %slice3A_783, %sub3A_790 : vector<128x256xf32>
    %integer_pow3A_792 = arith.mulf %sub3A_791, %sub3A_791 : vector<128x256xf32>
    %reduce_sum3A_793 = arith.constant dense<0.000000e+00> : vector<256xf32>
    %reduce_sum3A_794 = vector.multi_reduction <add>, %integer_pow3A_792, %reduce_sum3A_793 [0] : vector<128x256xf32> to vector<256xf32>
    %broadcast_in_dim3A_795 = vector.shape_cast %reduce_sum3A_794 : vector<256xf32> to vector<1x256xf32>
    %div3A_796 = arith.constant 1.280000e+02 : f32
    %div3A_797 = vector.broadcast %div3A_796 : f32 to vector<1x256xf32>
    %div3A_798 = arith.divf %broadcast_in_dim3A_795, %div3A_797 : vector<1x256xf32>
    %sub3A_799 = vector.broadcast %div3A_789 : vector<1x256xf32> to vector<128x256xf32>
    %sub3A_800 = arith.subf %slice3A_783, %sub3A_799 : vector<128x256xf32>
    %add3A_801 = arith.constant 9.99999974E-6 : f32
    %add3A_802 = vector.broadcast %add3A_801 : f32 to vector<1x256xf32>
    %add3A_803 = arith.addf %div3A_798, %add3A_802 : vector<1x256xf32>
    %sqrt3A_804 = math.sqrt %add3A_803 : vector<1x256xf32>
    %div3A_805 = vector.broadcast %sqrt3A_804 : vector<1x256xf32> to vector<128x256xf32>
    %div3A_806 = arith.divf %sub3A_800, %div3A_805 : vector<128x256xf32>
    %mul3A_807 = vector.broadcast %get3A_149 : vector<1x256xf32> to vector<128x256xf32>
    %mul3A_808 = arith.mulf %div3A_806, %mul3A_807 : vector<128x256xf32>
    %add3A_809 = vector.broadcast %get3A_152 : vector<1x256xf32> to vector<128x256xf32>
    %add3A_810 = arith.addf %mul3A_808, %add3A_809 : vector<128x256xf32>
    %max3A_811 = arith.constant 0.000000e+00 : f32
    %max3A_812 = vector.broadcast %max3A_811 : f32 to vector<128x256xf32>
    %max3A_813 = arith.maximumf %add3A_810, %max3A_812 : vector<128x256xf32>
    %get3A_814 = arith.constant 0 : index
    %get3A_815 = arith.constant 0 : index
    %get3A_816 = vector.load %arg15[%get3A_814, %get3A_815] : memref<256x1xf32, #tpu.memory_space<vmem>>, vector<256x1xf32>
    %dot_general3A_817 = arith.constant dense<0.000000e+00> : vector<128x1xf32>
    %dot_general3A_818 = tpu.matmul %max3A_813, %get3A_816, %dot_general3A_817 {dimension_numbers = #tpu.dot_dimension_numbers<[1], [0], [0], [1], [0, 0, 1, 1], [], []>, transpose_lhs_hint = false} : vector<128x256xf32>, vector<256x1xf32>, vector<128x1xf32> -> vector<128x1xf32>
    %get3A_819 = arith.constant 0 : index
    %get3A_820 = arith.constant 0 : index
    %get3A_821 = vector.load %arg16[%get3A_819, %get3A_820] : memref<1x1xf32, #tpu.memory_space<vmem>>, vector<1x1xf32>
    %add3A_822 = vector.broadcast %get3A_821 : vector<1x1xf32> to vector<128x1xf32>
    %add3A_823 = arith.addf %dot_general3A_818, %add3A_822 : vector<128x1xf32>
    %get3A_824 = arith.constant 896 : index
    %get3A_825 = arith.constant 0 : index
    %get3A_826 = vector.load %arg17[%get3A_824, %get3A_825] : memref<2048x1xf32, #tpu.memory_space<vmem>>, vector<128x1xf32>
    %add3A_827 = arith.addf %get3A_826, %add3A_823 : vector<128x1xf32>
    %logistic3A_828 = arith.negf %add3A_827 : vector<128x1xf32>
    %logistic3A_829 = math.exp %logistic3A_828 : vector<128x1xf32>
    %logistic3A_830 = arith.constant 1.000000e+00 : f32
    %logistic3A_831 = vector.broadcast %logistic3A_830 : f32 to vector<128x1xf32>
    %logistic3A_832 = arith.addf %logistic3A_831, %logistic3A_829 : vector<128x1xf32>
    %logistic3A_833 = arith.divf %logistic3A_831, %logistic3A_832 : vector<128x1xf32>
    %sub3A_834 = arith.constant 1.000000e+00 : f32
    %sub3A_835 = vector.broadcast %sub3A_834 : f32 to vector<128x1xf32>
    %sub3A_836 = arith.subf %sub3A_835, %logistic3A_833 : vector<128x1xf32>
    %reduce_sum3A_837 = arith.constant dense<0.000000e+00> : vector<256xf32>
    %reduce_sum3A_838 = vector.multi_reduction <add>, %slice3A_782, %reduce_sum3A_837 [0] : vector<128x256xf32> to vector<256xf32>
    %broadcast_in_dim3A_839 = vector.shape_cast %reduce_sum3A_838 : vector<256xf32> to vector<1x256xf32>
    %div3A_840 = arith.constant 1.280000e+02 : f32
    %div3A_841 = vector.broadcast %div3A_840 : f32 to vector<1x256xf32>
    %div3A_842 = arith.divf %broadcast_in_dim3A_839, %div3A_841 : vector<1x256xf32>
    %sub3A_843 = vector.broadcast %div3A_842 : vector<1x256xf32> to vector<128x256xf32>
    %sub3A_844 = arith.subf %slice3A_782, %sub3A_843 : vector<128x256xf32>
    %integer_pow3A_845 = arith.mulf %sub3A_844, %sub3A_844 : vector<128x256xf32>
    %reduce_sum3A_846 = arith.constant dense<0.000000e+00> : vector<256xf32>
    %reduce_sum3A_847 = vector.multi_reduction <add>, %integer_pow3A_845, %reduce_sum3A_846 [0] : vector<128x256xf32> to vector<256xf32>
    %broadcast_in_dim3A_848 = vector.shape_cast %reduce_sum3A_847 : vector<256xf32> to vector<1x256xf32>
    %div3A_849 = arith.constant 1.270000e+02 : f32
    %div3A_850 = vector.broadcast %div3A_849 : f32 to vector<1x256xf32>
    %div3A_851 = arith.divf %broadcast_in_dim3A_848, %div3A_850 : vector<1x256xf32>
    %sqrt3A_852 = math.sqrt %div3A_851 : vector<1x256xf32>
    %mul3A_853 = vector.broadcast %logistic3A_833 : vector<128x1xf32> to vector<128x256xf32>
    %mul3A_854 = arith.mulf %mul3A_853, %slice3A_782 : vector<128x256xf32>
    %mul3A_855 = vector.broadcast %sub3A_836 : vector<128x1xf32> to vector<128x256xf32>
    %mul3A_856 = vector.broadcast %div3A_842 : vector<1x256xf32> to vector<128x256xf32>
    %mul3A_857 = arith.mulf %mul3A_855, %mul3A_856 : vector<128x256xf32>
    %add3A_858 = arith.addf %mul3A_854, %mul3A_857 : vector<128x256xf32>
    %mul3A_859 = vector.broadcast %sub3A_836 : vector<128x1xf32> to vector<128x256xf32>
    %mul3A_860 = vector.broadcast %sqrt3A_852 : vector<1x256xf32> to vector<128x256xf32>
    %mul3A_861 = arith.mulf %mul3A_859, %mul3A_860 : vector<128x256xf32>
    %get3A_862 = arith.constant 896 : index
    %get3A_863 = arith.constant 0 : index
    %get3A_864 = vector.load %arg18[%get3A_862, %get3A_863] : memref<2048x256xf32, #tpu.memory_space<vmem>>, vector<128x256xf32>
    %mul3A_865 = arith.mulf %get3A_864, %mul3A_861 : vector<128x256xf32>
    %add3A_866 = arith.addf %add3A_858, %mul3A_865 : vector<128x256xf32>
    %reduce_sum3A_867 = arith.constant dense<0.000000e+00> : vector<256xf32>
    %reduce_sum3A_868 = vector.multi_reduction <add>, %add3A_866, %reduce_sum3A_867 [0] : vector<128x256xf32> to vector<256xf32>
    %broadcast_in_dim3A_869 = vector.shape_cast %reduce_sum3A_868 : vector<256xf32> to vector<1x256xf32>
    %reduce_sum3A_870 = arith.constant dense<0.000000e+00> : vector<256xf32>
    %reduce_sum3A_871 = vector.multi_reduction <add>, %slice3A_782, %reduce_sum3A_870 [0] : vector<128x256xf32> to vector<256xf32>
    %broadcast_in_dim3A_872 = vector.shape_cast %reduce_sum3A_871 : vector<256xf32> to vector<1x256xf32>
    %slice3A_873 = vector.extract_strided_slice %select_n3A_136 {offsets = [1024, 0], sizes = [128, 256], strides = [1, 1]} : vector<2048x256xf32> to vector<128x256xf32>
    %slice3A_874 = vector.extract_strided_slice %add3A_146 {offsets = [1024, 0], sizes = [128, 256], strides = [1, 1]} : vector<2048x256xf32> to vector<128x256xf32>
    %reduce_sum3A_875 = arith.constant dense<0.000000e+00> : vector<256xf32>
    %reduce_sum3A_876 = vector.multi_reduction <add>, %slice3A_874, %reduce_sum3A_875 [0] : vector<128x256xf32> to vector<256xf32>
    %broadcast_in_dim3A_877 = vector.shape_cast %reduce_sum3A_876 : vector<256xf32> to vector<1x256xf32>
    %div3A_878 = arith.constant 1.280000e+02 : f32
    %div3A_879 = vector.broadcast %div3A_878 : f32 to vector<1x256xf32>
    %div3A_880 = arith.divf %broadcast_in_dim3A_877, %div3A_879 : vector<1x256xf32>
    %sub3A_881 = vector.broadcast %div3A_880 : vector<1x256xf32> to vector<128x256xf32>
    %sub3A_882 = arith.subf %slice3A_874, %sub3A_881 : vector<128x256xf32>
    %integer_pow3A_883 = arith.mulf %sub3A_882, %sub3A_882 : vector<128x256xf32>
    %reduce_sum3A_884 = arith.constant dense<0.000000e+00> : vector<256xf32>
    %reduce_sum3A_885 = vector.multi_reduction <add>, %integer_pow3A_883, %reduce_sum3A_884 [0] : vector<128x256xf32> to vector<256xf32>
    %broadcast_in_dim3A_886 = vector.shape_cast %reduce_sum3A_885 : vector<256xf32> to vector<1x256xf32>
    %div3A_887 = arith.constant 1.280000e+02 : f32
    %div3A_888 = vector.broadcast %div3A_887 : f32 to vector<1x256xf32>
    %div3A_889 = arith.divf %broadcast_in_dim3A_886, %div3A_888 : vector<1x256xf32>
    %sub3A_890 = vector.broadcast %div3A_880 : vector<1x256xf32> to vector<128x256xf32>
    %sub3A_891 = arith.subf %slice3A_874, %sub3A_890 : vector<128x256xf32>
    %add3A_892 = arith.constant 9.99999974E-6 : f32
    %add3A_893 = vector.broadcast %add3A_892 : f32 to vector<1x256xf32>
    %add3A_894 = arith.addf %div3A_889, %add3A_893 : vector<1x256xf32>
    %sqrt3A_895 = math.sqrt %add3A_894 : vector<1x256xf32>
    %div3A_896 = vector.broadcast %sqrt3A_895 : vector<1x256xf32> to vector<128x256xf32>
    %div3A_897 = arith.divf %sub3A_891, %div3A_896 : vector<128x256xf32>
    %mul3A_898 = vector.broadcast %get3A_149 : vector<1x256xf32> to vector<128x256xf32>
    %mul3A_899 = arith.mulf %div3A_897, %mul3A_898 : vector<128x256xf32>
    %add3A_900 = vector.broadcast %get3A_152 : vector<1x256xf32> to vector<128x256xf32>
    %add3A_901 = arith.addf %mul3A_899, %add3A_900 : vector<128x256xf32>
    %max3A_902 = arith.constant 0.000000e+00 : f32
    %max3A_903 = vector.broadcast %max3A_902 : f32 to vector<128x256xf32>
    %max3A_904 = arith.maximumf %add3A_901, %max3A_903 : vector<128x256xf32>
    %get3A_905 = arith.constant 0 : index
    %get3A_906 = arith.constant 0 : index
    %get3A_907 = vector.load %arg15[%get3A_905, %get3A_906] : memref<256x1xf32, #tpu.memory_space<vmem>>, vector<256x1xf32>
    %dot_general3A_908 = arith.constant dense<0.000000e+00> : vector<128x1xf32>
    %dot_general3A_909 = tpu.matmul %max3A_904, %get3A_907, %dot_general3A_908 {dimension_numbers = #tpu.dot_dimension_numbers<[1], [0], [0], [1], [0, 0, 1, 1], [], []>, transpose_lhs_hint = false} : vector<128x256xf32>, vector<256x1xf32>, vector<128x1xf32> -> vector<128x1xf32>
    %get3A_910 = arith.constant 0 : index
    %get3A_911 = arith.constant 0 : index
    %get3A_912 = vector.load %arg16[%get3A_910, %get3A_911] : memref<1x1xf32, #tpu.memory_space<vmem>>, vector<1x1xf32>
    %add3A_913 = vector.broadcast %get3A_912 : vector<1x1xf32> to vector<128x1xf32>
    %add3A_914 = arith.addf %dot_general3A_909, %add3A_913 : vector<128x1xf32>
    %get3A_915 = arith.constant 1024 : index
    %get3A_916 = arith.constant 0 : index
    %get3A_917 = vector.load %arg17[%get3A_915, %get3A_916] : memref<2048x1xf32, #tpu.memory_space<vmem>>, vector<128x1xf32>
    %add3A_918 = arith.addf %get3A_917, %add3A_914 : vector<128x1xf32>
    %logistic3A_919 = arith.negf %add3A_918 : vector<128x1xf32>
    %logistic3A_920 = math.exp %logistic3A_919 : vector<128x1xf32>
    %logistic3A_921 = arith.constant 1.000000e+00 : f32
    %logistic3A_922 = vector.broadcast %logistic3A_921 : f32 to vector<128x1xf32>
    %logistic3A_923 = arith.addf %logistic3A_922, %logistic3A_920 : vector<128x1xf32>
    %logistic3A_924 = arith.divf %logistic3A_922, %logistic3A_923 : vector<128x1xf32>
    %sub3A_925 = arith.constant 1.000000e+00 : f32
    %sub3A_926 = vector.broadcast %sub3A_925 : f32 to vector<128x1xf32>
    %sub3A_927 = arith.subf %sub3A_926, %logistic3A_924 : vector<128x1xf32>
    %reduce_sum3A_928 = arith.constant dense<0.000000e+00> : vector<256xf32>
    %reduce_sum3A_929 = vector.multi_reduction <add>, %slice3A_873, %reduce_sum3A_928 [0] : vector<128x256xf32> to vector<256xf32>
    %broadcast_in_dim3A_930 = vector.shape_cast %reduce_sum3A_929 : vector<256xf32> to vector<1x256xf32>
    %div3A_931 = arith.constant 1.280000e+02 : f32
    %div3A_932 = vector.broadcast %div3A_931 : f32 to vector<1x256xf32>
    %div3A_933 = arith.divf %broadcast_in_dim3A_930, %div3A_932 : vector<1x256xf32>
    %sub3A_934 = vector.broadcast %div3A_933 : vector<1x256xf32> to vector<128x256xf32>
    %sub3A_935 = arith.subf %slice3A_873, %sub3A_934 : vector<128x256xf32>
    %integer_pow3A_936 = arith.mulf %sub3A_935, %sub3A_935 : vector<128x256xf32>
    %reduce_sum3A_937 = arith.constant dense<0.000000e+00> : vector<256xf32>
    %reduce_sum3A_938 = vector.multi_reduction <add>, %integer_pow3A_936, %reduce_sum3A_937 [0] : vector<128x256xf32> to vector<256xf32>
    %broadcast_in_dim3A_939 = vector.shape_cast %reduce_sum3A_938 : vector<256xf32> to vector<1x256xf32>
    %div3A_940 = arith.constant 1.270000e+02 : f32
    %div3A_941 = vector.broadcast %div3A_940 : f32 to vector<1x256xf32>
    %div3A_942 = arith.divf %broadcast_in_dim3A_939, %div3A_941 : vector<1x256xf32>
    %sqrt3A_943 = math.sqrt %div3A_942 : vector<1x256xf32>
    %mul3A_944 = vector.broadcast %logistic3A_924 : vector<128x1xf32> to vector<128x256xf32>
    %mul3A_945 = arith.mulf %mul3A_944, %slice3A_873 : vector<128x256xf32>
    %mul3A_946 = vector.broadcast %sub3A_927 : vector<128x1xf32> to vector<128x256xf32>
    %mul3A_947 = vector.broadcast %div3A_933 : vector<1x256xf32> to vector<128x256xf32>
    %mul3A_948 = arith.mulf %mul3A_946, %mul3A_947 : vector<128x256xf32>
    %add3A_949 = arith.addf %mul3A_945, %mul3A_948 : vector<128x256xf32>
    %mul3A_950 = vector.broadcast %sub3A_927 : vector<128x1xf32> to vector<128x256xf32>
    %mul3A_951 = vector.broadcast %sqrt3A_943 : vector<1x256xf32> to vector<128x256xf32>
    %mul3A_952 = arith.mulf %mul3A_950, %mul3A_951 : vector<128x256xf32>
    %get3A_953 = arith.constant 1024 : index
    %get3A_954 = arith.constant 0 : index
    %get3A_955 = vector.load %arg18[%get3A_953, %get3A_954] : memref<2048x256xf32, #tpu.memory_space<vmem>>, vector<128x256xf32>
    %mul3A_956 = arith.mulf %get3A_955, %mul3A_952 : vector<128x256xf32>
    %add3A_957 = arith.addf %add3A_949, %mul3A_956 : vector<128x256xf32>
    %reduce_sum3A_958 = arith.constant dense<0.000000e+00> : vector<256xf32>
    %reduce_sum3A_959 = vector.multi_reduction <add>, %add3A_957, %reduce_sum3A_958 [0] : vector<128x256xf32> to vector<256xf32>
    %broadcast_in_dim3A_960 = vector.shape_cast %reduce_sum3A_959 : vector<256xf32> to vector<1x256xf32>
    %reduce_sum3A_961 = arith.constant dense<0.000000e+00> : vector<256xf32>
    %reduce_sum3A_962 = vector.multi_reduction <add>, %slice3A_873, %reduce_sum3A_961 [0] : vector<128x256xf32> to vector<256xf32>
    %broadcast_in_dim3A_963 = vector.shape_cast %reduce_sum3A_962 : vector<256xf32> to vector<1x256xf32>
    %slice3A_964 = vector.extract_strided_slice %select_n3A_136 {offsets = [1152, 0], sizes = [128, 256], strides = [1, 1]} : vector<2048x256xf32> to vector<128x256xf32>
    %slice3A_965 = vector.extract_strided_slice %add3A_146 {offsets = [1152, 0], sizes = [128, 256], strides = [1, 1]} : vector<2048x256xf32> to vector<128x256xf32>
    %reduce_sum3A_966 = arith.constant dense<0.000000e+00> : vector<256xf32>
    %reduce_sum3A_967 = vector.multi_reduction <add>, %slice3A_965, %reduce_sum3A_966 [0] : vector<128x256xf32> to vector<256xf32>
    %broadcast_in_dim3A_968 = vector.shape_cast %reduce_sum3A_967 : vector<256xf32> to vector<1x256xf32>
    %div3A_969 = arith.constant 1.280000e+02 : f32
    %div3A_970 = vector.broadcast %div3A_969 : f32 to vector<1x256xf32>
    %div3A_971 = arith.divf %broadcast_in_dim3A_968, %div3A_970 : vector<1x256xf32>
    %sub3A_972 = vector.broadcast %div3A_971 : vector<1x256xf32> to vector<128x256xf32>
    %sub3A_973 = arith.subf %slice3A_965, %sub3A_972 : vector<128x256xf32>
    %integer_pow3A_974 = arith.mulf %sub3A_973, %sub3A_973 : vector<128x256xf32>
    %reduce_sum3A_975 = arith.constant dense<0.000000e+00> : vector<256xf32>
    %reduce_sum3A_976 = vector.multi_reduction <add>, %integer_pow3A_974, %reduce_sum3A_975 [0] : vector<128x256xf32> to vector<256xf32>
    %broadcast_in_dim3A_977 = vector.shape_cast %reduce_sum3A_976 : vector<256xf32> to vector<1x256xf32>
    %div3A_978 = arith.constant 1.280000e+02 : f32
    %div3A_979 = vector.broadcast %div3A_978 : f32 to vector<1x256xf32>
    %div3A_980 = arith.divf %broadcast_in_dim3A_977, %div3A_979 : vector<1x256xf32>
    %sub3A_981 = vector.broadcast %div3A_971 : vector<1x256xf32> to vector<128x256xf32>
    %sub3A_982 = arith.subf %slice3A_965, %sub3A_981 : vector<128x256xf32>
    %add3A_983 = arith.constant 9.99999974E-6 : f32
    %add3A_984 = vector.broadcast %add3A_983 : f32 to vector<1x256xf32>
    %add3A_985 = arith.addf %div3A_980, %add3A_984 : vector<1x256xf32>
    %sqrt3A_986 = math.sqrt %add3A_985 : vector<1x256xf32>
    %div3A_987 = vector.broadcast %sqrt3A_986 : vector<1x256xf32> to vector<128x256xf32>
    %div3A_988 = arith.divf %sub3A_982, %div3A_987 : vector<128x256xf32>
    %mul3A_989 = vector.broadcast %get3A_149 : vector<1x256xf32> to vector<128x256xf32>
    %mul3A_990 = arith.mulf %div3A_988, %mul3A_989 : vector<128x256xf32>
    %add3A_991 = vector.broadcast %get3A_152 : vector<1x256xf32> to vector<128x256xf32>
    %add3A_992 = arith.addf %mul3A_990, %add3A_991 : vector<128x256xf32>
    %max3A_993 = arith.constant 0.000000e+00 : f32
    %max3A_994 = vector.broadcast %max3A_993 : f32 to vector<128x256xf32>
    %max3A_995 = arith.maximumf %add3A_992, %max3A_994 : vector<128x256xf32>
    %get3A_996 = arith.constant 0 : index
    %get3A_997 = arith.constant 0 : index
    %get3A_998 = vector.load %arg15[%get3A_996, %get3A_997] : memref<256x1xf32, #tpu.memory_space<vmem>>, vector<256x1xf32>
    %dot_general3A_999 = arith.constant dense<0.000000e+00> : vector<128x1xf32>
    %dot_general3A_1000 = tpu.matmul %max3A_995, %get3A_998, %dot_general3A_999 {dimension_numbers = #tpu.dot_dimension_numbers<[1], [0], [0], [1], [0, 0, 1, 1], [], []>, transpose_lhs_hint = false} : vector<128x256xf32>, vector<256x1xf32>, vector<128x1xf32> -> vector<128x1xf32>
    %get3A_1001 = arith.constant 0 : index
    %get3A_1002 = arith.constant 0 : index
    %get3A_1003 = vector.load %arg16[%get3A_1001, %get3A_1002] : memref<1x1xf32, #tpu.memory_space<vmem>>, vector<1x1xf32>
    %add3A_1004 = vector.broadcast %get3A_1003 : vector<1x1xf32> to vector<128x1xf32>
    %add3A_1005 = arith.addf %dot_general3A_1000, %add3A_1004 : vector<128x1xf32>
    %get3A_1006 = arith.constant 1152 : index
    %get3A_1007 = arith.constant 0 : index
    %get3A_1008 = vector.load %arg17[%get3A_1006, %get3A_1007] : memref<2048x1xf32, #tpu.memory_space<vmem>>, vector<128x1xf32>
    %add3A_1009 = arith.addf %get3A_1008, %add3A_1005 : vector<128x1xf32>
    %logistic3A_1010 = arith.negf %add3A_1009 : vector<128x1xf32>
    %logistic3A_1011 = math.exp %logistic3A_1010 : vector<128x1xf32>
    %logistic3A_1012 = arith.constant 1.000000e+00 : f32
    %logistic3A_1013 = vector.broadcast %logistic3A_1012 : f32 to vector<128x1xf32>
    %logistic3A_1014 = arith.addf %logistic3A_1013, %logistic3A_1011 : vector<128x1xf32>
    %logistic3A_1015 = arith.divf %logistic3A_1013, %logistic3A_1014 : vector<128x1xf32>
    %sub3A_1016 = arith.constant 1.000000e+00 : f32
    %sub3A_1017 = vector.broadcast %sub3A_1016 : f32 to vector<128x1xf32>
    %sub3A_1018 = arith.subf %sub3A_1017, %logistic3A_1015 : vector<128x1xf32>
    %reduce_sum3A_1019 = arith.constant dense<0.000000e+00> : vector<256xf32>
    %reduce_sum3A_1020 = vector.multi_reduction <add>, %slice3A_964, %reduce_sum3A_1019 [0] : vector<128x256xf32> to vector<256xf32>
    %broadcast_in_dim3A_1021 = vector.shape_cast %reduce_sum3A_1020 : vector<256xf32> to vector<1x256xf32>
    %div3A_1022 = arith.constant 1.280000e+02 : f32
    %div3A_1023 = vector.broadcast %div3A_1022 : f32 to vector<1x256xf32>
    %div3A_1024 = arith.divf %broadcast_in_dim3A_1021, %div3A_1023 : vector<1x256xf32>
    %sub3A_1025 = vector.broadcast %div3A_1024 : vector<1x256xf32> to vector<128x256xf32>
    %sub3A_1026 = arith.subf %slice3A_964, %sub3A_1025 : vector<128x256xf32>
    %integer_pow3A_1027 = arith.mulf %sub3A_1026, %sub3A_1026 : vector<128x256xf32>
    %reduce_sum3A_1028 = arith.constant dense<0.000000e+00> : vector<256xf32>
    %reduce_sum3A_1029 = vector.multi_reduction <add>, %integer_pow3A_1027, %reduce_sum3A_1028 [0] : vector<128x256xf32> to vector<256xf32>
    %broadcast_in_dim3A_1030 = vector.shape_cast %reduce_sum3A_1029 : vector<256xf32> to vector<1x256xf32>
    %div3A_1031 = arith.constant 1.270000e+02 : f32
    %div3A_1032 = vector.broadcast %div3A_1031 : f32 to vector<1x256xf32>
    %div3A_1033 = arith.divf %broadcast_in_dim3A_1030, %div3A_1032 : vector<1x256xf32>
    %sqrt3A_1034 = math.sqrt %div3A_1033 : vector<1x256xf32>
    %mul3A_1035 = vector.broadcast %logistic3A_1015 : vector<128x1xf32> to vector<128x256xf32>
    %mul3A_1036 = arith.mulf %mul3A_1035, %slice3A_964 : vector<128x256xf32>
    %mul3A_1037 = vector.broadcast %sub3A_1018 : vector<128x1xf32> to vector<128x256xf32>
    %mul3A_1038 = vector.broadcast %div3A_1024 : vector<1x256xf32> to vector<128x256xf32>
    %mul3A_1039 = arith.mulf %mul3A_1037, %mul3A_1038 : vector<128x256xf32>
    %add3A_1040 = arith.addf %mul3A_1036, %mul3A_1039 : vector<128x256xf32>
    %mul3A_1041 = vector.broadcast %sub3A_1018 : vector<128x1xf32> to vector<128x256xf32>
    %mul3A_1042 = vector.broadcast %sqrt3A_1034 : vector<1x256xf32> to vector<128x256xf32>
    %mul3A_1043 = arith.mulf %mul3A_1041, %mul3A_1042 : vector<128x256xf32>
    %get3A_1044 = arith.constant 1152 : index
    %get3A_1045 = arith.constant 0 : index
    %get3A_1046 = vector.load %arg18[%get3A_1044, %get3A_1045] : memref<2048x256xf32, #tpu.memory_space<vmem>>, vector<128x256xf32>
    %mul3A_1047 = arith.mulf %get3A_1046, %mul3A_1043 : vector<128x256xf32>
    %add3A_1048 = arith.addf %add3A_1040, %mul3A_1047 : vector<128x256xf32>
    %reduce_sum3A_1049 = arith.constant dense<0.000000e+00> : vector<256xf32>
    %reduce_sum3A_1050 = vector.multi_reduction <add>, %add3A_1048, %reduce_sum3A_1049 [0] : vector<128x256xf32> to vector<256xf32>
    %broadcast_in_dim3A_1051 = vector.shape_cast %reduce_sum3A_1050 : vector<256xf32> to vector<1x256xf32>
    %reduce_sum3A_1052 = arith.constant dense<0.000000e+00> : vector<256xf32>
    %reduce_sum3A_1053 = vector.multi_reduction <add>, %slice3A_964, %reduce_sum3A_1052 [0] : vector<128x256xf32> to vector<256xf32>
    %broadcast_in_dim3A_1054 = vector.shape_cast %reduce_sum3A_1053 : vector<256xf32> to vector<1x256xf32>
    %slice3A_1055 = vector.extract_strided_slice %select_n3A_136 {offsets = [1280, 0], sizes = [128, 256], strides = [1, 1]} : vector<2048x256xf32> to vector<128x256xf32>
    %slice3A_1056 = vector.extract_strided_slice %add3A_146 {offsets = [1280, 0], sizes = [128, 256], strides = [1, 1]} : vector<2048x256xf32> to vector<128x256xf32>
    %reduce_sum3A_1057 = arith.constant dense<0.000000e+00> : vector<256xf32>
    %reduce_sum3A_1058 = vector.multi_reduction <add>, %slice3A_1056, %reduce_sum3A_1057 [0] : vector<128x256xf32> to vector<256xf32>
    %broadcast_in_dim3A_1059 = vector.shape_cast %reduce_sum3A_1058 : vector<256xf32> to vector<1x256xf32>
    %div3A_1060 = arith.constant 1.280000e+02 : f32
    %div3A_1061 = vector.broadcast %div3A_1060 : f32 to vector<1x256xf32>
    %div3A_1062 = arith.divf %broadcast_in_dim3A_1059, %div3A_1061 : vector<1x256xf32>
    %sub3A_1063 = vector.broadcast %div3A_1062 : vector<1x256xf32> to vector<128x256xf32>
    %sub3A_1064 = arith.subf %slice3A_1056, %sub3A_1063 : vector<128x256xf32>
    %integer_pow3A_1065 = arith.mulf %sub3A_1064, %sub3A_1064 : vector<128x256xf32>
    %reduce_sum3A_1066 = arith.constant dense<0.000000e+00> : vector<256xf32>
    %reduce_sum3A_1067 = vector.multi_reduction <add>, %integer_pow3A_1065, %reduce_sum3A_1066 [0] : vector<128x256xf32> to vector<256xf32>
    %broadcast_in_dim3A_1068 = vector.shape_cast %reduce_sum3A_1067 : vector<256xf32> to vector<1x256xf32>
    %div3A_1069 = arith.constant 1.280000e+02 : f32
    %div3A_1070 = vector.broadcast %div3A_1069 : f32 to vector<1x256xf32>
    %div3A_1071 = arith.divf %broadcast_in_dim3A_1068, %div3A_1070 : vector<1x256xf32>
    %sub3A_1072 = vector.broadcast %div3A_1062 : vector<1x256xf32> to vector<128x256xf32>
    %sub3A_1073 = arith.subf %slice3A_1056, %sub3A_1072 : vector<128x256xf32>
    %add3A_1074 = arith.constant 9.99999974E-6 : f32
    %add3A_1075 = vector.broadcast %add3A_1074 : f32 to vector<1x256xf32>
    %add3A_1076 = arith.addf %div3A_1071, %add3A_1075 : vector<1x256xf32>
    %sqrt3A_1077 = math.sqrt %add3A_1076 : vector<1x256xf32>
    %div3A_1078 = vector.broadcast %sqrt3A_1077 : vector<1x256xf32> to vector<128x256xf32>
    %div3A_1079 = arith.divf %sub3A_1073, %div3A_1078 : vector<128x256xf32>
    %mul3A_1080 = vector.broadcast %get3A_149 : vector<1x256xf32> to vector<128x256xf32>
    %mul3A_1081 = arith.mulf %div3A_1079, %mul3A_1080 : vector<128x256xf32>
    %add3A_1082 = vector.broadcast %get3A_152 : vector<1x256xf32> to vector<128x256xf32>
    %add3A_1083 = arith.addf %mul3A_1081, %add3A_1082 : vector<128x256xf32>
    %max3A_1084 = arith.constant 0.000000e+00 : f32
    %max3A_1085 = vector.broadcast %max3A_1084 : f32 to vector<128x256xf32>
    %max3A_1086 = arith.maximumf %add3A_1083, %max3A_1085 : vector<128x256xf32>
    %get3A_1087 = arith.constant 0 : index
    %get3A_1088 = arith.constant 0 : index
    %get3A_1089 = vector.load %arg15[%get3A_1087, %get3A_1088] : memref<256x1xf32, #tpu.memory_space<vmem>>, vector<256x1xf32>
    %dot_general3A_1090 = arith.constant dense<0.000000e+00> : vector<128x1xf32>
    %dot_general3A_1091 = tpu.matmul %max3A_1086, %get3A_1089, %dot_general3A_1090 {dimension_numbers = #tpu.dot_dimension_numbers<[1], [0], [0], [1], [0, 0, 1, 1], [], []>, transpose_lhs_hint = false} : vector<128x256xf32>, vector<256x1xf32>, vector<128x1xf32> -> vector<128x1xf32>
    %get3A_1092 = arith.constant 0 : index
    %get3A_1093 = arith.constant 0 : index
    %get3A_1094 = vector.load %arg16[%get3A_1092, %get3A_1093] : memref<1x1xf32, #tpu.memory_space<vmem>>, vector<1x1xf32>
    %add3A_1095 = vector.broadcast %get3A_1094 : vector<1x1xf32> to vector<128x1xf32>
    %add3A_1096 = arith.addf %dot_general3A_1091, %add3A_1095 : vector<128x1xf32>
    %get3A_1097 = arith.constant 1280 : index
    %get3A_1098 = arith.constant 0 : index
    %get3A_1099 = vector.load %arg17[%get3A_1097, %get3A_1098] : memref<2048x1xf32, #tpu.memory_space<vmem>>, vector<128x1xf32>
    %add3A_1100 = arith.addf %get3A_1099, %add3A_1096 : vector<128x1xf32>
    %logistic3A_1101 = arith.negf %add3A_1100 : vector<128x1xf32>
    %logistic3A_1102 = math.exp %logistic3A_1101 : vector<128x1xf32>
    %logistic3A_1103 = arith.constant 1.000000e+00 : f32
    %logistic3A_1104 = vector.broadcast %logistic3A_1103 : f32 to vector<128x1xf32>
    %logistic3A_1105 = arith.addf %logistic3A_1104, %logistic3A_1102 : vector<128x1xf32>
    %logistic3A_1106 = arith.divf %logistic3A_1104, %logistic3A_1105 : vector<128x1xf32>
    %sub3A_1107 = arith.constant 1.000000e+00 : f32
    %sub3A_1108 = vector.broadcast %sub3A_1107 : f32 to vector<128x1xf32>
    %sub3A_1109 = arith.subf %sub3A_1108, %logistic3A_1106 : vector<128x1xf32>
    %reduce_sum3A_1110 = arith.constant dense<0.000000e+00> : vector<256xf32>
    %reduce_sum3A_1111 = vector.multi_reduction <add>, %slice3A_1055, %reduce_sum3A_1110 [0] : vector<128x256xf32> to vector<256xf32>
    %broadcast_in_dim3A_1112 = vector.shape_cast %reduce_sum3A_1111 : vector<256xf32> to vector<1x256xf32>
    %div3A_1113 = arith.constant 1.280000e+02 : f32
    %div3A_1114 = vector.broadcast %div3A_1113 : f32 to vector<1x256xf32>
    %div3A_1115 = arith.divf %broadcast_in_dim3A_1112, %div3A_1114 : vector<1x256xf32>
    %sub3A_1116 = vector.broadcast %div3A_1115 : vector<1x256xf32> to vector<128x256xf32>
    %sub3A_1117 = arith.subf %slice3A_1055, %sub3A_1116 : vector<128x256xf32>
    %integer_pow3A_1118 = arith.mulf %sub3A_1117, %sub3A_1117 : vector<128x256xf32>
    %reduce_sum3A_1119 = arith.constant dense<0.000000e+00> : vector<256xf32>
    %reduce_sum3A_1120 = vector.multi_reduction <add>, %integer_pow3A_1118, %reduce_sum3A_1119 [0] : vector<128x256xf32> to vector<256xf32>
    %broadcast_in_dim3A_1121 = vector.shape_cast %reduce_sum3A_1120 : vector<256xf32> to vector<1x256xf32>
    %div3A_1122 = arith.constant 1.270000e+02 : f32
    %div3A_1123 = vector.broadcast %div3A_1122 : f32 to vector<1x256xf32>
    %div3A_1124 = arith.divf %broadcast_in_dim3A_1121, %div3A_1123 : vector<1x256xf32>
    %sqrt3A_1125 = math.sqrt %div3A_1124 : vector<1x256xf32>
    %mul3A_1126 = vector.broadcast %logistic3A_1106 : vector<128x1xf32> to vector<128x256xf32>
    %mul3A_1127 = arith.mulf %mul3A_1126, %slice3A_1055 : vector<128x256xf32>
    %mul3A_1128 = vector.broadcast %sub3A_1109 : vector<128x1xf32> to vector<128x256xf32>
    %mul3A_1129 = vector.broadcast %div3A_1115 : vector<1x256xf32> to vector<128x256xf32>
    %mul3A_1130 = arith.mulf %mul3A_1128, %mul3A_1129 : vector<128x256xf32>
    %add3A_1131 = arith.addf %mul3A_1127, %mul3A_1130 : vector<128x256xf32>
    %mul3A_1132 = vector.broadcast %sub3A_1109 : vector<128x1xf32> to vector<128x256xf32>
    %mul3A_1133 = vector.broadcast %sqrt3A_1125 : vector<1x256xf32> to vector<128x256xf32>
    %mul3A_1134 = arith.mulf %mul3A_1132, %mul3A_1133 : vector<128x256xf32>
    %get3A_1135 = arith.constant 1280 : index
    %get3A_1136 = arith.constant 0 : index
    %get3A_1137 = vector.load %arg18[%get3A_1135, %get3A_1136] : memref<2048x256xf32, #tpu.memory_space<vmem>>, vector<128x256xf32>
    %mul3A_1138 = arith.mulf %get3A_1137, %mul3A_1134 : vector<128x256xf32>
    %add3A_1139 = arith.addf %add3A_1131, %mul3A_1138 : vector<128x256xf32>
    %reduce_sum3A_1140 = arith.constant dense<0.000000e+00> : vector<256xf32>
    %reduce_sum3A_1141 = vector.multi_reduction <add>, %add3A_1139, %reduce_sum3A_1140 [0] : vector<128x256xf32> to vector<256xf32>
    %broadcast_in_dim3A_1142 = vector.shape_cast %reduce_sum3A_1141 : vector<256xf32> to vector<1x256xf32>
    %reduce_sum3A_1143 = arith.constant dense<0.000000e+00> : vector<256xf32>
    %reduce_sum3A_1144 = vector.multi_reduction <add>, %slice3A_1055, %reduce_sum3A_1143 [0] : vector<128x256xf32> to vector<256xf32>
    %broadcast_in_dim3A_1145 = vector.shape_cast %reduce_sum3A_1144 : vector<256xf32> to vector<1x256xf32>
    %slice3A_1146 = vector.extract_strided_slice %select_n3A_136 {offsets = [1408, 0], sizes = [128, 256], strides = [1, 1]} : vector<2048x256xf32> to vector<128x256xf32>
    %slice3A_1147 = vector.extract_strided_slice %add3A_146 {offsets = [1408, 0], sizes = [128, 256], strides = [1, 1]} : vector<2048x256xf32> to vector<128x256xf32>
    %reduce_sum3A_1148 = arith.constant dense<0.000000e+00> : vector<256xf32>
    %reduce_sum3A_1149 = vector.multi_reduction <add>, %slice3A_1147, %reduce_sum3A_1148 [0] : vector<128x256xf32> to vector<256xf32>
    %broadcast_in_dim3A_1150 = vector.shape_cast %reduce_sum3A_1149 : vector<256xf32> to vector<1x256xf32>
    %div3A_1151 = arith.constant 1.280000e+02 : f32
    %div3A_1152 = vector.broadcast %div3A_1151 : f32 to vector<1x256xf32>
    %div3A_1153 = arith.divf %broadcast_in_dim3A_1150, %div3A_1152 : vector<1x256xf32>
    %sub3A_1154 = vector.broadcast %div3A_1153 : vector<1x256xf32> to vector<128x256xf32>
    %sub3A_1155 = arith.subf %slice3A_1147, %sub3A_1154 : vector<128x256xf32>
    %integer_pow3A_1156 = arith.mulf %sub3A_1155, %sub3A_1155 : vector<128x256xf32>
    %reduce_sum3A_1157 = arith.constant dense<0.000000e+00> : vector<256xf32>
    %reduce_sum3A_1158 = vector.multi_reduction <add>, %integer_pow3A_1156, %reduce_sum3A_1157 [0] : vector<128x256xf32> to vector<256xf32>
    %broadcast_in_dim3A_1159 = vector.shape_cast %reduce_sum3A_1158 : vector<256xf32> to vector<1x256xf32>
    %div3A_1160 = arith.constant 1.280000e+02 : f32
    %div3A_1161 = vector.broadcast %div3A_1160 : f32 to vector<1x256xf32>
    %div3A_1162 = arith.divf %broadcast_in_dim3A_1159, %div3A_1161 : vector<1x256xf32>
    %sub3A_1163 = vector.broadcast %div3A_1153 : vector<1x256xf32> to vector<128x256xf32>
    %sub3A_1164 = arith.subf %slice3A_1147, %sub3A_1163 : vector<128x256xf32>
    %add3A_1165 = arith.constant 9.99999974E-6 : f32
    %add3A_1166 = vector.broadcast %add3A_1165 : f32 to vector<1x256xf32>
    %add3A_1167 = arith.addf %div3A_1162, %add3A_1166 : vector<1x256xf32>
    %sqrt3A_1168 = math.sqrt %add3A_1167 : vector<1x256xf32>
    %div3A_1169 = vector.broadcast %sqrt3A_1168 : vector<1x256xf32> to vector<128x256xf32>
    %div3A_1170 = arith.divf %sub3A_1164, %div3A_1169 : vector<128x256xf32>
    %mul3A_1171 = vector.broadcast %get3A_149 : vector<1x256xf32> to vector<128x256xf32>
    %mul3A_1172 = arith.mulf %div3A_1170, %mul3A_1171 : vector<128x256xf32>
    %add3A_1173 = vector.broadcast %get3A_152 : vector<1x256xf32> to vector<128x256xf32>
    %add3A_1174 = arith.addf %mul3A_1172, %add3A_1173 : vector<128x256xf32>
    %max3A_1175 = arith.constant 0.000000e+00 : f32
    %max3A_1176 = vector.broadcast %max3A_1175 : f32 to vector<128x256xf32>
    %max3A_1177 = arith.maximumf %add3A_1174, %max3A_1176 : vector<128x256xf32>
    %get3A_1178 = arith.constant 0 : index
    %get3A_1179 = arith.constant 0 : index
    %get3A_1180 = vector.load %arg15[%get3A_1178, %get3A_1179] : memref<256x1xf32, #tpu.memory_space<vmem>>, vector<256x1xf32>
    %dot_general3A_1181 = arith.constant dense<0.000000e+00> : vector<128x1xf32>
    %dot_general3A_1182 = tpu.matmul %max3A_1177, %get3A_1180, %dot_general3A_1181 {dimension_numbers = #tpu.dot_dimension_numbers<[1], [0], [0], [1], [0, 0, 1, 1], [], []>, transpose_lhs_hint = false} : vector<128x256xf32>, vector<256x1xf32>, vector<128x1xf32> -> vector<128x1xf32>
    %get3A_1183 = arith.constant 0 : index
    %get3A_1184 = arith.constant 0 : index
    %get3A_1185 = vector.load %arg16[%get3A_1183, %get3A_1184] : memref<1x1xf32, #tpu.memory_space<vmem>>, vector<1x1xf32>
    %add3A_1186 = vector.broadcast %get3A_1185 : vector<1x1xf32> to vector<128x1xf32>
    %add3A_1187 = arith.addf %dot_general3A_1182, %add3A_1186 : vector<128x1xf32>
    %get3A_1188 = arith.constant 1408 : index
    %get3A_1189 = arith.constant 0 : index
    %get3A_1190 = vector.load %arg17[%get3A_1188, %get3A_1189] : memref<2048x1xf32, #tpu.memory_space<vmem>>, vector<128x1xf32>
    %add3A_1191 = arith.addf %get3A_1190, %add3A_1187 : vector<128x1xf32>
    %logistic3A_1192 = arith.negf %add3A_1191 : vector<128x1xf32>
    %logistic3A_1193 = math.exp %logistic3A_1192 : vector<128x1xf32>
    %logistic3A_1194 = arith.constant 1.000000e+00 : f32
    %logistic3A_1195 = vector.broadcast %logistic3A_1194 : f32 to vector<128x1xf32>
    %logistic3A_1196 = arith.addf %logistic3A_1195, %logistic3A_1193 : vector<128x1xf32>
    %logistic3A_1197 = arith.divf %logistic3A_1195, %logistic3A_1196 : vector<128x1xf32>
    %sub3A_1198 = arith.constant 1.000000e+00 : f32
    %sub3A_1199 = vector.broadcast %sub3A_1198 : f32 to vector<128x1xf32>
    %sub3A_1200 = arith.subf %sub3A_1199, %logistic3A_1197 : vector<128x1xf32>
    %reduce_sum3A_1201 = arith.constant dense<0.000000e+00> : vector<256xf32>
    %reduce_sum3A_1202 = vector.multi_reduction <add>, %slice3A_1146, %reduce_sum3A_1201 [0] : vector<128x256xf32> to vector<256xf32>
    %broadcast_in_dim3A_1203 = vector.shape_cast %reduce_sum3A_1202 : vector<256xf32> to vector<1x256xf32>
    %div3A_1204 = arith.constant 1.280000e+02 : f32
    %div3A_1205 = vector.broadcast %div3A_1204 : f32 to vector<1x256xf32>
    %div3A_1206 = arith.divf %broadcast_in_dim3A_1203, %div3A_1205 : vector<1x256xf32>
    %sub3A_1207 = vector.broadcast %div3A_1206 : vector<1x256xf32> to vector<128x256xf32>
    %sub3A_1208 = arith.subf %slice3A_1146, %sub3A_1207 : vector<128x256xf32>
    %integer_pow3A_1209 = arith.mulf %sub3A_1208, %sub3A_1208 : vector<128x256xf32>
    %reduce_sum3A_1210 = arith.constant dense<0.000000e+00> : vector<256xf32>
    %reduce_sum3A_1211 = vector.multi_reduction <add>, %integer_pow3A_1209, %reduce_sum3A_1210 [0] : vector<128x256xf32> to vector<256xf32>
    %broadcast_in_dim3A_1212 = vector.shape_cast %reduce_sum3A_1211 : vector<256xf32> to vector<1x256xf32>
    %div3A_1213 = arith.constant 1.270000e+02 : f32
    %div3A_1214 = vector.broadcast %div3A_1213 : f32 to vector<1x256xf32>
    %div3A_1215 = arith.divf %broadcast_in_dim3A_1212, %div3A_1214 : vector<1x256xf32>
    %sqrt3A_1216 = math.sqrt %div3A_1215 : vector<1x256xf32>
    %mul3A_1217 = vector.broadcast %logistic3A_1197 : vector<128x1xf32> to vector<128x256xf32>
    %mul3A_1218 = arith.mulf %mul3A_1217, %slice3A_1146 : vector<128x256xf32>
    %mul3A_1219 = vector.broadcast %sub3A_1200 : vector<128x1xf32> to vector<128x256xf32>
    %mul3A_1220 = vector.broadcast %div3A_1206 : vector<1x256xf32> to vector<128x256xf32>
    %mul3A_1221 = arith.mulf %mul3A_1219, %mul3A_1220 : vector<128x256xf32>
    %add3A_1222 = arith.addf %mul3A_1218, %mul3A_1221 : vector<128x256xf32>
    %mul3A_1223 = vector.broadcast %sub3A_1200 : vector<128x1xf32> to vector<128x256xf32>
    %mul3A_1224 = vector.broadcast %sqrt3A_1216 : vector<1x256xf32> to vector<128x256xf32>
    %mul3A_1225 = arith.mulf %mul3A_1223, %mul3A_1224 : vector<128x256xf32>
    %get3A_1226 = arith.constant 1408 : index
    %get3A_1227 = arith.constant 0 : index
    %get3A_1228 = vector.load %arg18[%get3A_1226, %get3A_1227] : memref<2048x256xf32, #tpu.memory_space<vmem>>, vector<128x256xf32>
    %mul3A_1229 = arith.mulf %get3A_1228, %mul3A_1225 : vector<128x256xf32>
    %add3A_1230 = arith.addf %add3A_1222, %mul3A_1229 : vector<128x256xf32>
    %reduce_sum3A_1231 = arith.constant dense<0.000000e+00> : vector<256xf32>
    %reduce_sum3A_1232 = vector.multi_reduction <add>, %add3A_1230, %reduce_sum3A_1231 [0] : vector<128x256xf32> to vector<256xf32>
    %broadcast_in_dim3A_1233 = vector.shape_cast %reduce_sum3A_1232 : vector<256xf32> to vector<1x256xf32>
    %reduce_sum3A_1234 = arith.constant dense<0.000000e+00> : vector<256xf32>
    %reduce_sum3A_1235 = vector.multi_reduction <add>, %slice3A_1146, %reduce_sum3A_1234 [0] : vector<128x256xf32> to vector<256xf32>
    %broadcast_in_dim3A_1236 = vector.shape_cast %reduce_sum3A_1235 : vector<256xf32> to vector<1x256xf32>
    %slice3A_1237 = vector.extract_strided_slice %select_n3A_136 {offsets = [1536, 0], sizes = [128, 256], strides = [1, 1]} : vector<2048x256xf32> to vector<128x256xf32>
    %slice3A_1238 = vector.extract_strided_slice %add3A_146 {offsets = [1536, 0], sizes = [128, 256], strides = [1, 1]} : vector<2048x256xf32> to vector<128x256xf32>
    %reduce_sum3A_1239 = arith.constant dense<0.000000e+00> : vector<256xf32>
    %reduce_sum3A_1240 = vector.multi_reduction <add>, %slice3A_1238, %reduce_sum3A_1239 [0] : vector<128x256xf32> to vector<256xf32>
    %broadcast_in_dim3A_1241 = vector.shape_cast %reduce_sum3A_1240 : vector<256xf32> to vector<1x256xf32>
    %div3A_1242 = arith.constant 1.280000e+02 : f32
    %div3A_1243 = vector.broadcast %div3A_1242 : f32 to vector<1x256xf32>
    %div3A_1244 = arith.divf %broadcast_in_dim3A_1241, %div3A_1243 : vector<1x256xf32>
    %sub3A_1245 = vector.broadcast %div3A_1244 : vector<1x256xf32> to vector<128x256xf32>
    %sub3A_1246 = arith.subf %slice3A_1238, %sub3A_1245 : vector<128x256xf32>
    %integer_pow3A_1247 = arith.mulf %sub3A_1246, %sub3A_1246 : vector<128x256xf32>
    %reduce_sum3A_1248 = arith.constant dense<0.000000e+00> : vector<256xf32>
    %reduce_sum3A_1249 = vector.multi_reduction <add>, %integer_pow3A_1247, %reduce_sum3A_1248 [0] : vector<128x256xf32> to vector<256xf32>
    %broadcast_in_dim3A_1250 = vector.shape_cast %reduce_sum3A_1249 : vector<256xf32> to vector<1x256xf32>
    %div3A_1251 = arith.constant 1.280000e+02 : f32
    %div3A_1252 = vector.broadcast %div3A_1251 : f32 to vector<1x256xf32>
    %div3A_1253 = arith.divf %broadcast_in_dim3A_1250, %div3A_1252 : vector<1x256xf32>
    %sub3A_1254 = vector.broadcast %div3A_1244 : vector<1x256xf32> to vector<128x256xf32>
    %sub3A_1255 = arith.subf %slice3A_1238, %sub3A_1254 : vector<128x256xf32>
    %add3A_1256 = arith.constant 9.99999974E-6 : f32
    %add3A_1257 = vector.broadcast %add3A_1256 : f32 to vector<1x256xf32>
    %add3A_1258 = arith.addf %div3A_1253, %add3A_1257 : vector<1x256xf32>
    %sqrt3A_1259 = math.sqrt %add3A_1258 : vector<1x256xf32>
    %div3A_1260 = vector.broadcast %sqrt3A_1259 : vector<1x256xf32> to vector<128x256xf32>
    %div3A_1261 = arith.divf %sub3A_1255, %div3A_1260 : vector<128x256xf32>
    %mul3A_1262 = vector.broadcast %get3A_149 : vector<1x256xf32> to vector<128x256xf32>
    %mul3A_1263 = arith.mulf %div3A_1261, %mul3A_1262 : vector<128x256xf32>
    %add3A_1264 = vector.broadcast %get3A_152 : vector<1x256xf32> to vector<128x256xf32>
    %add3A_1265 = arith.addf %mul3A_1263, %add3A_1264 : vector<128x256xf32>
    %max3A_1266 = arith.constant 0.000000e+00 : f32
    %max3A_1267 = vector.broadcast %max3A_1266 : f32 to vector<128x256xf32>
    %max3A_1268 = arith.maximumf %add3A_1265, %max3A_1267 : vector<128x256xf32>
    %get3A_1269 = arith.constant 0 : index
    %get3A_1270 = arith.constant 0 : index
    %get3A_1271 = vector.load %arg15[%get3A_1269, %get3A_1270] : memref<256x1xf32, #tpu.memory_space<vmem>>, vector<256x1xf32>
    %dot_general3A_1272 = arith.constant dense<0.000000e+00> : vector<128x1xf32>
    %dot_general3A_1273 = tpu.matmul %max3A_1268, %get3A_1271, %dot_general3A_1272 {dimension_numbers = #tpu.dot_dimension_numbers<[1], [0], [0], [1], [0, 0, 1, 1], [], []>, transpose_lhs_hint = false} : vector<128x256xf32>, vector<256x1xf32>, vector<128x1xf32> -> vector<128x1xf32>
    %get3A_1274 = arith.constant 0 : index
    %get3A_1275 = arith.constant 0 : index
    %get3A_1276 = vector.load %arg16[%get3A_1274, %get3A_1275] : memref<1x1xf32, #tpu.memory_space<vmem>>, vector<1x1xf32>
    %add3A_1277 = vector.broadcast %get3A_1276 : vector<1x1xf32> to vector<128x1xf32>
    %add3A_1278 = arith.addf %dot_general3A_1273, %add3A_1277 : vector<128x1xf32>
    %get3A_1279 = arith.constant 1536 : index
    %get3A_1280 = arith.constant 0 : index
    %get3A_1281 = vector.load %arg17[%get3A_1279, %get3A_1280] : memref<2048x1xf32, #tpu.memory_space<vmem>>, vector<128x1xf32>
    %add3A_1282 = arith.addf %get3A_1281, %add3A_1278 : vector<128x1xf32>
    %logistic3A_1283 = arith.negf %add3A_1282 : vector<128x1xf32>
    %logistic3A_1284 = math.exp %logistic3A_1283 : vector<128x1xf32>
    %logistic3A_1285 = arith.constant 1.000000e+00 : f32
    %logistic3A_1286 = vector.broadcast %logistic3A_1285 : f32 to vector<128x1xf32>
    %logistic3A_1287 = arith.addf %logistic3A_1286, %logistic3A_1284 : vector<128x1xf32>
    %logistic3A_1288 = arith.divf %logistic3A_1286, %logistic3A_1287 : vector<128x1xf32>
    %sub3A_1289 = arith.constant 1.000000e+00 : f32
    %sub3A_1290 = vector.broadcast %sub3A_1289 : f32 to vector<128x1xf32>
    %sub3A_1291 = arith.subf %sub3A_1290, %logistic3A_1288 : vector<128x1xf32>
    %reduce_sum3A_1292 = arith.constant dense<0.000000e+00> : vector<256xf32>
    %reduce_sum3A_1293 = vector.multi_reduction <add>, %slice3A_1237, %reduce_sum3A_1292 [0] : vector<128x256xf32> to vector<256xf32>
    %broadcast_in_dim3A_1294 = vector.shape_cast %reduce_sum3A_1293 : vector<256xf32> to vector<1x256xf32>
    %div3A_1295 = arith.constant 1.280000e+02 : f32
    %div3A_1296 = vector.broadcast %div3A_1295 : f32 to vector<1x256xf32>
    %div3A_1297 = arith.divf %broadcast_in_dim3A_1294, %div3A_1296 : vector<1x256xf32>
    %sub3A_1298 = vector.broadcast %div3A_1297 : vector<1x256xf32> to vector<128x256xf32>
    %sub3A_1299 = arith.subf %slice3A_1237, %sub3A_1298 : vector<128x256xf32>
    %integer_pow3A_1300 = arith.mulf %sub3A_1299, %sub3A_1299 : vector<128x256xf32>
    %reduce_sum3A_1301 = arith.constant dense<0.000000e+00> : vector<256xf32>
    %reduce_sum3A_1302 = vector.multi_reduction <add>, %integer_pow3A_1300, %reduce_sum3A_1301 [0] : vector<128x256xf32> to vector<256xf32>
    %broadcast_in_dim3A_1303 = vector.shape_cast %reduce_sum3A_1302 : vector<256xf32> to vector<1x256xf32>
    %div3A_1304 = arith.constant 1.270000e+02 : f32
    %div3A_1305 = vector.broadcast %div3A_1304 : f32 to vector<1x256xf32>
    %div3A_1306 = arith.divf %broadcast_in_dim3A_1303, %div3A_1305 : vector<1x256xf32>
    %sqrt3A_1307 = math.sqrt %div3A_1306 : vector<1x256xf32>
    %mul3A_1308 = vector.broadcast %logistic3A_1288 : vector<128x1xf32> to vector<128x256xf32>
    %mul3A_1309 = arith.mulf %mul3A_1308, %slice3A_1237 : vector<128x256xf32>
    %mul3A_1310 = vector.broadcast %sub3A_1291 : vector<128x1xf32> to vector<128x256xf32>
    %mul3A_1311 = vector.broadcast %div3A_1297 : vector<1x256xf32> to vector<128x256xf32>
    %mul3A_1312 = arith.mulf %mul3A_1310, %mul3A_1311 : vector<128x256xf32>
    %add3A_1313 = arith.addf %mul3A_1309, %mul3A_1312 : vector<128x256xf32>
    %mul3A_1314 = vector.broadcast %sub3A_1291 : vector<128x1xf32> to vector<128x256xf32>
    %mul3A_1315 = vector.broadcast %sqrt3A_1307 : vector<1x256xf32> to vector<128x256xf32>
    %mul3A_1316 = arith.mulf %mul3A_1314, %mul3A_1315 : vector<128x256xf32>
    %get3A_1317 = arith.constant 1536 : index
    %get3A_1318 = arith.constant 0 : index
    %get3A_1319 = vector.load %arg18[%get3A_1317, %get3A_1318] : memref<2048x256xf32, #tpu.memory_space<vmem>>, vector<128x256xf32>
    %mul3A_1320 = arith.mulf %get3A_1319, %mul3A_1316 : vector<128x256xf32>
    %add3A_1321 = arith.addf %add3A_1313, %mul3A_1320 : vector<128x256xf32>
    %reduce_sum3A_1322 = arith.constant dense<0.000000e+00> : vector<256xf32>
    %reduce_sum3A_1323 = vector.multi_reduction <add>, %add3A_1321, %reduce_sum3A_1322 [0] : vector<128x256xf32> to vector<256xf32>
    %broadcast_in_dim3A_1324 = vector.shape_cast %reduce_sum3A_1323 : vector<256xf32> to vector<1x256xf32>
    %reduce_sum3A_1325 = arith.constant dense<0.000000e+00> : vector<256xf32>
    %reduce_sum3A_1326 = vector.multi_reduction <add>, %slice3A_1237, %reduce_sum3A_1325 [0] : vector<128x256xf32> to vector<256xf32>
    %broadcast_in_dim3A_1327 = vector.shape_cast %reduce_sum3A_1326 : vector<256xf32> to vector<1x256xf32>
    %slice3A_1328 = vector.extract_strided_slice %select_n3A_136 {offsets = [1664, 0], sizes = [128, 256], strides = [1, 1]} : vector<2048x256xf32> to vector<128x256xf32>
    %slice3A_1329 = vector.extract_strided_slice %add3A_146 {offsets = [1664, 0], sizes = [128, 256], strides = [1, 1]} : vector<2048x256xf32> to vector<128x256xf32>
    %reduce_sum3A_1330 = arith.constant dense<0.000000e+00> : vector<256xf32>
    %reduce_sum3A_1331 = vector.multi_reduction <add>, %slice3A_1329, %reduce_sum3A_1330 [0] : vector<128x256xf32> to vector<256xf32>
    %broadcast_in_dim3A_1332 = vector.shape_cast %reduce_sum3A_1331 : vector<256xf32> to vector<1x256xf32>
    %div3A_1333 = arith.constant 1.280000e+02 : f32
    %div3A_1334 = vector.broadcast %div3A_1333 : f32 to vector<1x256xf32>
    %div3A_1335 = arith.divf %broadcast_in_dim3A_1332, %div3A_1334 : vector<1x256xf32>
    %sub3A_1336 = vector.broadcast %div3A_1335 : vector<1x256xf32> to vector<128x256xf32>
    %sub3A_1337 = arith.subf %slice3A_1329, %sub3A_1336 : vector<128x256xf32>
    %integer_pow3A_1338 = arith.mulf %sub3A_1337, %sub3A_1337 : vector<128x256xf32>
    %reduce_sum3A_1339 = arith.constant dense<0.000000e+00> : vector<256xf32>
    %reduce_sum3A_1340 = vector.multi_reduction <add>, %integer_pow3A_1338, %reduce_sum3A_1339 [0] : vector<128x256xf32> to vector<256xf32>
    %broadcast_in_dim3A_1341 = vector.shape_cast %reduce_sum3A_1340 : vector<256xf32> to vector<1x256xf32>
    %div3A_1342 = arith.constant 1.280000e+02 : f32
    %div3A_1343 = vector.broadcast %div3A_1342 : f32 to vector<1x256xf32>
    %div3A_1344 = arith.divf %broadcast_in_dim3A_1341, %div3A_1343 : vector<1x256xf32>
    %sub3A_1345 = vector.broadcast %div3A_1335 : vector<1x256xf32> to vector<128x256xf32>
    %sub3A_1346 = arith.subf %slice3A_1329, %sub3A_1345 : vector<128x256xf32>
    %add3A_1347 = arith.constant 9.99999974E-6 : f32
    %add3A_1348 = vector.broadcast %add3A_1347 : f32 to vector<1x256xf32>
    %add3A_1349 = arith.addf %div3A_1344, %add3A_1348 : vector<1x256xf32>
    %sqrt3A_1350 = math.sqrt %add3A_1349 : vector<1x256xf32>
    %div3A_1351 = vector.broadcast %sqrt3A_1350 : vector<1x256xf32> to vector<128x256xf32>
    %div3A_1352 = arith.divf %sub3A_1346, %div3A_1351 : vector<128x256xf32>
    %mul3A_1353 = vector.broadcast %get3A_149 : vector<1x256xf32> to vector<128x256xf32>
    %mul3A_1354 = arith.mulf %div3A_1352, %mul3A_1353 : vector<128x256xf32>
    %add3A_1355 = vector.broadcast %get3A_152 : vector<1x256xf32> to vector<128x256xf32>
    %add3A_1356 = arith.addf %mul3A_1354, %add3A_1355 : vector<128x256xf32>
    %max3A_1357 = arith.constant 0.000000e+00 : f32
    %max3A_1358 = vector.broadcast %max3A_1357 : f32 to vector<128x256xf32>
    %max3A_1359 = arith.maximumf %add3A_1356, %max3A_1358 : vector<128x256xf32>
    %get3A_1360 = arith.constant 0 : index
    %get3A_1361 = arith.constant 0 : index
    %get3A_1362 = vector.load %arg15[%get3A_1360, %get3A_1361] : memref<256x1xf32, #tpu.memory_space<vmem>>, vector<256x1xf32>
    %dot_general3A_1363 = arith.constant dense<0.000000e+00> : vector<128x1xf32>
    %dot_general3A_1364 = tpu.matmul %max3A_1359, %get3A_1362, %dot_general3A_1363 {dimension_numbers = #tpu.dot_dimension_numbers<[1], [0], [0], [1], [0, 0, 1, 1], [], []>, transpose_lhs_hint = false} : vector<128x256xf32>, vector<256x1xf32>, vector<128x1xf32> -> vector<128x1xf32>
    %get3A_1365 = arith.constant 0 : index
    %get3A_1366 = arith.constant 0 : index
    %get3A_1367 = vector.load %arg16[%get3A_1365, %get3A_1366] : memref<1x1xf32, #tpu.memory_space<vmem>>, vector<1x1xf32>
    %add3A_1368 = vector.broadcast %get3A_1367 : vector<1x1xf32> to vector<128x1xf32>
    %add3A_1369 = arith.addf %dot_general3A_1364, %add3A_1368 : vector<128x1xf32>
    %get3A_1370 = arith.constant 1664 : index
    %get3A_1371 = arith.constant 0 : index
    %get3A_1372 = vector.load %arg17[%get3A_1370, %get3A_1371] : memref<2048x1xf32, #tpu.memory_space<vmem>>, vector<128x1xf32>
    %add3A_1373 = arith.addf %get3A_1372, %add3A_1369 : vector<128x1xf32>
    %logistic3A_1374 = arith.negf %add3A_1373 : vector<128x1xf32>
    %logistic3A_1375 = math.exp %logistic3A_1374 : vector<128x1xf32>
    %logistic3A_1376 = arith.constant 1.000000e+00 : f32
    %logistic3A_1377 = vector.broadcast %logistic3A_1376 : f32 to vector<128x1xf32>
    %logistic3A_1378 = arith.addf %logistic3A_1377, %logistic3A_1375 : vector<128x1xf32>
    %logistic3A_1379 = arith.divf %logistic3A_1377, %logistic3A_1378 : vector<128x1xf32>
    %sub3A_1380 = arith.constant 1.000000e+00 : f32
    %sub3A_1381 = vector.broadcast %sub3A_1380 : f32 to vector<128x1xf32>
    %sub3A_1382 = arith.subf %sub3A_1381, %logistic3A_1379 : vector<128x1xf32>
    %reduce_sum3A_1383 = arith.constant dense<0.000000e+00> : vector<256xf32>
    %reduce_sum3A_1384 = vector.multi_reduction <add>, %slice3A_1328, %reduce_sum3A_1383 [0] : vector<128x256xf32> to vector<256xf32>
    %broadcast_in_dim3A_1385 = vector.shape_cast %reduce_sum3A_1384 : vector<256xf32> to vector<1x256xf32>
    %div3A_1386 = arith.constant 1.280000e+02 : f32
    %div3A_1387 = vector.broadcast %div3A_1386 : f32 to vector<1x256xf32>
    %div3A_1388 = arith.divf %broadcast_in_dim3A_1385, %div3A_1387 : vector<1x256xf32>
    %sub3A_1389 = vector.broadcast %div3A_1388 : vector<1x256xf32> to vector<128x256xf32>
    %sub3A_1390 = arith.subf %slice3A_1328, %sub3A_1389 : vector<128x256xf32>
    %integer_pow3A_1391 = arith.mulf %sub3A_1390, %sub3A_1390 : vector<128x256xf32>
    %reduce_sum3A_1392 = arith.constant dense<0.000000e+00> : vector<256xf32>
    %reduce_sum3A_1393 = vector.multi_reduction <add>, %integer_pow3A_1391, %reduce_sum3A_1392 [0] : vector<128x256xf32> to vector<256xf32>
    %broadcast_in_dim3A_1394 = vector.shape_cast %reduce_sum3A_1393 : vector<256xf32> to vector<1x256xf32>
    %div3A_1395 = arith.constant 1.270000e+02 : f32
    %div3A_1396 = vector.broadcast %div3A_1395 : f32 to vector<1x256xf32>
    %div3A_1397 = arith.divf %broadcast_in_dim3A_1394, %div3A_1396 : vector<1x256xf32>
    %sqrt3A_1398 = math.sqrt %div3A_1397 : vector<1x256xf32>
    %mul3A_1399 = vector.broadcast %logistic3A_1379 : vector<128x1xf32> to vector<128x256xf32>
    %mul3A_1400 = arith.mulf %mul3A_1399, %slice3A_1328 : vector<128x256xf32>
    %mul3A_1401 = vector.broadcast %sub3A_1382 : vector<128x1xf32> to vector<128x256xf32>
    %mul3A_1402 = vector.broadcast %div3A_1388 : vector<1x256xf32> to vector<128x256xf32>
    %mul3A_1403 = arith.mulf %mul3A_1401, %mul3A_1402 : vector<128x256xf32>
    %add3A_1404 = arith.addf %mul3A_1400, %mul3A_1403 : vector<128x256xf32>
    %mul3A_1405 = vector.broadcast %sub3A_1382 : vector<128x1xf32> to vector<128x256xf32>
    %mul3A_1406 = vector.broadcast %sqrt3A_1398 : vector<1x256xf32> to vector<128x256xf32>
    %mul3A_1407 = arith.mulf %mul3A_1405, %mul3A_1406 : vector<128x256xf32>
    %get3A_1408 = arith.constant 1664 : index
    %get3A_1409 = arith.constant 0 : index
    %get3A_1410 = vector.load %arg18[%get3A_1408, %get3A_1409] : memref<2048x256xf32, #tpu.memory_space<vmem>>, vector<128x256xf32>
    %mul3A_1411 = arith.mulf %get3A_1410, %mul3A_1407 : vector<128x256xf32>
    %add3A_1412 = arith.addf %add3A_1404, %mul3A_1411 : vector<128x256xf32>
    %reduce_sum3A_1413 = arith.constant dense<0.000000e+00> : vector<256xf32>
    %reduce_sum3A_1414 = vector.multi_reduction <add>, %add3A_1412, %reduce_sum3A_1413 [0] : vector<128x256xf32> to vector<256xf32>
    %broadcast_in_dim3A_1415 = vector.shape_cast %reduce_sum3A_1414 : vector<256xf32> to vector<1x256xf32>
    %reduce_sum3A_1416 = arith.constant dense<0.000000e+00> : vector<256xf32>
    %reduce_sum3A_1417 = vector.multi_reduction <add>, %slice3A_1328, %reduce_sum3A_1416 [0] : vector<128x256xf32> to vector<256xf32>
    %broadcast_in_dim3A_1418 = vector.shape_cast %reduce_sum3A_1417 : vector<256xf32> to vector<1x256xf32>
    %slice3A_1419 = vector.extract_strided_slice %select_n3A_136 {offsets = [1792, 0], sizes = [128, 256], strides = [1, 1]} : vector<2048x256xf32> to vector<128x256xf32>
    %slice3A_1420 = vector.extract_strided_slice %add3A_146 {offsets = [1792, 0], sizes = [128, 256], strides = [1, 1]} : vector<2048x256xf32> to vector<128x256xf32>
    %reduce_sum3A_1421 = arith.constant dense<0.000000e+00> : vector<256xf32>
    %reduce_sum3A_1422 = vector.multi_reduction <add>, %slice3A_1420, %reduce_sum3A_1421 [0] : vector<128x256xf32> to vector<256xf32>
    %broadcast_in_dim3A_1423 = vector.shape_cast %reduce_sum3A_1422 : vector<256xf32> to vector<1x256xf32>
    %div3A_1424 = arith.constant 1.280000e+02 : f32
    %div3A_1425 = vector.broadcast %div3A_1424 : f32 to vector<1x256xf32>
    %div3A_1426 = arith.divf %broadcast_in_dim3A_1423, %div3A_1425 : vector<1x256xf32>
    %sub3A_1427 = vector.broadcast %div3A_1426 : vector<1x256xf32> to vector<128x256xf32>
    %sub3A_1428 = arith.subf %slice3A_1420, %sub3A_1427 : vector<128x256xf32>
    %integer_pow3A_1429 = arith.mulf %sub3A_1428, %sub3A_1428 : vector<128x256xf32>
    %reduce_sum3A_1430 = arith.constant dense<0.000000e+00> : vector<256xf32>
    %reduce_sum3A_1431 = vector.multi_reduction <add>, %integer_pow3A_1429, %reduce_sum3A_1430 [0] : vector<128x256xf32> to vector<256xf32>
    %broadcast_in_dim3A_1432 = vector.shape_cast %reduce_sum3A_1431 : vector<256xf32> to vector<1x256xf32>
    %div3A_1433 = arith.constant 1.280000e+02 : f32
    %div3A_1434 = vector.broadcast %div3A_1433 : f32 to vector<1x256xf32>
    %div3A_1435 = arith.divf %broadcast_in_dim3A_1432, %div3A_1434 : vector<1x256xf32>
    %sub3A_1436 = vector.broadcast %div3A_1426 : vector<1x256xf32> to vector<128x256xf32>
    %sub3A_1437 = arith.subf %slice3A_1420, %sub3A_1436 : vector<128x256xf32>
    %add3A_1438 = arith.constant 9.99999974E-6 : f32
    %add3A_1439 = vector.broadcast %add3A_1438 : f32 to vector<1x256xf32>
    %add3A_1440 = arith.addf %div3A_1435, %add3A_1439 : vector<1x256xf32>
    %sqrt3A_1441 = math.sqrt %add3A_1440 : vector<1x256xf32>
    %div3A_1442 = vector.broadcast %sqrt3A_1441 : vector<1x256xf32> to vector<128x256xf32>
    %div3A_1443 = arith.divf %sub3A_1437, %div3A_1442 : vector<128x256xf32>
    %mul3A_1444 = vector.broadcast %get3A_149 : vector<1x256xf32> to vector<128x256xf32>
    %mul3A_1445 = arith.mulf %div3A_1443, %mul3A_1444 : vector<128x256xf32>
    %add3A_1446 = vector.broadcast %get3A_152 : vector<1x256xf32> to vector<128x256xf32>
    %add3A_1447 = arith.addf %mul3A_1445, %add3A_1446 : vector<128x256xf32>
    %max3A_1448 = arith.constant 0.000000e+00 : f32
    %max3A_1449 = vector.broadcast %max3A_1448 : f32 to vector<128x256xf32>
    %max3A_1450 = arith.maximumf %add3A_1447, %max3A_1449 : vector<128x256xf32>
    %get3A_1451 = arith.constant 0 : index
    %get3A_1452 = arith.constant 0 : index
    %get3A_1453 = vector.load %arg15[%get3A_1451, %get3A_1452] : memref<256x1xf32, #tpu.memory_space<vmem>>, vector<256x1xf32>
    %dot_general3A_1454 = arith.constant dense<0.000000e+00> : vector<128x1xf32>
    %dot_general3A_1455 = tpu.matmul %max3A_1450, %get3A_1453, %dot_general3A_1454 {dimension_numbers = #tpu.dot_dimension_numbers<[1], [0], [0], [1], [0, 0, 1, 1], [], []>, transpose_lhs_hint = false} : vector<128x256xf32>, vector<256x1xf32>, vector<128x1xf32> -> vector<128x1xf32>
    %get3A_1456 = arith.constant 0 : index
    %get3A_1457 = arith.constant 0 : index
    %get3A_1458 = vector.load %arg16[%get3A_1456, %get3A_1457] : memref<1x1xf32, #tpu.memory_space<vmem>>, vector<1x1xf32>
    %add3A_1459 = vector.broadcast %get3A_1458 : vector<1x1xf32> to vector<128x1xf32>
    %add3A_1460 = arith.addf %dot_general3A_1455, %add3A_1459 : vector<128x1xf32>
    %get3A_1461 = arith.constant 1792 : index
    %get3A_1462 = arith.constant 0 : index
    %get3A_1463 = vector.load %arg17[%get3A_1461, %get3A_1462] : memref<2048x1xf32, #tpu.memory_space<vmem>>, vector<128x1xf32>
    %add3A_1464 = arith.addf %get3A_1463, %add3A_1460 : vector<128x1xf32>
    %logistic3A_1465 = arith.negf %add3A_1464 : vector<128x1xf32>
    %logistic3A_1466 = math.exp %logistic3A_1465 : vector<128x1xf32>
    %logistic3A_1467 = arith.constant 1.000000e+00 : f32
    %logistic3A_1468 = vector.broadcast %logistic3A_1467 : f32 to vector<128x1xf32>
    %logistic3A_1469 = arith.addf %logistic3A_1468, %logistic3A_1466 : vector<128x1xf32>
    %logistic3A_1470 = arith.divf %logistic3A_1468, %logistic3A_1469 : vector<128x1xf32>
    %sub3A_1471 = arith.constant 1.000000e+00 : f32
    %sub3A_1472 = vector.broadcast %sub3A_1471 : f32 to vector<128x1xf32>
    %sub3A_1473 = arith.subf %sub3A_1472, %logistic3A_1470 : vector<128x1xf32>
    %reduce_sum3A_1474 = arith.constant dense<0.000000e+00> : vector<256xf32>
    %reduce_sum3A_1475 = vector.multi_reduction <add>, %slice3A_1419, %reduce_sum3A_1474 [0] : vector<128x256xf32> to vector<256xf32>
    %broadcast_in_dim3A_1476 = vector.shape_cast %reduce_sum3A_1475 : vector<256xf32> to vector<1x256xf32>
    %div3A_1477 = arith.constant 1.280000e+02 : f32
    %div3A_1478 = vector.broadcast %div3A_1477 : f32 to vector<1x256xf32>
    %div3A_1479 = arith.divf %broadcast_in_dim3A_1476, %div3A_1478 : vector<1x256xf32>
    %sub3A_1480 = vector.broadcast %div3A_1479 : vector<1x256xf32> to vector<128x256xf32>
    %sub3A_1481 = arith.subf %slice3A_1419, %sub3A_1480 : vector<128x256xf32>
    %integer_pow3A_1482 = arith.mulf %sub3A_1481, %sub3A_1481 : vector<128x256xf32>
    %reduce_sum3A_1483 = arith.constant dense<0.000000e+00> : vector<256xf32>
    %reduce_sum3A_1484 = vector.multi_reduction <add>, %integer_pow3A_1482, %reduce_sum3A_1483 [0] : vector<128x256xf32> to vector<256xf32>
    %broadcast_in_dim3A_1485 = vector.shape_cast %reduce_sum3A_1484 : vector<256xf32> to vector<1x256xf32>
    %div3A_1486 = arith.constant 1.270000e+02 : f32
    %div3A_1487 = vector.broadcast %div3A_1486 : f32 to vector<1x256xf32>
    %div3A_1488 = arith.divf %broadcast_in_dim3A_1485, %div3A_1487 : vector<1x256xf32>
    %sqrt3A_1489 = math.sqrt %div3A_1488 : vector<1x256xf32>
    %mul3A_1490 = vector.broadcast %logistic3A_1470 : vector<128x1xf32> to vector<128x256xf32>
    %mul3A_1491 = arith.mulf %mul3A_1490, %slice3A_1419 : vector<128x256xf32>
    %mul3A_1492 = vector.broadcast %sub3A_1473 : vector<128x1xf32> to vector<128x256xf32>
    %mul3A_1493 = vector.broadcast %div3A_1479 : vector<1x256xf32> to vector<128x256xf32>
    %mul3A_1494 = arith.mulf %mul3A_1492, %mul3A_1493 : vector<128x256xf32>
    %add3A_1495 = arith.addf %mul3A_1491, %mul3A_1494 : vector<128x256xf32>
    %mul3A_1496 = vector.broadcast %sub3A_1473 : vector<128x1xf32> to vector<128x256xf32>
    %mul3A_1497 = vector.broadcast %sqrt3A_1489 : vector<1x256xf32> to vector<128x256xf32>
    %mul3A_1498 = arith.mulf %mul3A_1496, %mul3A_1497 : vector<128x256xf32>
    %get3A_1499 = arith.constant 1792 : index
    %get3A_1500 = arith.constant 0 : index
    %get3A_1501 = vector.load %arg18[%get3A_1499, %get3A_1500] : memref<2048x256xf32, #tpu.memory_space<vmem>>, vector<128x256xf32>
    %mul3A_1502 = arith.mulf %get3A_1501, %mul3A_1498 : vector<128x256xf32>
    %add3A_1503 = arith.addf %add3A_1495, %mul3A_1502 : vector<128x256xf32>
    %reduce_sum3A_1504 = arith.constant dense<0.000000e+00> : vector<256xf32>
    %reduce_sum3A_1505 = vector.multi_reduction <add>, %add3A_1503, %reduce_sum3A_1504 [0] : vector<128x256xf32> to vector<256xf32>
    %broadcast_in_dim3A_1506 = vector.shape_cast %reduce_sum3A_1505 : vector<256xf32> to vector<1x256xf32>
    %reduce_sum3A_1507 = arith.constant dense<0.000000e+00> : vector<256xf32>
    %reduce_sum3A_1508 = vector.multi_reduction <add>, %slice3A_1419, %reduce_sum3A_1507 [0] : vector<128x256xf32> to vector<256xf32>
    %broadcast_in_dim3A_1509 = vector.shape_cast %reduce_sum3A_1508 : vector<256xf32> to vector<1x256xf32>
    %slice3A_1510 = vector.extract_strided_slice %select_n3A_136 {offsets = [1920, 0], sizes = [128, 256], strides = [1, 1]} : vector<2048x256xf32> to vector<128x256xf32>
    %slice3A_1511 = vector.extract_strided_slice %add3A_146 {offsets = [1920, 0], sizes = [128, 256], strides = [1, 1]} : vector<2048x256xf32> to vector<128x256xf32>
    %reduce_sum3A_1512 = arith.constant dense<0.000000e+00> : vector<256xf32>
    %reduce_sum3A_1513 = vector.multi_reduction <add>, %slice3A_1511, %reduce_sum3A_1512 [0] : vector<128x256xf32> to vector<256xf32>
    %broadcast_in_dim3A_1514 = vector.shape_cast %reduce_sum3A_1513 : vector<256xf32> to vector<1x256xf32>
    %div3A_1515 = arith.constant 1.280000e+02 : f32
    %div3A_1516 = vector.broadcast %div3A_1515 : f32 to vector<1x256xf32>
    %div3A_1517 = arith.divf %broadcast_in_dim3A_1514, %div3A_1516 : vector<1x256xf32>
    %sub3A_1518 = vector.broadcast %div3A_1517 : vector<1x256xf32> to vector<128x256xf32>
    %sub3A_1519 = arith.subf %slice3A_1511, %sub3A_1518 : vector<128x256xf32>
    %integer_pow3A_1520 = arith.mulf %sub3A_1519, %sub3A_1519 : vector<128x256xf32>
    %reduce_sum3A_1521 = arith.constant dense<0.000000e+00> : vector<256xf32>
    %reduce_sum3A_1522 = vector.multi_reduction <add>, %integer_pow3A_1520, %reduce_sum3A_1521 [0] : vector<128x256xf32> to vector<256xf32>
    %broadcast_in_dim3A_1523 = vector.shape_cast %reduce_sum3A_1522 : vector<256xf32> to vector<1x256xf32>
    %div3A_1524 = arith.constant 1.280000e+02 : f32
    %div3A_1525 = vector.broadcast %div3A_1524 : f32 to vector<1x256xf32>
    %div3A_1526 = arith.divf %broadcast_in_dim3A_1523, %div3A_1525 : vector<1x256xf32>
    %sub3A_1527 = vector.broadcast %div3A_1517 : vector<1x256xf32> to vector<128x256xf32>
    %sub3A_1528 = arith.subf %slice3A_1511, %sub3A_1527 : vector<128x256xf32>
    %add3A_1529 = arith.constant 9.99999974E-6 : f32
    %add3A_1530 = vector.broadcast %add3A_1529 : f32 to vector<1x256xf32>
    %add3A_1531 = arith.addf %div3A_1526, %add3A_1530 : vector<1x256xf32>
    %sqrt3A_1532 = math.sqrt %add3A_1531 : vector<1x256xf32>
    %div3A_1533 = vector.broadcast %sqrt3A_1532 : vector<1x256xf32> to vector<128x256xf32>
    %div3A_1534 = arith.divf %sub3A_1528, %div3A_1533 : vector<128x256xf32>
    %mul3A_1535 = vector.broadcast %get3A_149 : vector<1x256xf32> to vector<128x256xf32>
    %mul3A_1536 = arith.mulf %div3A_1534, %mul3A_1535 : vector<128x256xf32>
    %add3A_1537 = vector.broadcast %get3A_152 : vector<1x256xf32> to vector<128x256xf32>
    %add3A_1538 = arith.addf %mul3A_1536, %add3A_1537 : vector<128x256xf32>
    %max3A_1539 = arith.constant 0.000000e+00 : f32
    %max3A_1540 = vector.broadcast %max3A_1539 : f32 to vector<128x256xf32>
    %max3A_1541 = arith.maximumf %add3A_1538, %max3A_1540 : vector<128x256xf32>
    %get3A_1542 = arith.constant 0 : index
    %get3A_1543 = arith.constant 0 : index
    %get3A_1544 = vector.load %arg15[%get3A_1542, %get3A_1543] : memref<256x1xf32, #tpu.memory_space<vmem>>, vector<256x1xf32>
    %dot_general3A_1545 = arith.constant dense<0.000000e+00> : vector<128x1xf32>
    %dot_general3A_1546 = tpu.matmul %max3A_1541, %get3A_1544, %dot_general3A_1545 {dimension_numbers = #tpu.dot_dimension_numbers<[1], [0], [0], [1], [0, 0, 1, 1], [], []>, transpose_lhs_hint = false} : vector<128x256xf32>, vector<256x1xf32>, vector<128x1xf32> -> vector<128x1xf32>
    %get3A_1547 = arith.constant 0 : index
    %get3A_1548 = arith.constant 0 : index
    %get3A_1549 = vector.load %arg16[%get3A_1547, %get3A_1548] : memref<1x1xf32, #tpu.memory_space<vmem>>, vector<1x1xf32>
    %add3A_1550 = vector.broadcast %get3A_1549 : vector<1x1xf32> to vector<128x1xf32>
    %add3A_1551 = arith.addf %dot_general3A_1546, %add3A_1550 : vector<128x1xf32>
    %get3A_1552 = arith.constant 1920 : index
    %get3A_1553 = arith.constant 0 : index
    %get3A_1554 = vector.load %arg17[%get3A_1552, %get3A_1553] : memref<2048x1xf32, #tpu.memory_space<vmem>>, vector<128x1xf32>
    %add3A_1555 = arith.addf %get3A_1554, %add3A_1551 : vector<128x1xf32>
    %logistic3A_1556 = arith.negf %add3A_1555 : vector<128x1xf32>
    %logistic3A_1557 = math.exp %logistic3A_1556 : vector<128x1xf32>
    %logistic3A_1558 = arith.constant 1.000000e+00 : f32
    %logistic3A_1559 = vector.broadcast %logistic3A_1558 : f32 to vector<128x1xf32>
    %logistic3A_1560 = arith.addf %logistic3A_1559, %logistic3A_1557 : vector<128x1xf32>
    %logistic3A_1561 = arith.divf %logistic3A_1559, %logistic3A_1560 : vector<128x1xf32>
    %sub3A_1562 = arith.constant 1.000000e+00 : f32
    %sub3A_1563 = vector.broadcast %sub3A_1562 : f32 to vector<128x1xf32>
    %sub3A_1564 = arith.subf %sub3A_1563, %logistic3A_1561 : vector<128x1xf32>
    %reduce_sum3A_1565 = arith.constant dense<0.000000e+00> : vector<256xf32>
    %reduce_sum3A_1566 = vector.multi_reduction <add>, %slice3A_1510, %reduce_sum3A_1565 [0] : vector<128x256xf32> to vector<256xf32>
    %broadcast_in_dim3A_1567 = vector.shape_cast %reduce_sum3A_1566 : vector<256xf32> to vector<1x256xf32>
    %div3A_1568 = arith.constant 1.280000e+02 : f32
    %div3A_1569 = vector.broadcast %div3A_1568 : f32 to vector<1x256xf32>
    %div3A_1570 = arith.divf %broadcast_in_dim3A_1567, %div3A_1569 : vector<1x256xf32>
    %sub3A_1571 = vector.broadcast %div3A_1570 : vector<1x256xf32> to vector<128x256xf32>
    %sub3A_1572 = arith.subf %slice3A_1510, %sub3A_1571 : vector<128x256xf32>
    %integer_pow3A_1573 = arith.mulf %sub3A_1572, %sub3A_1572 : vector<128x256xf32>
    %reduce_sum3A_1574 = arith.constant dense<0.000000e+00> : vector<256xf32>
    %reduce_sum3A_1575 = vector.multi_reduction <add>, %integer_pow3A_1573, %reduce_sum3A_1574 [0] : vector<128x256xf32> to vector<256xf32>
    %broadcast_in_dim3A_1576 = vector.shape_cast %reduce_sum3A_1575 : vector<256xf32> to vector<1x256xf32>
    %div3A_1577 = arith.constant 1.270000e+02 : f32
    %div3A_1578 = vector.broadcast %div3A_1577 : f32 to vector<1x256xf32>
    %div3A_1579 = arith.divf %broadcast_in_dim3A_1576, %div3A_1578 : vector<1x256xf32>
    %sqrt3A_1580 = math.sqrt %div3A_1579 : vector<1x256xf32>
    %mul3A_1581 = vector.broadcast %logistic3A_1561 : vector<128x1xf32> to vector<128x256xf32>
    %mul3A_1582 = arith.mulf %mul3A_1581, %slice3A_1510 : vector<128x256xf32>
    %mul3A_1583 = vector.broadcast %sub3A_1564 : vector<128x1xf32> to vector<128x256xf32>
    %mul3A_1584 = vector.broadcast %div3A_1570 : vector<1x256xf32> to vector<128x256xf32>
    %mul3A_1585 = arith.mulf %mul3A_1583, %mul3A_1584 : vector<128x256xf32>
    %add3A_1586 = arith.addf %mul3A_1582, %mul3A_1585 : vector<128x256xf32>
    %mul3A_1587 = vector.broadcast %sub3A_1564 : vector<128x1xf32> to vector<128x256xf32>
    %mul3A_1588 = vector.broadcast %sqrt3A_1580 : vector<1x256xf32> to vector<128x256xf32>
    %mul3A_1589 = arith.mulf %mul3A_1587, %mul3A_1588 : vector<128x256xf32>
    %get3A_1590 = arith.constant 1920 : index
    %get3A_1591 = arith.constant 0 : index
    %get3A_1592 = vector.load %arg18[%get3A_1590, %get3A_1591] : memref<2048x256xf32, #tpu.memory_space<vmem>>, vector<128x256xf32>
    %mul3A_1593 = arith.mulf %get3A_1592, %mul3A_1589 : vector<128x256xf32>
    %add3A_1594 = arith.addf %add3A_1586, %mul3A_1593 : vector<128x256xf32>
    %reduce_sum3A_1595 = arith.constant dense<0.000000e+00> : vector<256xf32>
    %reduce_sum3A_1596 = vector.multi_reduction <add>, %add3A_1594, %reduce_sum3A_1595 [0] : vector<128x256xf32> to vector<256xf32>
    %broadcast_in_dim3A_1597 = vector.shape_cast %reduce_sum3A_1596 : vector<256xf32> to vector<1x256xf32>
    %reduce_sum3A_1598 = arith.constant dense<0.000000e+00> : vector<256xf32>
    %reduce_sum3A_1599 = vector.multi_reduction <add>, %slice3A_1510, %reduce_sum3A_1598 [0] : vector<128x256xf32> to vector<256xf32>
    %broadcast_in_dim3A_1600 = vector.shape_cast %reduce_sum3A_1599 : vector<256xf32> to vector<1x256xf32>
    %add3A_1601 = arith.constant 1.000000e-07 : f32
    %add3A_1602 = vector.broadcast %add3A_1601 : f32 to vector<1x256xf32>
    %add3A_1603 = arith.addf %sqrt3A_1580, %add3A_1602 : vector<1x256xf32>
    %integer_pow3A_1604 = arith.mulf %mul3A_1589, %mul3A_1589 : vector<128x256xf32>
    %mul3A_1605 = arith.constant 5.000000e-01 : f32
    %mul3A_1606 = vector.broadcast %mul3A_1605 : f32 to vector<128x256xf32>
    %mul3A_1607 = arith.mulf %mul3A_1606, %integer_pow3A_1604 : vector<128x256xf32>
    %integer_pow3A_1608 = arith.mulf %add3A_1603, %add3A_1603 : vector<1x256xf32>
    %div3A_1609 = vector.broadcast %integer_pow3A_1608 : vector<1x256xf32> to vector<128x256xf32>
    %div3A_1610 = arith.divf %mul3A_1607, %div3A_1609 : vector<128x256xf32>
    %sub3A_1611 = vector.broadcast %div3A_1570 : vector<1x256xf32> to vector<128x256xf32>
    %sub3A_1612 = arith.subf %add3A_1586, %sub3A_1611 : vector<128x256xf32>
    %div3A_1613 = vector.broadcast %add3A_1603 : vector<1x256xf32> to vector<128x256xf32>
    %div3A_1614 = arith.divf %sub3A_1612, %div3A_1613 : vector<128x256xf32>
    %integer_pow3A_1615 = arith.mulf %div3A_1614, %div3A_1614 : vector<128x256xf32>
    %reduce_sum3A_1616 = arith.constant dense<0.000000e+00> : vector<256xf32>
    %reduce_sum3A_1617 = vector.multi_reduction <add>, %integer_pow3A_1615, %reduce_sum3A_1616 [0] : vector<128x256xf32> to vector<256xf32>
    %broadcast_in_dim3A_1618 = vector.shape_cast %reduce_sum3A_1617 : vector<256xf32> to vector<1x256xf32>
    %add3A_1619 = vector.broadcast %broadcast_in_dim3A_1618 : vector<1x256xf32> to vector<128x256xf32>
    %add3A_1620 = arith.addf %div3A_1610, %add3A_1619 : vector<128x256xf32>
    %reduce_sum3A_1621 = vector.shape_cast %add3A_1620 : vector<128x256xf32> to vector<1x128x256xf32>
    %reduce_sum3A_1622 = arith.constant dense<0.000000e+00> : vector<1xf32>
    %reduce_sum3A_1623 = vector.multi_reduction <add>, %reduce_sum3A_1621, %reduce_sum3A_1622 [1, 2] : vector<1x128x256xf32> to vector<1xf32>
    %reduce_sum3A_1624 = vector.shape_cast %reduce_sum3A_1623 : vector<1xf32> to vector<1x1x1xf32>
    %reduce_sum3A_1625 = vector.extract %reduce_sum3A_1624[0, 0, 0] : f32 from vector<1x1x1xf32>
    %div3A_1626 = arith.constant 3.276800e+04 : f32
    %div3A_1627 = arith.divf %reduce_sum3A_1625, %div3A_1626 : f32
    %concatenate3A_1628 = tpu.concatenate %broadcast_in_dim3A_232, %broadcast_in_dim3A_323, %broadcast_in_dim3A_414, %broadcast_in_dim3A_505, %broadcast_in_dim3A_596, %broadcast_in_dim3A_687, %broadcast_in_dim3A_778, %broadcast_in_dim3A_869, %broadcast_in_dim3A_960, %broadcast_in_dim3A_1051, %broadcast_in_dim3A_1142, %broadcast_in_dim3A_1233, %broadcast_in_dim3A_1324, %broadcast_in_dim3A_1415, %broadcast_in_dim3A_1506, %broadcast_in_dim3A_1597 in 0 : vector<1x256xf32>, vector<1x256xf32>, vector<1x256xf32>, vector<1x256xf32>, vector<1x256xf32>, vector<1x256xf32>, vector<1x256xf32>, vector<1x256xf32>, vector<1x256xf32>, vector<1x256xf32>, vector<1x256xf32>, vector<1x256xf32>, vector<1x256xf32>, vector<1x256xf32>, vector<1x256xf32>, vector<1x256xf32> -> vector<16x256xf32>
    %concatenate3A_1629 = tpu.concatenate %broadcast_in_dim3A_235, %broadcast_in_dim3A_326, %broadcast_in_dim3A_417, %broadcast_in_dim3A_508, %broadcast_in_dim3A_599, %broadcast_in_dim3A_690, %broadcast_in_dim3A_781, %broadcast_in_dim3A_872, %broadcast_in_dim3A_963, %broadcast_in_dim3A_1054, %broadcast_in_dim3A_1145, %broadcast_in_dim3A_1236, %broadcast_in_dim3A_1327, %broadcast_in_dim3A_1418, %broadcast_in_dim3A_1509, %broadcast_in_dim3A_1600 in 0 : vector<1x256xf32>, vector<1x256xf32>, vector<1x256xf32>, vector<1x256xf32>, vector<1x256xf32>, vector<1x256xf32>, vector<1x256xf32>, vector<1x256xf32>, vector<1x256xf32>, vector<1x256xf32>, vector<1x256xf32>, vector<1x256xf32>, vector<1x256xf32>, vector<1x256xf32>, vector<1x256xf32>, vector<1x256xf32> -> vector<16x256xf32>
    %mul3A_1630 = arith.mulf %concatenate3A_1628, %concatenate3A_1628 : vector<16x256xf32>
    %reduce_sum3A_1631 = arith.constant dense<0.000000e+00> : vector<16xf32>
    %reduce_sum3A_1632 = vector.multi_reduction <add>, %mul3A_1630, %reduce_sum3A_1631 [1] : vector<16x256xf32> to vector<16xf32>
    %broadcast_in_dim3A_1633 = vector.shape_cast %reduce_sum3A_1632 : vector<16xf32> to vector<16x1xf32>
    %sqrt3A_1634 = math.sqrt %broadcast_in_dim3A_1633 : vector<16x1xf32>
    %max3A_1635 = arith.constant 9.99999996E-13 : f32
    %max3A_1636 = vector.broadcast %max3A_1635 : f32 to vector<16x1xf32>
    %max3A_1637 = arith.maximumf %sqrt3A_1634, %max3A_1636 : vector<16x1xf32>
    %div3A_1638 = vector.broadcast %max3A_1637 : vector<16x1xf32> to vector<16x256xf32>
    %div3A_1639 = arith.divf %concatenate3A_1628, %div3A_1638 : vector<16x256xf32>
    %mul3A_1640 = arith.mulf %concatenate3A_1629, %concatenate3A_1629 : vector<16x256xf32>
    %reduce_sum3A_1641 = arith.constant dense<0.000000e+00> : vector<16xf32>
    %reduce_sum3A_1642 = vector.multi_reduction <add>, %mul3A_1640, %reduce_sum3A_1641 [1] : vector<16x256xf32> to vector<16xf32>
    %broadcast_in_dim3A_1643 = vector.shape_cast %reduce_sum3A_1642 : vector<16xf32> to vector<16x1xf32>
    %sqrt3A_1644 = math.sqrt %broadcast_in_dim3A_1643 : vector<16x1xf32>
    %max3A_1645 = arith.constant 9.99999996E-13 : f32
    %max3A_1646 = vector.broadcast %max3A_1645 : f32 to vector<16x1xf32>
    %max3A_1647 = arith.maximumf %sqrt3A_1644, %max3A_1646 : vector<16x1xf32>
    %div3A_1648 = vector.broadcast %max3A_1647 : vector<16x1xf32> to vector<16x256xf32>
    %div3A_1649 = arith.divf %concatenate3A_1629, %div3A_1648 : vector<16x256xf32>
    %dot_general3A_1650 = arith.constant dense<0.000000e+00> : vector<16x16xf32>
    %dot_general3A_1651 = tpu.matmul %div3A_1639, %div3A_1639, %dot_general3A_1650 {dimension_numbers = #tpu.dot_dimension_numbers<[1], [1], [0], [0], [0, 0, 1, 0], [], []>, transpose_lhs_hint = false} : vector<16x256xf32>, vector<16x256xf32>, vector<16x16xf32> -> vector<16x16xf32>
    %exp3A = math.exp %dot_general3A_1651 : vector<16x16xf32>
    %dot_general3A_1652 = arith.constant dense<0.000000e+00> : vector<16x16xf32>
    %dot_general3A_1653 = tpu.matmul %div3A_1639, %div3A_1649, %dot_general3A_1652 {dimension_numbers = #tpu.dot_dimension_numbers<[1], [1], [0], [0], [0, 0, 1, 0], [], []>, transpose_lhs_hint = false} : vector<16x256xf32>, vector<16x256xf32>, vector<16x16xf32> -> vector<16x16xf32>
    %exp3A_1654 = math.exp %dot_general3A_1653 : vector<16x16xf32>
    %iota3A = tpu.iota {dimensions = array<i32: 0>} : vector<16x16xi32>
    %iota3A_1655 = tpu.iota {dimensions = array<i32: 1>} : vector<16x16xi32>
    %eq3A = arith.cmpi eq, %iota3A, %iota3A_1655 : vector<16x16xi32>
    %convert_element_type3A_1656 = arith.extui %eq3A : vector<16x16xi1> to vector<16x16xi32>
    %convert_element_type3A_1657 = arith.sitofp %convert_element_type3A_1656 : vector<16x16xi32> to vector<16x16xf32>
    %mul3A_1658 = arith.mulf %exp3A, %convert_element_type3A_1657 : vector<16x16xf32>
    %reduce_sum3A_1659 = arith.constant dense<0.000000e+00> : vector<16xf32>
    %reduce_sum3A_1660 = vector.multi_reduction <add>, %mul3A_1658, %reduce_sum3A_1659 [1] : vector<16x16xf32> to vector<16xf32>
    %mul3A_1661 = arith.mulf %exp3A_1654, %convert_element_type3A_1657 : vector<16x16xf32>
    %reduce_sum3A_1662 = arith.constant dense<0.000000e+00> : vector<16xf32>
    %reduce_sum3A_1663 = vector.multi_reduction <add>, %mul3A_1661, %reduce_sum3A_1662 [1] : vector<16x16xf32> to vector<16xf32>
    %reduce_sum3A_1664 = arith.constant dense<0.000000e+00> : vector<16xf32>
    %reduce_sum3A_1665 = vector.multi_reduction <add>, %exp3A, %reduce_sum3A_1664 [1] : vector<16x16xf32> to vector<16xf32>
    %reduce_sum3A_1666 = arith.constant dense<0.000000e+00> : vector<16xf32>
    %reduce_sum3A_1667 = vector.multi_reduction <add>, %exp3A_1654, %reduce_sum3A_1666 [1] : vector<16x16xf32> to vector<16xf32>
    %add3A_1668 = arith.addf %reduce_sum3A_1665, %reduce_sum3A_1667 : vector<16xf32>
    %sub3A_1669 = arith.subf %add3A_1668, %reduce_sum3A_1660 : vector<16xf32>
    %log3A = math.log %sub3A_1669 : vector<16xf32>
    %log3A_1670 = math.log %reduce_sum3A_1663 : vector<16xf32>
    %sub3A_1671 = arith.subf %log3A, %log3A_1670 : vector<16xf32>
    %reduce_sum3A_1672 = vector.shape_cast %sub3A_1671 : vector<16xf32> to vector<1x16xf32>
    %reduce_sum3A_1673 = arith.constant dense<0.000000e+00> : vector<1xf32>
    %reduce_sum3A_1674 = vector.multi_reduction <add>, %reduce_sum3A_1672, %reduce_sum3A_1673 [1] : vector<1x16xf32> to vector<1xf32>
    %reduce_sum3A_1675 = vector.shape_cast %reduce_sum3A_1674 : vector<1xf32> to vector<1x1xf32>
    %reduce_sum3A_1676 = vector.extract %reduce_sum3A_1675[0, 0] : f32 from vector<1x1xf32>
    %div3A_1677 = arith.constant 1.600000e+01 : f32
    %div3A_1678 = arith.divf %reduce_sum3A_1676, %div3A_1677 : f32
    %reshape3A_1679 = vector.broadcast %div3A_1627 : f32 to vector<1x1xf32>
    %swap3A = arith.constant 0 : index
    %swap3A_1680 = arith.constant 0 : index
    %swap3A_1681 = vector.load %arg19[%swap3A, %swap3A_1680] : memref<1x1xf32, #tpu.memory_space<vmem>>, vector<1x1xf32>
    tpu.vector_store %arg19[%swap3A, %swap3A_1680], %reshape3A_1679 {strides = array<i32>} : memref<1x1xf32, #tpu.memory_space<vmem>>, vector<1x1xf32>,
    %reshape3A_1682 = vector.broadcast %div3A_1678 : f32 to vector<1x1xf32>
    %swap3A_1683 = arith.constant 0 : index
    %swap3A_1684 = arith.constant 0 : index
    %swap3A_1685 = vector.load %arg20[%swap3A_1683, %swap3A_1684] : memref<1x1xf32, #tpu.memory_space<vmem>>, vector<1x1xf32>
    tpu.vector_store %arg20[%swap3A_1683, %swap3A_1684], %reshape3A_1682 {strides = array<i32>} : memref<1x1xf32, #tpu.memory_space<vmem>>, vector<1x1xf32>,
    return
  }
}

</mosaic_0001>

<sc_bundles>
// kernel: kernel.4.cloned.1.call-start
scs
__scs_entry_jumppad:
0x0: {  	(pc) =	sbr.rel $0x88, $3  }
0x1: {  	(tag) =	ssettag $0x0;
	lr =	simm.s32 $0x1  }
0x2: {  	[smem:$0x3F90] =	sst lr;
	_ =	strace $0xD0000000  }
0x3: {  	_ = 	snop  }
0x4: {  	_ = 	snop  }
0x5: {  	_ = 	snop  }
0x6: {  	_ = 	snop  }
0x7: {  	_ = 	snop  }
__scs_overlays_trampoline_lowered:
0x8: {  	[smem:$0x3F9F] =	sst s0  }
0x9: {  	[smem:$0x3FA0] =	sst s1  }
0xa: {  	[smem:$0x3FA1] =	sst s2  }
0xb: {  	[smem:$0x3FA2] =	sst s3  }
0xc: {  	[smem:$0x3FA3] =	sst s4  }
0xd: {  	[smem:$0x3FA4] =	sst s5  }
0xe: {  	[smem:$0x3FA5] =	sst s6  }
0xf: {  	[smem:$0x3FA6] =	sst s7  }
0x10: {  	[smem:$0x3FA7] =	sst s8  }
0x11: {  	[smem:$0x3FA8] =	sst s9;
	s0 =	simm.s32 @!p0 $0x0  }
0x12: {  	s1 =	sld [smem:$0x3F8E];
	s0 =	simm.s32 @p0 $0x1  }
0x13: {  	[smem:$0x3FA9] =	sst s0;
	s0 =	simm.s32 @!p1 $0x0  }
0x14: {  	s2 =	sld [smem:$0x3F8D];
	s0 =	simm.s32 @p1 $0x1  }
0x15: {  	[smem:$0x3FAA] =	sst s0;
	s0 =	simm.s32 @!p2 $0x0  }
0x16: {  	s3 =	sld [smem:$0x3FDB];
	s0 =	simm.s32 @p2 $0x1  }
0x17: {  	s4 =	simm.s32 $0x1BF5;
	[smem:$0x3FAC] =	sst s0  }
0x18: {  	s0 =	sld [smem:$0x3F8F];
	_ =	swait.ge [sflag:s4], $0x0  }
0x19: {  	s7 =	sld [smem:$0x3F90]  }
0x1a: {  	s8 =	sadd.s32 $0xFFFFE003, lr  }
0x1b: {  	s9 =	sadd.s32 $0xFFFFFEF7, lr;
	s5 =	simm.s32 $0xFFFFFFFF;
	p2 =	slt.u32 s8, $0xFFFFF086  }
0x1c: {  	p1 =	slt.u32 s9, $0xF7A;
	s5 =	simm.s32 @!p2 $0x0  }
0x1d: {  	s5 =	simm.s32 @p1 $0x1;
	p0 =	seq.s32 s7, s2  }
0x1e: {  	s7 =	smul.u32 @!p0 $0xF7A, s2;
	p2 =	seq.s32 @!p0 s5, $0x0  }
0x1f: {  	s9 =	smul.u32 $0xF7A, s1;
	s8 =	simm.s32 @!p0 $0x1BF5;
	p2 =	por !p2, p0  }
0x20: {  	[sflag:s8] =	ssyncset.s32 @!p0 $0xFFFFF086;
	s6 =	sadd.s32 @!p0 s3, s7;
	s7 =	simm.s32 @!p0 $0x108  }
0x21: {  	s3 =	sadd.s32 s3, s9;
	s6 =	sadd.s32 @!p0 $0x88, s6;
	s7 =	simm.s32 @p2 $0x1082  }
0x22: {  	[simem:s7], [sflag:s8] =	dma.local @!p0 [hbm:s6], $0xF7A  }
0x23: {  	s9 =	sor.u32 $0xD0000000, s2;
	s6 =	simm.s32 $0x108;
	_ =	swait.ge @!p0 [sflag:s8], $0x0  }
0x24: {  	s3 =	sadd.s32 $0x88, s3;
	s6 =	simm.s32 @!p1 $0x1082;
	[sflag:s4] =	ssyncset.s32 $0xFFFFF086  }
0x25: {  	[simem:s6], [sflag:s4] =	dma.local [hbm:s3], $0xF7A  }
0x26: {  	[smem:$0x3F90] =	sst s1;
	(tag) =	ssettag s2;
	_ =	strace s9  }
0x27: {  	s1 =	sld [smem:$0x3FA0]  }
0x28: {  	s2 =	sld [smem:$0x3FA1]  }
0x29: {  	s4 =	sld [smem:$0x3FA3]  }
0x2a: {  	p0 =	seq.s32 s5, $0x0;
	s5 =	sld [smem:$0x3FA4]  }
0x2b: {  	s6 =	sld [smem:$0x3FA5]  }
0x2c: {  	s7 =	sld [smem:$0x3FA6]  }
0x2d: {  	s3 =	simm.s32 $0x108;
	s8 =	sld [smem:$0x3FA7]  }
0x2e: {  	s3 =	simm.s32 @!p0 $0x1082;
	s9 =	sld [smem:$0x3FA8]  }
0x2f: {  	lr =	sadd.s32 s0, s3;
	s0 =	sld [smem:$0x3F9F]  }
0x30: {  	s3 =	sld [smem:$0x3FA2]  }
0x31: {  	[smem:$0x3FAB] =	sst s10  }
0x32: {  	s10 =	sld [smem:$0x3FA9];
	_ =	sdelay $0x3  }
0x33: {  	p0 =	seq.s32 s10, $0x1;
	s10 =	sld [smem:$0x3FAB];
	_ =	sdelay $0x3  }
0x34: {  	[smem:$0x3FAB] =	sst s10  }
0x35: {  	s10 =	sld [smem:$0x3FAA];
	_ =	sdelay $0x3  }
0x36: {  	p1 =	seq.s32 s10, $0x1;
	s10 =	sld [smem:$0x3FAB];
	_ =	sdelay $0x3  }
0x37: {  	[smem:$0x3FAB] =	sst s10  }
0x38: {  	s10 =	sld [smem:$0x3FAC]  }
0x39: {  	_ = 	snop;
	(pc) =	sbr.ind lr, $3  }
0x3a: {  	_ = 	snop  }
0x3b: {  	_ = 	snop  }
0x3c: {  	p2 =	seq.s32 s10, $0x1;
	s10 =	sld [smem:$0x3FAB]  }
0x3d: {  	_ =	shalt  }
0x3e: {  	_ =	shalt  }
0x3f: {  	_ =	shalt  }
0x40: {  	_ =	shalt  }
0x41: {  	_ =	shalt  }
0x42: {  	_ =	shalt  }
0x43: {  	_ =	shalt  }
0x44: {  	_ =	shalt  }
0x45: {  	_ =	shalt  }
0x46: {  	_ =	shalt  }
0x47: {  	_ =	shalt  }
0x48: {  	_ =	shalt  }
0x49: {  	_ =	shalt  }
0x4a: {  	_ =	shalt  }
0x4b: {  	_ =	shalt  }
0x4c: {  	_ =	shalt  }
0x4d: {  	_ =	shalt  }
0x4e: {  	_ =	shalt  }
0x4f: {  	_ =	shalt  }
0x50: {  	_ =	shalt  }
0x51: {  	_ =	shalt  }
0x52: {  	_ =	shalt  }
0x53: {  	_ =	shalt  }
0x54: {  	_ =	shalt  }
0x55: {  	_ =	shalt  }
0x56: {  	_ =	shalt  }
0x57: {  	_ =	shalt  }
0x58: {  	_ =	shalt  }
0x59: {  	_ =	shalt  }
0x5a: {  	_ =	shalt  }
0x5b: {  	_ =	shalt  }
0x5c: {  	_ =	shalt  }
0x5d: {  	_ =	shalt  }
0x5e: {  	_ =	shalt  }
0x5f: {  	_ =	shalt  }
0x60: {  	_ =	shalt  }
0x61: {  	_ =	shalt  }
0x62: {  	_ =	shalt  }
0x63: {  	_ =	shalt  }
0x64: {  	_ =	shalt  }
0x65: {  	_ =	shalt  }
0x66: {  	_ =	shalt  }
0x67: {  	_ =	shalt  }
0x68: {  	_ =	shalt  }
0x69: {  	_ =	shalt  }
0x6a: {  	_ =	shalt  }
0x6b: {  	_ =	shalt  }
0x6c: {  	_ =	shalt  }
0x6d: {  	_ =	shalt  }
0x6e: {  	_ =	shalt  }
0x6f: {  	_ =	shalt  }
0x70: {  	_ =	shalt  }
0x71: {  	_ =	shalt  }
0x72: {  	_ =	shalt  }
0x73: {  	_ =	shalt  }
0x74: {  	_ =	shalt  }
0x75: {  	_ =	shalt  }
0x76: {  	_ =	shalt  }
0x77: {  	_ =	shalt  }
0x78: {  	_ =	shalt  }
0x79: {  	_ =	shalt  }
0x7a: {  	_ =	shalt  }
0x7b: {  	_ =	shalt  }
0x7c: {  	_ =	shalt  }
0x7d: {  	_ =	shalt  }
0x7e: {  	_ =	shalt  }
0x7f: {  	_ =	shalt  }
0x80: {  	_ =	shalt  }
0x81: {  	_ =	shalt  }
0x82: {  	_ =	shalt  }
0x83: {  	_ =	shalt  }
0x84: {  	_ =	shalt  }
0x85: {  	_ =	shalt  }
0x86: {  	_ =	shalt  }
0x87: {  	_ =	shalt  }
.Lfunc_end0:
.L_simem_size_0:
called_computation_lowered:
.L_overlay_start_0:
0x88: {  	s2 =	sld [smem:$0x3FD9]  }
0x89: {  	s3 =	sld [smem:$0x3FFE];
	_ =	sdelay $0x1  }
0x8a: {  	s1 =	srdreg.scid  }
0x8b: {  	s0 =	sand.u32 $0x1, s1  }
0x8c: {  	s16 =	sshll.u32 s0, $0xA;
	s2 =	sadd.s32 s3, s2  }
0x8d: {  	s2 =	sadd.s32 s2, s16  }
0x8e: {  	[smem:$0x3FB7] =	sst s2  }
0x8f: {  	_ = 	snop  }
0x90: {  	(tm) =	ssettm $0x1  }
0x91: {  	s17 =	sld [smem:$0x3FFB];
	_ =	sdelay $0x3  }
0x92: {  	_ =	strace s17  }
0x93: {  	s2 =	sld [smem:$0x3FFC];
	_ =	sdelay $0x3  }
0x94: {  	_ =	strace s2  }
0x95: {  	s2 =	sld [smem:$0x3FFD];
	_ =	sdelay $0x3  }
0x96: {  	_ =	strace s2  }
0x97: {  	_ =	strace $0x8FFFFFFF  }
0x98: {  	s18 =	sld [smem:$0x3FDB];
	_ =	sdelay $0x1  }
0x99: {  	s19 =	simm.s32 $_scs_section_size  }
0x9a: {  	s4 =	simm.s32 $_size__tile_overlayer_lowered;
	s5 =	simm.s32 $_tile_overlayer_lowered  }
0x9b: {  	s22 =	simm.s32 $0x1BFF;
	s21 =	sshll.u32 s5, $0x1;
	s2 =	sadd.s32 s19, s18  }
0x9c: {  	s6 =	simm.s32 $0x0;
	s20 =	sshll.u32 s4, $0x1;
	s4 =	sadd.s32 s21, s2  }
0x9d: {  	[timem:s6], [sflag:s22] =	dma.local [hbm:s4], s20  }
0x9e: {  	_ =	swait.ge [sflag:s22], s20  }
0x9f: {  	s3 =	ssub.s32 $0x0, s20;
	[sflag:s22] =	ssyncset.done $0x0  }
0xa0: {  	[sflag:s22] =	ssyncadd.s32 s3;
	_ =	sdelay $0x1  }
0xa1: {  	s23 =	simm.s32 $0x1B8B  }
0xa2: {  	_ =	swait.ge [sflag:s23], $0x1  }
0xa3: {  	[sflag:s23] =	ssyncset.done $0x0  }
0xa4: {  	s25 =	simm.s32 $0x1B8E;
	s24 =	sld [smem:$0x3FFE];
	[sflag:s23] =	ssyncadd.s32 $0xFFFFFFFF  }
0xa5: {  	s26 =	simm.s32 $execute0_lowered;
	[smem:$0x3FD2] =	sst s25  }
0xa6: {  	s4 =	sshll.u32 s26, $0x1;
	_ =	strace $0x80000046;
	[dreg:$0x1] =	wrdreg $0xFFFFFFFF  }
0xa7: {  	s28 =	simm.s32 $_size_execute0_lowered;
	s2 =	sadd.s32 s2, s4;
	[dreg:$0x0] =	wrdreg $0x0  }
0xa8: {  	s4 =	sshll.u32 s28, $0x1;
	[dreg:$0x2] =	wrdreg s2  }
0xa9: {  	[dreg:$0x3] =	wrdreg s4  }
0xaa: {  	[dreg:$0x4] =	wrdreg $0xC0  }
0xab: {  	_ =	task [dreg:s6], $0x5FFFF  }
0xac: {  	[dreg:$0x1] =	wrdreg $0xFFFFFFFF  }
0xad: {  	[dreg:$0x0] =	wrdreg $0x60  }
0xae: {  	[dreg:$0x2] =	wrdreg s24  }
0xaf: {  	[dreg:$0x3] =	wrdreg $0x9  }
0xb0: {  	_ =	task.clear_ibuf [dreg:s6], $0x4FFFF;
	_ =	strace $0x90000046  }
0xb1: {  	s29 =	simm.s32 $0x9;
	_ =	strace $0x80000048  }
0xb2: {  	_ =	swait.ge [sflag:s29], $0x1  }
0xb3: {  	[sflag:s29] =	ssyncadd.s32 $0xFFFFFFFF  }
0xb4: {  	_ =	strace $0x90000048  }
0xb5: {  	_ =	sfence  }
0xb6: {  	s30 =	sld [smem:$0x0];
	_ =	sdelay $0x2  }
0xb7: {  	s31 =	sshll.u32 s1, $0xD;
	s1 =	sshrl.u32 s1, $0x2  }
0xb8: {  	s3 =	sand.u32 $0x4000, s31;
	s1 =	sadd.s32 s1, s30  }
0xb9: {  	s0 =	sor.u32 s3, s0;
	s1 =	sshll.u32 s1, $0x11  }
0xba: {  	s0 =	sor.u32 s1, s0  }
0xbb: {  	s0 =	sadd.s32 $0x8F2B, s0  }
0xbc: {  	[sflag:s0] =	ssyncadd.remote.s32 $0x1  }
0xbd: {  	_ =	sfence.sel $0xFFFF  }
0xbe: {  	[dreg:$0x0] =	wrdreg $0xFFFFFFFF;
	(pc) =	sbr.abs _section_cstart, $3  }
0xbf: {  	[dreg:$0x1] =	wrdreg $0xFFFFFFFF  }
0xc0: {  	_ =	task.clear_ibuf [dreg:s6], $0x2FFFF;
	_ =	strace $0x9FFFFFFF  }
0xc1: {  	(tm) =	ssettm $0x7FFFFFFF  }
tec
execute0_lowered:
.L_overlay_start_1:
0x0: {  	(tag) =	ssettag $0x1  }
0x1: {  	s0 =	rddreg [dreg:$0x0];
	s7 =	simm.s32 $0x0;
	s6 =	stileid.u32  }
0x2: {  	s1 =	srdreg.scid;
	[smem:$0x7FF] =	sst s7;
	s8 =	sadd.s32 $0x2000, s0  }
0x3: {  	s2 =	sand.u32 $0x7, s6;
	s1 =	sand.u32 $0x1, s1;
	s11 =	sadd.s32 $0x4000, s0  }
0x4: {  	s6 =	sshrl.u32 s6, $0x3;
	_ =	strace $0x80000047;
	s3 =	sshll.u32 s2, $0xD  }
0x5: {  	s4 =	ssub.s32 $0x2, s1;
	s1 =	sshll.u32 s1, $0x1;
	[smem:$0x7FA] =	sst s8  }
0x6: {  	[smem:$0x7FB] =	sst s11;
	s5 =	sshrl.u32 s4, $0x1;
	s1 =	sor.u32 s6, s1  }
0x7: {  	s3 =	sadd.s32 s3, s0;
	s4 =	ssub.s32 s4, s5;
	s6 =	sshll.u32 s1, $0xE  }
0x8: {  	s19 =	sshll.u32 s1, $0xB;
	s22 =	smax.u32 s4, $0x1;
	[smem:$0x7FC] =	sst s6  }
0x9: {  	s0 =	sshll.u32 s2, $0x8;
	s9 =	sadd.s32 s8, s19;
	[smem:$0x7D9] =	sst s22  }
0xa: {  	s20 =	sshll.u32 s1, $0x10;
	s2 =	sadd.s32 s11, s19;
	[smem:$0x7E8] =	sst s9  }
0xb: {  	s21 =	sadd.s32 s20, s3;
	s5 =	sor.u32 $0x80, s6;
	[smem:$0x7F8] =	sst s2  }
0xc: {  	s1 =	sadd.s32 $0x6000, s21;
	[smem:$0x7FD] =	sst s5  }
0xd: {  	s23 =	sadd.s32 $0x80, s9;
	[smem:$0x7D8] =	sst s1  }
0xe: {  	s24 =	sadd.s32 $0x100, s9;
	[smem:$0x7DA] =	sst s23  }
0xf: {  	s25 =	sadd.s32 $0x180, s9;
	[smem:$0x7DB] =	sst s24  }
0x10: {  	s26 =	sadd.s32 $0x200, s9;
	[smem:$0x7DC] =	sst s25  }
0x11: {  	s28 =	sadd.s32 $0x280, s9;
	[smem:$0x7DD] =	sst s26  }
0x12: {  	s29 =	sadd.s32 $0x300, s9;
	[smem:$0x7DE] =	sst s28  }
0x13: {  	s30 =	sadd.s32 $0x380, s9;
	[smem:$0x7DF] =	sst s29  }
0x14: {  	s31 =	sadd.s32 $0x400, s9;
	[smem:$0x7E0] =	sst s30  }
0x15: {  	s3 =	sadd.s32 $0x480, s9;
	[smem:$0x7E1] =	sst s31  }
0x16: {  	s4 =	sadd.s32 $0x500, s9;
	[smem:$0x7E2] =	sst s3  }
0x17: {  	s10 =	sadd.s32 $0x580, s9;
	[smem:$0x7E3] =	sst s4  }
0x18: {  	s12 =	sadd.s32 $0x600, s9;
	[smem:$0x7E4] =	sst s10  }
0x19: {  	s13 =	sadd.s32 $0x680, s9;
	[smem:$0x7E5] =	sst s12  }
0x1a: {  	s14 =	sadd.s32 $0x700, s9;
	[smem:$0x7E6] =	sst s13  }
0x1b: {  	s15 =	sadd.s32 $0x780, s9;
	[smem:$0x7E7] =	sst s14  }
0x1c: {  	s16 =	sadd.s32 $0x80, s2;
	[smem:$0x7E9] =	sst s15  }
0x1d: {  	s17 =	sadd.s32 $0x100, s2;
	[smem:$0x7EA] =	sst s16  }
0x1e: {  	s18 =	sadd.s32 $0x180, s2;
	[smem:$0x7EB] =	sst s17  }
0x1f: {  	s19 =	sadd.s32 $0x200, s2;
	[smem:$0x7EC] =	sst s18  }
0x20: {  	s20 =	sadd.s32 $0x280, s2;
	[smem:$0x7ED] =	sst s19  }
0x21: {  	s21 =	sadd.s32 $0x300, s2;
	[smem:$0x7EE] =	sst s20  }
0x22: {  	s22 =	sadd.s32 $0x380, s2;
	[smem:$0x7EF] =	sst s21  }
0x23: {  	[smem:$0x7F0] =	sst s22;
	s23 =	sadd.s32 $0x400, s2  }
0x24: {  	s24 =	sadd.s32 $0x480, s2;
	[smem:$0x7F1] =	sst s23  }
0x25: {  	s25 =	sadd.s32 $0x500, s2;
	[smem:$0x7F2] =	sst s24  }
0x26: {  	s26 =	sadd.s32 $0x580, s2;
	[smem:$0x7F3] =	sst s25  }
0x27: {  	s28 =	sadd.s32 $0x600, s2;
	[smem:$0x7F4] =	sst s26  }
0x28: {  	s29 =	sadd.s32 $0x680, s2;
	[smem:$0x7F5] =	sst s28  }
0x29: {  	s30 =	sadd.s32 $0x700, s2;
	[smem:$0x7F6] =	sst s29  }
0x2a: {  	s31 =	sadd.s32 $0x780, s2;
	[smem:$0x7F7] =	sst s30  }
0x2b: {  	v1 =	vimm.s32 $0x0;
	v2 =	vimm.s32 $0x1;
	v0 =	vmov s0;
	s1 =	simm.s32 $0x2000;
	s3 =	simm.s32 $0x0;
	[smem:$0x7F9] =	sst s31  }
.LBB2_1:
0x2c: {  	s2 =	sand.u32 $0x3C00, s7  }
0x2d: {  	s6 =	sand.u32 $0x40, s7;
	s4 =	sadd.s32 $0x2000, s2  }
0x2e: {  	[smem:$0x7D7] =	sst s3;
	s5 =	sor.u32 $0x10, s6;
	s7 =	sor.u32 s6, s4  }
0x2f: {  	s8 =	sor.u32 s5, s4;
	[tilespmem:s7+$0x100] =	vst v1  }
0x30: {  	s3 =	sor.u32 $0x20, s6;
	[tilespmem:s8+$0x80] =	vst v1  }
0x31: {  	s0 =	sor.u32 s3, s4;
	[tilespmem:s8+$0x100] =	vst v1  }
0x32: {  	[tilespmem:s0+$0x180] =	vst v1  }
0x33: {  	[tilespmem:s7+$0x0] =	vst v1  }
0x34: {  	[tilespmem:s8+$0x180] =	vst v1  }
0x35: {  	[tilespmem:s0+$0x80] =	vst v1  }
0x36: {  	[tilespmem:s0+$0x100] =	vst v1  }
0x37: {  	[tilespmem:s0+$0x0] =	vst v1  }
0x38: {  	[tilespmem:s8+$0x0] =	vst v1  }
0x39: {  	s0 =	sor.u32 $0x30, s6;
	[tilespmem:s7+$0x180] =	vst v1  }
0x3a: {  	p0 =	por $0x0, $0x0;
	s9 =	simm.s32 $0x1;
	[tilespmem:s7+$0x80] =	vst v1;
	s4 =	sor.u32 s0, s4  }
0x3b: {  	s9 =	simm.s32 @!p0 $0x0;
	[tilespmem:s4+$0x0] =	vst v1  }
0x3c: {  	s9 =	sshll.u32 s9, $0x6;
	[tilespmem:s4+$0x80] =	vst v1  }
0x3d: {  	s9 =	sadd.s32 $0x0, s9;
	[tilespmem:s4+$0x100] =	vst v1  }
0x3e: {  	s10 =	sadd.s32 $0x10, s9;
	s28 =	sor.u32 $0x200, s9;
	[tilespmem:s4+$0x180] =	vst v1  }
0x3f: {  	s25 =	sadd.s32 $0x20, s9;
	s11 =	sor.u32 $0x200, s10;
	[tilespmem:s28+$0x2000] =	vst v1  }
0x40: {  	s26 =	sor.u32 $0x200, s25;
	[tilespmem:s11+$0x2000] =	vst v1  }
0x41: {  	s23 =	sor.u32 $0x280, s9;
	s14 =	sadd.s32 $0x30, s9;
	[tilespmem:s26+$0x2000] =	vst v1  }
0x42: {  	s16 =	sor.u32 $0x200, s14;
	[tilespmem:s23+$0x2000] =	vst v1  }
0x43: {  	s29 =	sor.u32 $0x280, s25;
	[tilespmem:s16+$0x2000] =	vst v1  }
0x44: {  	s31 =	sor.u32 $0x280, s10;
	[tilespmem:s29+$0x2000] =	vst v1  }
0x45: {  	s30 =	sor.u32 $0x300, s25;
	s8 =	sor.u32 $0x380, s25;
	s25 =	sor.u32 $0x300, s9;
	[tilespmem:s31+$0x2000] =	vst v1  }
0x46: {  	s18 =	sor.u32 $0x280, s14;
	[tilespmem:s25+$0x2000] =	vst v1  }
0x47: {  	[tilespmem:s18+$0x2000] =	vst v1  }
0x48: {  	s24 =	sor.u32 $0x300, s10;
	[tilespmem:s30+$0x2000] =	vst v1  }
0x49: {  	s26 =	sor.u32 $0x380, s9;
	[tilespmem:s24+$0x2000] =	vst v1  }
0x4a: {  	s19 =	sor.u32 $0x300, s14;
	[tilespmem:s26+$0x2000] =	vst v1  }
0x4b: {  	s11 =	sadd.s32 $0x6000, s2;
	[tilespmem:s19+$0x2000] =	vst v1  }
0x4c: {  	s28 =	sor.u32 s6, s11;
	[tilespmem:s8+$0x2000] =	vst v1  }
0x4d: {  	s31 =	sor.u32 $0x380, s10;
	[tilespmem:s28+$0x0] =	vst v1  }
0x4e: {  	s21 =	sadd.s32 $0x6080, s2;
	s20 =	sor.u32 s3, s11;
	[tilespmem:s31+$0x2000] =	vst v1  }
0x4f: {  	s29 =	sor.u32 s6, s21;
	[tilespmem:s20+$0x0] =	vst v1  }
0x50: {  	s10 =	sor.u32 s5, s11;
	[tilespmem:s29+$0x0] =	vst v1  }
0x51: {  	s8 =	sor.u32 $0x380, s14;
	[tilespmem:s10+$0x0] =	vst v1  }
0x52: {  	s22 =	sor.u32 s3, s21;
	s24 =	sadd.s32 $0x6100, s2;
	[tilespmem:s8+$0x2000] =	vst v1  }
0x53: {  	s30 =	sor.u32 s6, s24;
	[tilespmem:s22+$0x0] =	vst v1  }
0x54: {  	s12 =	sor.u32 s5, s21;
	[tilespmem:s30+$0x0] =	vst v1  }
0x55: {  	s4 =	sor.u32 s0, s11;
	[tilespmem:s12+$0x0] =	vst v1  }
0x56: {  	s13 =	sor.u32 s5, s24;
	[tilespmem:s4+$0x0] =	vst v1  }
0x57: {  	s20 =	sor.u32 s0, s21;
	[tilespmem:s13+$0x0] =	vst v1  }
0x58: {  	s17 =	sadd.s32 $0x6180, s2;
	s22 =	sor.u32 s3, s24;
	[tilespmem:s20+$0x0] =	vst v1  }
0x59: {  	s15 =	sor.u32 s5, s17;
	[tilespmem:s22+$0x0] =	vst v1  }
0x5a: {  	s23 =	sor.u32 s3, s17;
	[tilespmem:s15+$0x0] =	vst v1  }
0x5b: {  	s7 =	sadd.s32 $0x6200, s2;
	s24 =	sor.u32 s0, s24;
	[tilespmem:s23+$0x0] =	vst v1  }
0x5c: {  	s21 =	sor.u32 s5, s7;
	[tilespmem:s24+$0x0] =	vst v1  }
0x5d: {  	s11 =	sadd.s32 $0x6280, s2;
	s25 =	sor.u32 s3, s7;
	[tilespmem:s21+$0x0] =	vst v1  }
0x5e: {  	s26 =	sor.u32 s3, s11;
	s8 =	sadd.s32 $0x6300, s2;
	[tilespmem:s25+$0x0] =	vst v1  }
0x5f: {  	s4 =	sadd.s32 $0x6380, s2;
	s12 =	sor.u32 s3, s8;
	[tilespmem:s26+$0x0] =	vst v1  }
0x60: {  	s9 =	sadd.s32 $0xA000, s2;
	s13 =	sor.u32 s3, s4;
	[tilespmem:s12+$0x0] =	vst v1  }
0x61: {  	s28 =	sor.u32 s3, s9;
	s10 =	sadd.s32 $0xA080, s2;
	[tilespmem:s13+$0x0] =	vst v1  }
0x62: {  	s14 =	sor.u32 s3, s10;
	s13 =	sadd.s32 $0xA100, s2;
	[tilespmem:s28+$0x0] =	vst v1  }
0x63: {  	s12 =	sadd.s32 $0xA180, s2;
	s15 =	sor.u32 s3, s13;
	[tilespmem:s14+$0x0] =	vst v1  }
0x64: {  	s16 =	sor.u32 s3, s12;
	s14 =	sadd.s32 $0xA200, s2;
	[tilespmem:s15+$0x0] =	vst v1  }
0x65: {  	s15 =	sadd.s32 $0xA280, s2;
	s18 =	sor.u32 s3, s14;
	[tilespmem:s16+$0x0] =	vst v1  }
0x66: {  	s16 =	sadd.s32 $0xA300, s2;
	s19 =	sor.u32 s3, s15;
	[tilespmem:s18+$0x0] =	vst v1  }
0x67: {  	s20 =	sor.u32 s3, s16;
	s18 =	sadd.s32 $0xA380, s2;
	[tilespmem:s19+$0x0] =	vst v1  }
0x68: {  	s19 =	sadd.s32 $0xE000, s2;
	s22 =	sor.u32 s3, s18;
	[tilespmem:s20+$0x0] =	vst v1  }
0x69: {  	s21 =	sadd.s32 $0xE080, s2;
	s23 =	sor.u32 s3, s19;
	[tilespmem:s22+$0x0] =	vst v1  }
0x6a: {  	s29 =	sor.u32 s3, s21;
	s20 =	sadd.s32 $0xE100, s2;
	[tilespmem:s23+$0x0] =	vst v1  }
0x6b: {  	s22 =	sadd.s32 $0xE180, s2;
	s25 =	sor.u32 s3, s20;
	[tilespmem:s29+$0x0] =	vst v1  }
0x6c: {  	s26 =	sor.u32 s3, s22;
	s23 =	sadd.s32 $0xE200, s2;
	[tilespmem:s25+$0x0] =	vst v1  }
0x6d: {  	s28 =	sor.u32 s3, s23;
	[tilespmem:s26+$0x0] =	vst v1  }
0x6e: {  	s25 =	sadd.s32 $0xE280, s2;
	s26 =	sor.u32 s5, s11;
	[tilespmem:s28+$0x0] =	vst v1  }
0x6f: {  	s30 =	sor.u32 s3, s25;
	[tilespmem:s26+$0x0] =	vst v1  }
0x70: {  	s29 =	sor.u32 s5, s8;
	[tilespmem:s30+$0x0] =	vst v1  }
0x71: {  	s28 =	sadd.s32 $0xE300, s2;
	s26 =	sor.u32 s0, s17;
	[tilespmem:s29+$0x0] =	vst v1  }
0x72: {  	s31 =	sor.u32 s3, s28;
	[tilespmem:s26+$0x0] =	vst v1  }
0x73: {  	s30 =	sor.u32 s5, s4;
	[tilespmem:s31+$0x0] =	vst v1  }
0x74: {  	s2 =	sadd.s32 $0xE380, s2;
	s29 =	sor.u32 s0, s7;
	[tilespmem:s30+$0x0] =	vst v1  }
0x75: {  	s3 =	sor.u32 s3, s2;
	[tilespmem:s29+$0x0] =	vst v1  }
0x76: {  	s31 =	sor.u32 s5, s9;
	[tilespmem:s3+$0x0] =	vst v1  }
0x77: {  	s30 =	sor.u32 s0, s11;
	[tilespmem:s31+$0x0] =	vst v1  }
0x78: {  	[tilespmem:s30+$0x0] =	vst v1;
	s31 =	sor.u32 s0, s8  }
0x79: {  	s24 =	sor.u32 s0, s4;
	[tilespmem:s31+$0x0] =	vst v1  }
0x7a: {  	s26 =	sor.u32 s0, s9;
	[tilespmem:s24+$0x0] =	vst v1  }
0x7b: {  	s29 =	sor.u32 s0, s10;
	[tilespmem:s26+$0x0] =	vst v1  }
0x7c: {  	s30 =	sor.u32 s0, s13;
	[tilespmem:s29+$0x0] =	vst v1  }
0x7d: {  	s31 =	sor.u32 s0, s12;
	[tilespmem:s30+$0x0] =	vst v1  }
0x7e: {  	s24 =	sor.u32 s0, s14;
	[tilespmem:s31+$0x0] =	vst v1  }
0x7f: {  	s26 =	sor.u32 s0, s15;
	[tilespmem:s24+$0x0] =	vst v1  }
0x80: {  	s29 =	sor.u32 s0, s16;
	[tilespmem:s26+$0x0] =	vst v1  }
0x81: {  	s30 =	sor.u32 s0, s18;
	[tilespmem:s29+$0x0] =	vst v1  }
0x82: {  	s31 =	sor.u32 s0, s19;
	[tilespmem:s30+$0x0] =	vst v1  }
0x83: {  	s24 =	sor.u32 s0, s21;
	[tilespmem:s31+$0x0] =	vst v1  }
0x84: {  	s31 =	sor.u32 s5, s10;
	[tilespmem:s24+$0x0] =	vst v1  }
0x85: {  	s26 =	sor.u32 s0, s20;
	[tilespmem:s31+$0x0] =	vst v1  }
0x86: {  	s29 =	sor.u32 s0, s22;
	[tilespmem:s26+$0x0] =	vst v1  }
0x87: {  	s30 =	sor.u32 s0, s23;
	[tilespmem:s29+$0x0] =	vst v1  }
0x88: {  	s29 =	sor.u32 s6, s17;
	[tilespmem:s30+$0x0] =	vst v1  }
0x89: {  	s24 =	sor.u32 s0, s25;
	[tilespmem:s29+$0x0] =	vst v1  }
0x8a: {  	s30 =	sor.u32 s5, s13;
	[tilespmem:s24+$0x0] =	vst v1  }
0x8b: {  	s26 =	sor.u32 s0, s28;
	[tilespmem:s30+$0x0] =	vst v1  }
0x8c: {  	s31 =	sor.u32 s5, s12;
	[tilespmem:s26+$0x0] =	vst v1  }
0x8d: {  	s17 =	sor.u32 s5, s14;
	[tilespmem:s31+$0x0] =	vst v1  }
0x8e: {  	s0 =	sor.u32 s0, s2;
	[tilespmem:s17+$0x0] =	vst v1  }
0x8f: {  	s24 =	sor.u32 s5, s15;
	[tilespmem:s0+$0x0] =	vst v1  }
0x90: {  	s26 =	sor.u32 s5, s16;
	[tilespmem:s24+$0x0] =	vst v1  }
0x91: {  	s29 =	sor.u32 s5, s18;
	[tilespmem:s26+$0x0] =	vst v1  }
0x92: {  	s30 =	sor.u32 s5, s19;
	[tilespmem:s29+$0x0] =	vst v1  }
0x93: {  	s29 =	sor.u32 s6, s7;
	[tilespmem:s30+$0x0] =	vst v1  }
0x94: {  	s31 =	sor.u32 s5, s21;
	[tilespmem:s29+$0x0] =	vst v1  }
0x95: {  	s30 =	sor.u32 s6, s11;
	[tilespmem:s31+$0x0] =	vst v1  }
0x96: {  	s17 =	sor.u32 s5, s20;
	[tilespmem:s30+$0x0] =	vst v1  }
0x97: {  	s7 =	sor.u32 s6, s8;
	[tilespmem:s17+$0x0] =	vst v1  }
0x98: {  	s24 =	sor.u32 s5, s22;
	[tilespmem:s7+$0x0] =	vst v1  }
0x99: {  	s8 =	sor.u32 s6, s4;
	[tilespmem:s24+$0x0] =	vst v1  }
0x9a: {  	s26 =	sor.u32 s5, s23;
	[tilespmem:s8+$0x0] =	vst v1  }
0x9b: {  	s9 =	sor.u32 s6, s9;
	[tilespmem:s26+$0x0] =	vst v1  }
0x9c: {  	s31 =	sor.u32 s5, s25;
	[tilespmem:s9+$0x0] =	vst v1  }
0x9d: {  	s10 =	sor.u32 s6, s10;
	[tilespmem:s31+$0x0] =	vst v1  }
0x9e: {  	s3 =	sor.u32 s5, s28;
	[tilespmem:s10+$0x0] =	vst v1  }
0x9f: {  	s11 =	sor.u32 s6, s13;
	[tilespmem:s3+$0x0] =	vst v1  }
0xa0: {  	s5 =	sor.u32 s5, s2;
	[tilespmem:s11+$0x0] =	vst v1  }
0xa1: {  	s13 =	sor.u32 s6, s12;
	[tilespmem:s5+$0x0] =	vst v1  }
0xa2: {  	s14 =	sor.u32 s6, s14;
	[tilespmem:s13+$0x0] =	vst v1  }
0xa3: {  	s15 =	sor.u32 s6, s15;
	[tilespmem:s14+$0x0] =	vst v1  }
0xa4: {  	s17 =	sor.u32 s6, s16;
	[tilespmem:s15+$0x0] =	vst v1  }
0xa5: {  	s18 =	sor.u32 s6, s18;
	[tilespmem:s17+$0x0] =	vst v1  }
0xa6: {  	s24 =	sor.u32 s6, s19;
	[tilespmem:s18+$0x0] =	vst v1  }
0xa7: {  	s26 =	sor.u32 s6, s21;
	[tilespmem:s24+$0x0] =	vst v1  }
0xa8: {  	s29 =	simm.s32 $0x0;
	[tilespmem:s26+$0x0] =	vst v1  }
0xa9: {  	s0 =	simm.s32 $0x200;
	s31 =	sor.u32 s6, s20;
	[dreg:$0x2] =	wrdreg s29  }
0xaa: {  	s4 =	sor.u32 s6, s2;
	s30 =	sor.u32 s6, s22;
	s2 =	simm.s32 $0x40;
	[tilespmem:s31+$0x0] =	vst v1  }
0xab: {  	s8 =	sor.u32 s6, s28;
	s21 =	sor.u32 s6, s23;
	s17 =	sor.u32 s6, s25;
	[tilespmem:s30+$0x0] =	vst v1  }
.LBB2_2:
0xac: {  	[tilespmem:s21+$0x0] =	vst v1  }
0xad: {  	[dreg:$0x4] =	wrdreg s2;
	s7 =	sand.u32 $0x3C00, s0;
	s16 =	sand.u32 $0x40, s2;
	[tilespmem:s17+$0x0] =	vst v1  }
0xae: {  	[dreg:$0x3] =	wrdreg s0;
	s22 =	sadd.s32 $0x2000, s7;
	s6 =	sor.u32 $0x10, s16;
	[tilespmem:s8+$0x0] =	vst v1  }
0xaf: {  	s10 =	rddreg [dreg:$0x2];
	s8 =	sor.u32 s6, s22;
	[tilespmem:s4+$0x0] =	vst v1  }
0xb0: {  	p0 =	por !p0, !p0;
	s0 =	simm.s32 $0x1;
	s20 =	sor.u32 $0x20, s16;
	[tilespmem:s8+$0x80] =	vst v1  }
0xb1: {  	s10 =	sadd.s32 $0x4, s10;
	s2 =	sadd.s32 $0x6000, s7;
	s17 =	sor.u32 s20, s22;
	[tilespmem:s8+$0x100] =	vst v1  }
0xb2: {  	s21 =	sadd.s32 $0xA300, s7;
	s0 =	simm.s32 @!p0 $0x0;
	s3 =	sadd.s32 $0x6100, s7;
	[tilespmem:s17+$0x180] =	vst v1  }
0xb3: {  	s12 =	rddreg [dreg:$0x3];
	s5 =	sadd.s32 $0x6380, s7;
	s31 =	sadd.s32 $0x6280, s7;
	[tilespmem:s17+$0x80] =	vst v1  }
0xb4: {  	s18 =	sor.u32 s16, s22;
	s11 =	sor.u32 s16, s2;
	[dreg:$0x2] =	wrdreg s10;
	[tilespmem:s17+$0x100] =	vst v1  }
0xb5: {  	s0 =	sshll.u32 s0, $0x6;
	p1 =	slt.u32 s10, $0x7C;
	[smem:$0x7C5] =	sst s11;
	[tilespmem:s17+$0x0] =	vst v1  }
0xb6: {  	s4 =	sadd.s32 s0, s12;
	s11 =	sor.u32 s16, s3;
	s17 =	sor.u32 s6, s31;
	[tilespmem:s18+$0x100] =	vst v1  }
0xb7: {  	s0 =	sor.u32 $0x200, s4;
	s26 =	sadd.s32 $0x10, s4;
	s25 =	sadd.s32 $0x20, s4;
	[tilespmem:s18+$0x0] =	vst v1  }
0xb8: {  	s14 =	sor.u32 $0x280, s4;
	s19 =	sor.u32 $0x300, s4;
	[smem:$0x7C6] =	sst s11;
	[tilespmem:s18+$0x180] =	vst v1  }
0xb9: {  	[dreg:$0x13] =	wrdreg s17;
	[tilespmem:s18+$0x80] =	vst v1;
	s24 =	sor.u32 $0x200, s25;
	s23 =	sor.u32 $0x280, s25  }
0xba: {  	s30 =	sor.u32 $0x300, s25;
	s28 =	sor.u32 $0x380, s25;
	s25 =	sor.u32 $0x30, s16;
	[tilespmem:s0+$0x2000] =	vst v1  }
0xbb: {  	s11 =	sadd.s32 $0xA180, s7;
	s13 =	sor.u32 s25, s2;
	[tilespmem:s14+$0x2000] =	vst v1;
	s14 =	sld [smem:$0x7C6]  }
0xbc: {  	[tilespmem:s8+$0x180] =	vst v1;
	s29 =	sor.u32 $0x200, s26;
	s15 =	sor.u32 s25, s21;
	[smem:$0x7C7] =	sst s13  }
0xbd: {  	[tilespmem:s8+$0x0] =	vst v1;
	s12 =	sor.u32 s25, s22;
	s22 =	sor.u32 s25, s5;
	[dreg:$0x9] =	wrdreg s15  }
0xbe: {  	s9 =	sadd.s32 $0x30, s4;
	[tilespmem:s29+$0x2000] =	vst v1;
	s29 =	sor.u32 s20, s11;
	[dreg:$0xd] =	wrdreg s22  }
0xbf: {  	s4 =	sor.u32 $0x380, s4;
	s13 =	sor.u32 s25, s31;
	[smem:$0x7CB] =	sst s29  }
0xc0: {  	s17 =	sor.u32 s20, s2;
	s15 =	sor.u32 s16, s31;
	[dreg:$0xe] =	wrdreg s13  }
0xc1: {  	s8 =	sor.u32 $0x200, s9;
	s22 =	sor.u32 s25, s11;
	[dreg:$0x5] =	wrdreg s15  }
0xc2: {  	s18 =	sor.u32 $0x280, s9;
	[tilespmem:s24+$0x2000] =	vst v1;
	[dreg:$0xc] =	wrdreg s22;
	s13 =	sor.u32 s20, s3  }
0xc3: {  	s29 =	sor.u32 s6, s2;
	[tilespmem:s23+$0x2000] =	vst v1;
	s15 =	sor.u32 s20, s31;
	[smem:$0x7C8] =	sst s13  }
0xc4: {  	s2 =	sor.u32 $0x300, s26;
	[tilespmem:s19+$0x2000] =	vst v1;
	s22 =	sor.u32 s20, s5;
	[smem:$0x7C9] =	sst s15  }
0xc5: {  	s31 =	sor.u32 s6, s5;
	s5 =	sor.u32 s16, s5;
	[tilespmem:s30+$0x2000] =	vst v1;
	[smem:$0x7CA] =	sst s22  }
0xc6: {  	s30 =	sor.u32 $0x380, s9;
	[tilespmem:s4+$0x2000] =	vst v1;
	s4 =	sadd.s32 $0x6300, s7;
	[dreg:$0x17] =	wrdreg s31  }
0xc7: {  	s13 =	sor.u32 $0x280, s26;
	s31 =	sor.u32 s20, s21;
	[dreg:$0x8] =	wrdreg s5  }
0xc8: {  	[tilespmem:s12+$0x0] =	vst v1;
	s15 =	sor.u32 s6, s3;
	s3 =	sor.u32 s25, s3;
	[smem:$0x7CC] =	sst s31  }
0xc9: {  	[tilespmem:s12+$0x80] =	vst v1;
	s26 =	sor.u32 $0x380, s26;
	s22 =	sadd.s32 $0x6180, s7;
	[dreg:$0x1c] =	wrdreg s3  }
0xca: {  	[tilespmem:s12+$0x100] =	vst v1;
	s19 =	sor.u32 s16, s4;
	s31 =	sor.u32 s6, s11;
	s3 =	sld [smem:$0x7C5]  }
0xcb: {  	[tilespmem:s28+$0x2000] =	vst v1;
	s11 =	sor.u32 s16, s11;
	s10 =	sor.u32 s16, s22;
	[dreg:$0x12] =	wrdreg s19  }
0xcc: {  	[tilespmem:s13+$0x2000] =	vst v1;
	s13 =	sor.u32 s6, s22;
	s23 =	sor.u32 s20, s22;
	[dreg:$0xb] =	wrdreg s31  }
0xcd: {  	[tilespmem:s17+$0x0] =	vst v1;
	s0 =	sor.u32 s25, s22;
	s17 =	sadd.s32 $0x6200, s7;
	[dreg:$0x6] =	wrdreg s11  }
0xce: {  	[tilespmem:s12+$0x180] =	vst v1;
	s31 =	sor.u32 s6, s21;
	s21 =	sor.u32 s16, s21;
	[dreg:$0x11] =	wrdreg s10  }
0xcf: {  	[tilespmem:s8+$0x2000] =	vst v1;
	s28 =	sor.u32 s6, s17;
	s22 =	sor.u32 s25, s17;
	[dreg:$0xa] =	wrdreg s31  }
0xd0: {  	[tilespmem:s2+$0x2000] =	vst v1;
	s10 =	sadd.s32 $0xA000, s7;
	s2 =	sadd.s32 $0xA080, s7;
	[dreg:$0x7] =	wrdreg s21  }
0xd1: {  	[tilespmem:s18+$0x2000] =	vst v1;
	s31 =	sadd.s32 $0x6080, s7;
	s21 =	sor.u32 s16, s17;
	[smem:$0x7CE] =	sst s22  }
0xd2: {  	s22 =	sor.u32 s20, s17;
	s17 =	sor.u32 s20, s4;
	[tilespmem:s26+$0x2000] =	vst v1;
	s19 =	sor.u32 s20, s2  }
0xd3: {  	s26 =	sor.u32 s6, s2;
	s5 =	sor.u32 s6, s31;
	[dreg:$0x10] =	wrdreg s21;
	[tilespmem:s3+$0x0] =	vst v1  }
0xd4: {  	s11 =	sor.u32 s20, s31;
	s21 =	sor.u32 s6, s4;
	[tilespmem:s29+$0x0] =	vst v1;
	[dreg:$0x1e] =	wrdreg s26  }
0xd5: {  	s12 =	sor.u32 s16, s31;
	s3 =	sor.u32 s25, s4;
	[tilespmem:s11+$0x0] =	vst v1;
	[smem:$0x7CD] =	sst s21  }
0xd6: {  	s24 =	sor.u32 s25, s31;
	[tilespmem:s12+$0x0] =	vst v1;
	s11 =	sor.u32 s16, s10;
	[smem:$0x7CF] =	sst s3  }
0xd7: {  	s31 =	sor.u32 $0x300, s9;
	s12 =	sor.u32 s25, s10;
	[tilespmem:s5+$0x0] =	vst v1;
	[dreg:$0xf] =	wrdreg s11  }
0xd8: {  	s21 =	sadd.s32 $0xA100, s7;
	s3 =	sadd.s32 $0xA380, s7;
	[tilespmem:s31+$0x2000] =	vst v1;
	[smem:$0x7D0] =	sst s12  }
0xd9: {  	s12 =	sadd.s32 $0xA200, s7;
	s11 =	sor.u32 s16, s2;
	[tilespmem:s30+$0x2000] =	vst v1;
	s30 =	sld [smem:$0x7C7]  }
0xda: {  	[tilespmem:s14+$0x0] =	vst v1;
	s14 =	sor.u32 s25, s2;
	s29 =	sor.u32 s16, s21;
	[dreg:$0x14] =	wrdreg s11  }
0xdb: {  	[tilespmem:s15+$0x0] =	vst v1;
	s5 =	sor.u32 s6, s21;
	s18 =	sor.u32 s25, s3;
	[smem:$0x7D1] =	sst s14  }
0xdc: {  	s31 =	sor.u32 s6, s3;
	[dreg:$0x16] =	wrdreg s29;
	[tilespmem:s13+$0x0] =	vst v1;
	s13 =	sor.u32 s25, s12  }
0xdd: {  	s14 =	sor.u32 s16, s12;
	s29 =	sor.u32 s25, s21;
	[smem:$0x7D2] =	sst s13  }
0xde: {  	[dreg:$0x18] =	wrdreg s14;
	s13 =	sor.u32 s20, s21;
	s21 =	sadd.s32 $0xE000, s7  }
0xdf: {  	s11 =	sadd.s32 $0xA280, s7;
	[tilespmem:s28+$0x0] =	vst v1;
	s28 =	sld [smem:$0x7C9];
	s26 =	sor.u32 s6, s21  }
0xe0: {  	s2 =	sor.u32 s16, s11;
	s4 =	sor.u32 s25, s11;
	[smem:$0x7D5] =	sst s26  }
0xe1: {  	s14 =	sor.u32 s20, s3;
	s15 =	sor.u32 s6, s11;
	s26 =	sld [smem:$0x7C8]  }
0xe2: {  	s3 =	sor.u32 s16, s3;
	[smem:$0x7D3] =	sst s4;
	s4 =	sor.u32 s20, s11;
	[tilespmem:s30+$0x0] =	vst v1  }
0xe3: {  	[smem:$0x7D4] =	sst s15;
	s15 =	sor.u32 s20, s21;
	s11 =	sor.u32 s25, s21;
	[tilespmem:s24+$0x0] =	vst v1  }
0xe4: {  	[dreg:$0x19] =	wrdreg s3;
	s3 =	sadd.s32 $0xE200, s7;
	s21 =	sor.u32 s16, s21;
	[tilespmem:s26+$0x0] =	vst v1  }
0xe5: {  	s30 =	sor.u32 s6, s3;
	s24 =	sor.u32 s20, s3;
	[dreg:$0x1b] =	wrdreg s21;
	[tilespmem:s23+$0x0] =	vst v1  }
0xe6: {  	s21 =	sor.u32 s16, s3;
	s26 =	sor.u32 s25, s3;
	s3 =	sld [smem:$0x7CA];
	[tilespmem:s22+$0x0] =	vst v1  }
0xe7: {  	[tilespmem:s28+$0x0] =	vst v1  }
0xe8: {  	[tilespmem:s17+$0x0] =	vst v1  }
0xe9: {  	s9 =	sor.u32 s20, s10;
	[tilespmem:s3+$0x0] =	vst v1  }
0xea: {  	s17 =	sld [smem:$0x7CB];
	[tilespmem:s9+$0x0] =	vst v1  }
0xeb: {  	[tilespmem:s19+$0x0] =	vst v1  }
0xec: {  	[dreg:$0x1d] =	wrdreg s0;
	[tilespmem:s13+$0x0] =	vst v1  }
0xed: {  	s0 =	sadd.s32 $0xE180, s7;
	s8 =	sor.u32 s20, s12;
	s19 =	sld [smem:$0x7CC];
	[tilespmem:s17+$0x0] =	vst v1  }
0xee: {  	[dreg:$0x1f] =	wrdreg s5;
	s5 =	sor.u32 s6, s10;
	s10 =	sor.u32 s6, s0;
	[tilespmem:s8+$0x0] =	vst v1  }
0xef: {  	[smem:$0x7D6] =	sst s10;
	[tilespmem:s4+$0x0] =	vst v1  }
0xf0: {  	s10 =	sor.u32 s25, s0;
	[dreg:$0x15] =	wrdreg s2;
	s2 =	sor.u32 s20, s0;
	[tilespmem:s19+$0x0] =	vst v1  }
0xf1: {  	s0 =	sor.u32 s16, s0;
	s22 =	sadd.s32 $0xE080, s7;
	s28 =	sadd.s32 $0xE100, s7;
	[tilespmem:s14+$0x0] =	vst v1  }
0xf2: {  	[dreg:$0x1a] =	wrdreg s0;
	s23 =	sor.u32 s16, s28;
	s14 =	sor.u32 s20, s22;
	[tilespmem:s15+$0x0] =	vst v1  }
0xf3: {  	s3 =	sor.u32 s6, s22;
	s9 =	sor.u32 s16, s22;
	s15 =	sor.u32 s20, s28;
	[tilespmem:s14+$0x0] =	vst v1  }
0xf4: {  	s13 =	sor.u32 s6, s28;
	s17 =	sadd.s32 $0xE280, s7;
	s19 =	sor.u32 s25, s28;
	[tilespmem:s15+$0x0] =	vst v1  }
0xf5: {  	s28 =	sor.u32 s25, s22;
	s14 =	sadd.s32 $0xE380, s7;
	s15 =	rddreg [dreg:$0x13];
	[tilespmem:s2+$0x0] =	vst v1  }
0xf6: {  	s22 =	sor.u32 s20, s17;
	s4 =	sor.u32 s16, s14;
	s2 =	sadd.s32 $0xE300, s7;
	[tilespmem:s15+$0x0] =	vst v1  }
0xf7: {  	s7 =	sor.u32 s6, s17;
	[tilespmem:s24+$0x0] =	vst v1;
	s24 =	sor.u32 s20, s2;
	s8 =	sor.u32 s16, s2  }
0xf8: {  	[tilespmem:s22+$0x0] =	vst v1;
	s22 =	sor.u32 s25, s17;
	s17 =	sor.u32 s16, s17;
	s16 =	sor.u32 s6, s14  }
0xf9: {  	[tilespmem:s24+$0x0] =	vst v1;
	s24 =	sor.u32 s20, s14;
	s20 =	sor.u32 s25, s14;
	s14 =	rddreg [dreg:$0x1c]  }
0xfa: {  	[tilespmem:s24+$0x0] =	vst v1;
	s24 =	sld [smem:$0x7CD]  }
0xfb: {  	s15 =	rddreg [dreg:$0x1d];
	[tilespmem:s14+$0x0] =	vst v1  }
0xfc: {  	s0 =	sor.u32 s25, s2;
	s25 =	rddreg [dreg:$0x17];
	[tilespmem:s15+$0x0] =	vst v1  }
0xfd: {  	[tilespmem:s24+$0x0] =	vst v1;
	s24 =	sld [smem:$0x7CE]  }
0xfe: {  	s14 =	sld [smem:$0x7CF];
	[tilespmem:s25+$0x0] =	vst v1  }
0xff: {  	s15 =	rddreg [dreg:$0xd];
	[tilespmem:s5+$0x0] =	vst v1  }
0x100: {  	s25 =	rddreg [dreg:$0xe];
	[tilespmem:s24+$0x0] =	vst v1  }
0x101: {  	s24 =	sld [smem:$0x7D0];
	[tilespmem:s25+$0x0] =	vst v1  }
0x102: {  	s25 =	sld [smem:$0x7D1];
	[tilespmem:s14+$0x0] =	vst v1  }
0x103: {  	[tilespmem:s15+$0x0] =	vst v1  }
0x104: {  	s14 =	sld [smem:$0x7D2];
	[tilespmem:s24+$0x0] =	vst v1  }
0x105: {  	s15 =	sld [smem:$0x7D3];
	[tilespmem:s25+$0x0] =	vst v1  }
0x106: {  	s25 =	rddreg [dreg:$0x1e];
	[tilespmem:s29+$0x0] =	vst v1  }
0x107: {  	s29 =	rddreg [dreg:$0xc];
	[tilespmem:s25+$0x0] =	vst v1  }
0x108: {  	[tilespmem:s29+$0x0] =	vst v1  }
0x109: {  	[tilespmem:s14+$0x0] =	vst v1  }
0x10a: {  	s24 =	rddreg [dreg:$0x9];
	[tilespmem:s15+$0x0] =	vst v1  }
0x10b: {  	[tilespmem:s24+$0x0] =	vst v1  }
0x10c: {  	[tilespmem:s18+$0x0] =	vst v1  }
0x10d: {  	[tilespmem:s11+$0x0] =	vst v1  }
0x10e: {  	[tilespmem:s28+$0x0] =	vst v1  }
0x10f: {  	s28 =	rddreg [dreg:$0x1f];
	[tilespmem:s19+$0x0] =	vst v1  }
0x110: {  	[tilespmem:s28+$0x0] =	vst v1  }
0x111: {  	s29 =	rddreg [dreg:$0xb];
	[tilespmem:s10+$0x0] =	vst v1  }
0x112: {  	[tilespmem:s29+$0x0] =	vst v1  }
0x113: {  	s12 =	sor.u32 s6, s12;
	[tilespmem:s26+$0x0] =	vst v1  }
0x114: {  	s10 =	sld [smem:$0x7D4];
	[tilespmem:s12+$0x0] =	vst v1  }
0x115: {  	s26 =	rddreg [dreg:$0x11];
	[tilespmem:s22+$0x0] =	vst v1  }
0x116: {  	[tilespmem:s26+$0x0] =	vst v1  }
0x117: {  	s14 =	rddreg [dreg:$0x10];
	[tilespmem:s0+$0x0] =	vst v1  }
0x118: {  	s11 =	rddreg [dreg:$0xa];
	[tilespmem:s10+$0x0] =	vst v1  }
0x119: {  	s12 =	sld [smem:$0x7D5];
	[tilespmem:s14+$0x0] =	vst v1  }
0x11a: {  	[tilespmem:s11+$0x0] =	vst v1  }
0x11b: {  	[tilespmem:s31+$0x0] =	vst v1  }
0x11c: {  	[tilespmem:s12+$0x0] =	vst v1  }
0x11d: {  	[tilespmem:s3+$0x0] =	vst v1  }
0x11e: {  	[tilespmem:s13+$0x0] =	vst v1;
	s13 =	sld [smem:$0x7D6]  }
0x11f: {  	s15 =	rddreg [dreg:$0x5];
	[tilespmem:s20+$0x0] =	vst v1  }
0x120: {  	[tilespmem:s15+$0x0] =	vst v1  }
0x121: {  	[tilespmem:s13+$0x0] =	vst v1  }
0x122: {  	[tilespmem:s30+$0x0] =	vst v1  }
0x123: {  	s6 =	sor.u32 s6, s2;
	[tilespmem:s7+$0x0] =	vst v1  }
0x124: {  	[tilespmem:s6+$0x0] =	vst v1  }
0x125: {  	[tilespmem:s16+$0x0] =	vst v1;
	s16 =	rddreg [dreg:$0x12]  }
0x126: {  	s18 =	rddreg [dreg:$0x8];
	[tilespmem:s16+$0x0] =	vst v1  }
0x127: {  	s19 =	rddreg [dreg:$0xf];
	[tilespmem:s18+$0x0] =	vst v1  }
0x128: {  	s20 =	rddreg [dreg:$0x14];
	[tilespmem:s19+$0x0] =	vst v1  }
0x129: {  	s22 =	rddreg [dreg:$0x16];
	[tilespmem:s20+$0x0] =	vst v1  }
0x12a: {  	s24 =	rddreg [dreg:$0x6];
	[tilespmem:s22+$0x0] =	vst v1  }
0x12b: {  	s25 =	rddreg [dreg:$0x18];
	[tilespmem:s24+$0x0] =	vst v1  }
0x12c: {  	s26 =	rddreg [dreg:$0x15];
	[tilespmem:s25+$0x0] =	vst v1  }
0x12d: {  	s28 =	rddreg [dreg:$0x7];
	[tilespmem:s26+$0x0] =	vst v1  }
0x12e: {  	s29 =	rddreg [dreg:$0x19];
	[tilespmem:s28+$0x0] =	vst v1  }
.Ltmp0:
0x12f: {  	s30 =	rddreg [dreg:$0x1b];
	[tilespmem:s29+$0x0] =	vst v1;
	(pc) =	sbr.rel @p1 .LBB2_2-.Ltmp0, $4  }
0x130: {  	s2 =	rddreg [dreg:$0x4];
	[tilespmem:s30+$0x0] =	vst v1  }
0x131: {  	s0 =	rddreg [dreg:$0x3];
	[tilespmem:s9+$0x0] =	vst v1  }
0x132: {  	s31 =	rddreg [dreg:$0x1a];
	[tilespmem:s23+$0x0] =	vst v1  }
0x133: {  	s2 =	sadd.s32 $0x40, s2;
	s0 =	sadd.s32 $0x200, s0;
	[tilespmem:s31+$0x0] =	vst v1  }
0x134: {  	[tilespmem:s21+$0x0] =	vst v1  }
0x135: {  	[tilespmem:s17+$0x0] =	vst v1  }
0x136: {  	[tilespmem:s8+$0x0] =	vst v1  }
0x137: {  	[tilespmem:s4+$0x0] =	vst v1  }
0x138: {  	s0 =	sld [smem:$0x7E8]  }
0x139: {  	s19 =	sld [smem:$0x7DA]  }
0x13a: {  	s9 =	simm.s32 $0x0;
	s20 =	sld [smem:$0x7DB]  }
0x13b: {  	[tilespmem:s9], [sflag:$0x1] =	stream.linear.gather [hbm4b:s0+s9], $0x80, $0x38;
	[tilespmem:$0x12000] =	vst v63  }
0x13c: {  	s12 =	simm.s32 $0x100;
	s21 =	sld [smem:$0x7DC]  }
0x13d: {  	[tilespmem:s12], [sflag:$0x1] =	stream.linear.gather [hbm4b:s19+s9], $0x80, $0x38;
	[tilespmem:$0x12000] =	vst v63  }
0x13e: {  	s13 =	simm.s32 $0x200;
	s22 =	sld [smem:$0x7DD]  }
0x13f: {  	[tilespmem:s13], [sflag:$0x1] =	stream.linear.gather [hbm4b:s20+s9], $0x80, $0x38;
	[tilespmem:$0x12000] =	vst v63  }
0x140: {  	s14 =	simm.s32 $0x300;
	s23 =	sld [smem:$0x7DE]  }
0x141: {  	[tilespmem:s14], [sflag:$0x1] =	stream.linear.gather [hbm4b:s21+s9], $0x80, $0x38;
	[tilespmem:$0x12000] =	vst v63  }
0x142: {  	s15 =	simm.s32 $0x400;
	s24 =	sld [smem:$0x7DF]  }
0x143: {  	[tilespmem:s15], [sflag:$0x1] =	stream.linear.gather [hbm4b:s22+s9], $0x80, $0x38;
	[tilespmem:$0x12000] =	vst v63  }
0x144: {  	s16 =	simm.s32 $0x500;
	s25 =	sld [smem:$0x7E0]  }
0x145: {  	[tilespmem:s16], [sflag:$0x1] =	stream.linear.gather [hbm4b:s23+s9], $0x80, $0x38;
	[tilespmem:$0x12000] =	vst v63  }
0x146: {  	s17 =	simm.s32 $0x600;
	s26 =	sld [smem:$0x7E1]  }
0x147: {  	[tilespmem:s17], [sflag:$0x1] =	stream.linear.gather [hbm4b:s24+s9], $0x80, $0x38;
	[tilespmem:$0x12000] =	vst v63  }
0x148: {  	s18 =	simm.s32 $0x700;
	s2 =	sld [smem:$0x7E2]  }
0x149: {  	[tilespmem:s18], [sflag:$0x1] =	stream.linear.gather [hbm4b:s25+s9], $0x80, $0x38;
	[tilespmem:$0x12000] =	vst v63  }
0x14a: {  	s3 =	sld [smem:$0x7E3];
	s19 =	simm.s32 $0x800  }
0x14b: {  	[tilespmem:s19], [sflag:$0x1] =	stream.linear.gather [hbm4b:s26+s9], $0x80, $0x38;
	[tilespmem:$0x12000] =	vst v63  }
0x14c: {  	s4 =	sld [smem:$0x7E4];
	s20 =	simm.s32 $0x900  }
0x14d: {  	[tilespmem:s20], [sflag:$0x1] =	stream.linear.gather [hbm4b:s2+s9], $0x80, $0x38;
	[tilespmem:$0x12000] =	vst v63  }
0x14e: {  	s5 =	sld [smem:$0x7E5];
	s21 =	simm.s32 $0xA00  }
0x14f: {  	[tilespmem:s21], [sflag:$0x1] =	stream.linear.gather [hbm4b:s3+s9], $0x80, $0x38;
	[tilespmem:$0x12000] =	vst v63  }
0x150: {  	s6 =	sld [smem:$0x7E6];
	s22 =	simm.s32 $0xB00  }
0x151: {  	[tilespmem:s22], [sflag:$0x1] =	stream.linear.gather [hbm4b:s4+s9], $0x80, $0x38;
	[tilespmem:$0x12000] =	vst v63  }
0x152: {  	s7 =	sld [smem:$0x7E7];
	s23 =	simm.s32 $0xC00  }
0x153: {  	[tilespmem:s23], [sflag:$0x1] =	stream.linear.gather [hbm4b:s5+s9], $0x80, $0x38;
	[tilespmem:$0x12000] =	vst v63  }
0x154: {  	s8 =	sld [smem:$0x7E9];
	s24 =	simm.s32 $0xD00  }
0x155: {  	[tilespmem:s24], [sflag:$0x1] =	stream.linear.gather [hbm4b:s6+s9], $0x80, $0x38;
	[tilespmem:$0x12000] =	vst v63  }
0x156: {  	s10 =	sld [smem:$0x7F8];
	s25 =	simm.s32 $0xE00  }
0x157: {  	[tilespmem:s25], [sflag:$0x1] =	stream.linear.gather [hbm4b:s7+s9], $0x80, $0x38;
	[tilespmem:$0x12000] =	vst v63  }
0x158: {  	s11 =	sld [smem:$0x7EA];
	s26 =	simm.s32 $0xF00  }
0x159: {  	[tilespmem:s26], [sflag:$0x1] =	stream.linear.gather [hbm4b:s8+s9], $0x80, $0x38;
	[tilespmem:$0x12000] =	vst v63  }
0x15a: {  	s28 =	simm.s32 $0x1000;
	s2 =	sld [smem:$0x7EB]  }
0x15b: {  	[tilespmem:s28], [sflag:$0x2] =	stream.linear.gather [hbm4b:s10+s9], $0x80, $0x38;
	[tilespmem:$0x12000] =	vst v63  }
0x15c: {  	s29 =	simm.s32 $0x1100;
	s3 =	sld [smem:$0x7EC]  }
0x15d: {  	[tilespmem:s29], [sflag:$0x2] =	stream.linear.gather [hbm4b:s11+s9], $0x80, $0x38;
	[tilespmem:$0x12000] =	vst v63  }
0x15e: {  	s30 =	simm.s32 $0x1200;
	s4 =	sld [smem:$0x7ED]  }
0x15f: {  	[tilespmem:s30], [sflag:$0x2] =	stream.linear.gather [hbm4b:s2+s9], $0x80, $0x38;
	[tilespmem:$0x12000] =	vst v63  }
0x160: {  	s31 =	simm.s32 $0x1300;
	s5 =	sld [smem:$0x7EE]  }
0x161: {  	[tilespmem:s31], [sflag:$0x2] =	stream.linear.gather [hbm4b:s3+s9], $0x80, $0x38;
	[tilespmem:$0x12000] =	vst v63  }
0x162: {  	s7 =	sld [smem:$0x7EF];
	s2 =	simm.s32 $0x1400  }
0x163: {  	[tilespmem:s2], [sflag:$0x2] =	stream.linear.gather [hbm4b:s4+s9], $0x80, $0x38;
	[tilespmem:$0x12000] =	vst v63  }
0x164: {  	s6 =	simm.s32 $0x1500;
	s10 =	sld [smem:$0x7F0]  }
0x165: {  	[tilespmem:s6], [sflag:$0x2] =	stream.linear.gather [hbm4b:s5+s9], $0x80, $0x38;
	[tilespmem:$0x12000] =	vst v63  }
0x166: {  	s8 =	simm.s32 $0x1600;
	s3 =	sld [smem:$0x7F1]  }
0x167: {  	[tilespmem:s8], [sflag:$0x2] =	stream.linear.gather [hbm4b:s7+s9], $0x80, $0x38;
	[tilespmem:$0x12000] =	vst v63  }
0x168: {  	s11 =	simm.s32 $0x1700;
	s5 =	sld [smem:$0x7F2]  }
0x169: {  	[tilespmem:s11], [sflag:$0x2] =	stream.linear.gather [hbm4b:s10+s9], $0x80, $0x38;
	[tilespmem:$0x12000] =	vst v63  }
0x16a: {  	s4 =	simm.s32 $0x1800;
	s7 =	sld [smem:$0x7F3]  }
0x16b: {  	[tilespmem:s4], [sflag:$0x2] =	stream.linear.gather [hbm4b:s3+s9], $0x80, $0x38;
	[tilespmem:$0x12000] =	vst v63  }
0x16c: {  	s6 =	simm.s32 $0x1900;
	s10 =	sld [smem:$0x7F4]  }
0x16d: {  	[tilespmem:s6], [sflag:$0x2] =	stream.linear.gather [hbm4b:s5+s9], $0x80, $0x38;
	[tilespmem:$0x12000] =	vst v63  }
0x16e: {  	s8 =	simm.s32 $0x1A00;
	s3 =	sld [smem:$0x7F5]  }
0x16f: {  	[tilespmem:s8], [sflag:$0x2] =	stream.linear.gather [hbm4b:s7+s9], $0x80, $0x38;
	[tilespmem:$0x12000] =	vst v63  }
0x170: {  	s11 =	simm.s32 $0x1B00;
	s5 =	sld [smem:$0x7F6]  }
0x171: {  	[tilespmem:s11], [sflag:$0x2] =	stream.linear.gather [hbm4b:s10+s9], $0x80, $0x38;
	[tilespmem:$0x12000] =	vst v63  }
0x172: {  	s4 =	simm.s32 $0x1C00;
	s7 =	sld [smem:$0x7F7]  }
0x173: {  	[tilespmem:s4], [sflag:$0x2] =	stream.linear.gather [hbm4b:s3+s9], $0x80, $0x38;
	[tilespmem:$0x12000] =	vst v63  }
0x174: {  	s6 =	simm.s32 $0x1D00;
	s10 =	sld [smem:$0x7F9]  }
0x175: {  	[tilespmem:s6], [sflag:$0x2] =	stream.linear.gather [hbm4b:s5+s9], $0x80, $0x38;
	[tilespmem:$0x12000] =	vst v63  }
0x176: {  	s6 =	sld [smem:$0x7FC]  }
0x177: {  	s8 =	simm.s32 $0x1E00;
	s5 =	sld [smem:$0x7FD]  }
0x178: {  	[tilespmem:s8], [sflag:$0x2] =	stream.linear.gather [hbm4b:s7+s9], $0x80, $0x38;
	[tilespmem:$0x12000] =	vst v63  }
0x179: {  	s11 =	simm.s32 $0x1F00;
	s8 =	sld [smem:$0x7FA]  }
0x17a: {  	[tilespmem:s11], [sflag:$0x2] =	stream.linear.gather [hbm4b:s10+s9], $0x80, $0x38;
	[tilespmem:$0x12000] =	vst v63  }
0x17b: {  	s4 =	simm.s32 $0x1;
	s7 =	simm.s32 $0x0;
	s11 =	sld [smem:$0x7FB]  }
.LBB2_4:
0x17c: {  	_ =	swait.ge [sflag:s4], $0x800  }
0x17d: {  	[sflag:s4] =	ssyncset.done $0x0  }
0x17e: {  	s0 =	sshll.u32 s9, $0x8;
	s2 =	simm.s32 $0x2;
	[sflag:s4] =	ssyncadd.s32 $0xFFFFF800  }
0x17f: {  	s0 =	sadd.s32 s5, s0;
	_ =	swait.ge [sflag:s2], $0x800  }
0x180: {  	s0 =	sshrl.u32 s0, $0x3;
	[sflag:s2] =	ssyncset.done $0x0  }
0x181: {  	s3 =	simm.s32 $0x80;
	[sflag:s2] =	ssyncadd.s32 $0xFFFFF800;
	s2 =	sadd.s32 s8, s0  }
0x182: {  	[tilespmem:s3], [sflag:$0x1] =	stream.linear.gather [hbm4b:s2+s7], $0x80, $0x38;
	[tilespmem:$0x12000] =	vst v63  }
0x183: {  	s10 =	simm.s32 $0x180;
	s3 =	sadd.s32 $0x80, s2  }
0x184: {  	[tilespmem:s10], [sflag:$0x1] =	stream.linear.gather [hbm4b:s3+s7], $0x80, $0x38;
	[tilespmem:$0x12000] =	vst v63  }
0x185: {  	s3 =	sadd.s32 $0x100, s2;
	s10 =	simm.s32 $0x280  }
0x186: {  	[tilespmem:s10], [sflag:$0x1] =	stream.linear.gather [hbm4b:s3+s7], $0x80, $0x38;
	[tilespmem:$0x12000] =	vst v63  }
0x187: {  	s3 =	sadd.s32 $0x180, s2;
	s10 =	simm.s32 $0x380  }
0x188: {  	[tilespmem:s10], [sflag:$0x1] =	stream.linear.gather [hbm4b:s3+s7], $0x80, $0x38;
	[tilespmem:$0x12000] =	vst v63  }
0x189: {  	s3 =	sadd.s32 $0x200, s2;
	s10 =	simm.s32 $0x480  }
0x18a: {  	[tilespmem:s10], [sflag:$0x1] =	stream.linear.gather [hbm4b:s3+s7], $0x80, $0x38;
	[tilespmem:$0x12000] =	vst v63  }
0x18b: {  	s3 =	sadd.s32 $0x280, s2;
	s10 =	simm.s32 $0x580  }
0x18c: {  	[tilespmem:s10], [sflag:$0x1] =	stream.linear.gather [hbm4b:s3+s7], $0x80, $0x38;
	[tilespmem:$0x12000] =	vst v63  }
0x18d: {  	s3 =	sadd.s32 $0x300, s2;
	s10 =	simm.s32 $0x680  }
0x18e: {  	[tilespmem:s10], [sflag:$0x1] =	stream.linear.gather [hbm4b:s3+s7], $0x80, $0x38;
	[tilespmem:$0x12000] =	vst v63  }
0x18f: {  	s3 =	sadd.s32 $0x380, s2;
	s10 =	simm.s32 $0x780  }
0x190: {  	[tilespmem:s10], [sflag:$0x1] =	stream.linear.gather [hbm4b:s3+s7], $0x80, $0x38;
	[tilespmem:$0x12000] =	vst v63  }
0x191: {  	s3 =	sadd.s32 $0x400, s2;
	s10 =	simm.s32 $0x880  }
0x192: {  	[tilespmem:s10], [sflag:$0x1] =	stream.linear.gather [hbm4b:s3+s7], $0x80, $0x38;
	[tilespmem:$0x12000] =	vst v63  }
0x193: {  	s3 =	sadd.s32 $0x480, s2;
	s10 =	simm.s32 $0x980  }
0x194: {  	[tilespmem:s10], [sflag:$0x1] =	stream.linear.gather [hbm4b:s3+s7], $0x80, $0x38;
	[tilespmem:$0x12000] =	vst v63  }
0x195: {  	s3 =	sadd.s32 $0x500, s2;
	s10 =	simm.s32 $0xA80  }
0x196: {  	[tilespmem:s10], [sflag:$0x1] =	stream.linear.gather [hbm4b:s3+s7], $0x80, $0x38;
	[tilespmem:$0x12000] =	vst v63  }
0x197: {  	s3 =	sadd.s32 $0x580, s2;
	s10 =	simm.s32 $0xB80  }
0x198: {  	[tilespmem:s10], [sflag:$0x1] =	stream.linear.gather [hbm4b:s3+s7], $0x80, $0x38;
	[tilespmem:$0x12000] =	vst v63  }
0x199: {  	s3 =	sadd.s32 $0x600, s2;
	s10 =	simm.s32 $0xC80  }
0x19a: {  	[tilespmem:s10], [sflag:$0x1] =	stream.linear.gather [hbm4b:s3+s7], $0x80, $0x38;
	[tilespmem:$0x12000] =	vst v63  }
0x19b: {  	s3 =	sadd.s32 $0x680, s2;
	s10 =	simm.s32 $0xD80  }
0x19c: {  	[tilespmem:s10], [sflag:$0x1] =	stream.linear.gather [hbm4b:s3+s7], $0x80, $0x38;
	[tilespmem:$0x12000] =	vst v63  }
0x19d: {  	s3 =	sadd.s32 $0x700, s2;
	s10 =	simm.s32 $0xE80  }
0x19e: {  	[tilespmem:s10], [sflag:$0x1] =	stream.linear.gather [hbm4b:s3+s7], $0x80, $0x38;
	[tilespmem:$0x12000] =	vst v63  }
0x19f: {  	s2 =	sadd.s32 $0x780, s2;
	s10 =	simm.s32 $0xF80  }
0x1a0: {  	[tilespmem:s10], [sflag:$0x1] =	stream.linear.gather [hbm4b:s2+s7], $0x80, $0x38;
	[tilespmem:$0x12000] =	vst v63  }
0x1a1: {  	s0 =	sadd.s32 s11, s0;
	s10 =	simm.s32 $0x1080  }
0x1a2: {  	[tilespmem:s10], [sflag:$0x2] =	stream.linear.gather [hbm4b:s0+s7], $0x80, $0x38;
	[tilespmem:$0x12000] =	vst v63  }
0x1a3: {  	s3 =	sadd.s32 $0x80, s0;
	s10 =	simm.s32 $0x1180  }
0x1a4: {  	[tilespmem:s10], [sflag:$0x2] =	stream.linear.gather [hbm4b:s3+s7], $0x80, $0x38;
	[tilespmem:$0x12000] =	vst v63  }
0x1a5: {  	s3 =	sadd.s32 $0x100, s0;
	s10 =	simm.s32 $0x1280  }
0x1a6: {  	[tilespmem:s10], [sflag:$0x2] =	stream.linear.gather [hbm4b:s3+s7], $0x80, $0x38;
	[tilespmem:$0x12000] =	vst v63  }
0x1a7: {  	s3 =	sadd.s32 $0x180, s0;
	s10 =	simm.s32 $0x1380  }
0x1a8: {  	[tilespmem:s10], [sflag:$0x2] =	stream.linear.gather [hbm4b:s3+s7], $0x80, $0x38;
	[tilespmem:$0x12000] =	vst v63  }
0x1a9: {  	s3 =	sadd.s32 $0x200, s0;
	s10 =	simm.s32 $0x1480  }
0x1aa: {  	[tilespmem:s10], [sflag:$0x2] =	stream.linear.gather [hbm4b:s3+s7], $0x80, $0x38;
	[tilespmem:$0x12000] =	vst v63  }
0x1ab: {  	s3 =	sadd.s32 $0x280, s0;
	s10 =	simm.s32 $0x1580  }
0x1ac: {  	[tilespmem:s10], [sflag:$0x2] =	stream.linear.gather [hbm4b:s3+s7], $0x80, $0x38;
	[tilespmem:$0x12000] =	vst v63  }
0x1ad: {  	s3 =	sadd.s32 $0x300, s0;
	s10 =	simm.s32 $0x1680  }
0x1ae: {  	[tilespmem:s10], [sflag:$0x2] =	stream.linear.gather [hbm4b:s3+s7], $0x80, $0x38;
	[tilespmem:$0x12000] =	vst v63  }
0x1af: {  	s3 =	sadd.s32 $0x380, s0;
	s10 =	simm.s32 $0x1780  }
0x1b0: {  	[tilespmem:s10], [sflag:$0x2] =	stream.linear.gather [hbm4b:s3+s7], $0x80, $0x38;
	[tilespmem:$0x12000] =	vst v63  }
0x1b1: {  	s3 =	sadd.s32 $0x400, s0;
	s10 =	simm.s32 $0x1880  }
0x1b2: {  	[tilespmem:s10], [sflag:$0x2] =	stream.linear.gather [hbm4b:s3+s7], $0x80, $0x38;
	[tilespmem:$0x12000] =	vst v63  }
0x1b3: {  	s3 =	sadd.s32 $0x480, s0;
	s10 =	simm.s32 $0x1980  }
0x1b4: {  	[tilespmem:s10], [sflag:$0x2] =	stream.linear.gather [hbm4b:s3+s7], $0x80, $0x38;
	[tilespmem:$0x12000] =	vst v63  }
0x1b5: {  	s3 =	sadd.s32 $0x500, s0;
	s10 =	simm.s32 $0x1A80  }
0x1b6: {  	[tilespmem:s10], [sflag:$0x2] =	stream.linear.gather [hbm4b:s3+s7], $0x80, $0x38;
	[tilespmem:$0x12000] =	vst v63  }
0x1b7: {  	s3 =	sadd.s32 $0x580, s0;
	s10 =	simm.s32 $0x1B80  }
0x1b8: {  	[tilespmem:s10], [sflag:$0x2] =	stream.linear.gather [hbm4b:s3+s7], $0x80, $0x38;
	[tilespmem:$0x12000] =	vst v63  }
0x1b9: {  	s3 =	sadd.s32 $0x600, s0;
	s10 =	simm.s32 $0x1C80  }
0x1ba: {  	[tilespmem:s10], [sflag:$0x2] =	stream.linear.gather [hbm4b:s3+s7], $0x80, $0x38;
	[tilespmem:$0x12000] =	vst v63  }
0x1bb: {  	s3 =	sadd.s32 $0x680, s0;
	s10 =	simm.s32 $0x1D80  }
0x1bc: {  	[tilespmem:s10], [sflag:$0x2] =	stream.linear.gather [hbm4b:s3+s7], $0x80, $0x38;
	[tilespmem:$0x12000] =	vst v63  }
0x1bd: {  	s3 =	sadd.s32 $0x700, s0;
	s10 =	simm.s32 $0x1E80  }
0x1be: {  	[tilespmem:s10], [sflag:$0x2] =	stream.linear.gather [hbm4b:s3+s7], $0x80, $0x38;
	[tilespmem:$0x12000] =	vst v63  }
0x1bf: {  	s0 =	sadd.s32 $0x780, s0;
	s10 =	simm.s32 $0x1F80;
	s3 =	simm.s32 $0x1040  }
0x1c0: {  	[tilespmem:s10], [sflag:$0x2] =	stream.linear.gather [hbm4b:s0+s7], $0x80, $0x38;
	[tilespmem:$0x12000] =	vst v63  }
0x1c1: {  	s10 =	simm.s32 $0x40;
	v3 =	vld [tilespmem:s3+$0x30]  }
0x1c2: {  	v4 =	vld [tilespmem:s10+$0x30]  }
0x1c3: {  	v5 =	vld [tilespmem:s3+$0xFFFFFFD0]  }
0x1c4: {  	v7 =	vld [tilespmem:s3+$0xFFFFFFE0]  }
0x1c5: {  	v14 =	vld [tilespmem:s3+$0xFFFFFFF0]  }
0x1c6: {  	v20 =	vld [tilespmem:s10+$0xFFFFFFF0]  }
0x1c7: {  	v16 =	vld [tilespmem:s3+$0x0]  }
0x1c8: {  	v23 =	vld [tilespmem:s3+$0x10]  }
0x1c9: {  	v24 =	vld [tilespmem:s10+$0x10]  }
0x1ca: {  	v25 =	vld [tilespmem:s3+$0x20]  }
0x1cb: {  	v29 =	vld [tilespmem:s10+$0x20]  }
0x1cc: {  	v19 =	vld [tilespmem:s3+$0xFFFFFFC0];
	v10 =	vshll.u32 v3, $0xB;
	v11 =	vshll.u32 v4, $0x3  }
0x1cd: {  	v12 =	vshll.u32 v3, $0x7;
	v13 =	vsub.s32 v3, v0;
	v4 =	vand.u32 $0x7F, v4  }
0x1ce: {  	v15 =	vshll.u32 v14, $0xB;
	v3 =	vshrl.u32 v3, $0x3;
	v17 =	vshll.u32 v20, $0x3  }
0x1cf: {  	v18 =	vshll.u32 v16, $0xB;
	v26 =	vshll.u32 v23, $0xB;
	v27 =	vshll.u32 v24, $0x3  }
0x1d0: {  	v28 =	vshll.u32 v25, $0xB;
	v31 =	vshll.u32 v5, $0x7;
	v32 =	vshll.u32 v29, $0x3  }
0x1d1: {  	v9 =	vld [tilespmem:s10+$0xFFFFFFE0];
	v33 =	vshll.u32 v7, $0x7;
	v34 =	vshll.u32 v14, $0x7;
	v35 =	vshll.u32 v19, $0xB  }
0x1d2: {  	v36 =	vshll.u32 v19, $0x7;
	v58 =	vshll.u32 v16, $0x7;
	v60 =	vshrl.u32 v19, $0x3  }
0x1d3: {  	v63 =	vshrl.u32 v5, $0x3;
	v37 =	vshrl.u32 v7, $0x3;
	v38 =	vshrl.u32 v14, $0x3  }
0x1d4: {  	v40 =	vshrl.u32 v16, $0x3;
	v42 =	vshrl.u32 v23, $0x3;
	v43 =	vshrl.u32 v25, $0x3  }
0x1d5: {  	v19 =	vsub.s32 v19, v0;
	v10 =	vand.u32 $0xC000, v10;
	v11 =	vand.u32 $0xFFFFFC00, v11  }
0x1d6: {  	vm0 =	vlt.u32 v13, $0x100;
	v13 =	vshll.u32 v9, $0x3;
	v3 =	vand.u32 $0x1C, v3  }
0x1d7: {  	v6 =	vld [tilespmem:s10+$0xFFFFFFC0];
	v15 =	vand.u32 $0xC000, v15;
	v17 =	vand.u32 $0xFFFFFC00, v17;
	v18 =	vand.u32 $0xC000, v18  }
0x1d8: {  	v8 =	vld [tilespmem:s10+$0xFFFFFFD0];
	v26 =	vand.u32 $0xC000, v26;
	v27 =	vand.u32 $0xFFFFFC00, v27;
	v28 =	vand.u32 $0xC000, v28  }
0x1d9: {  	v32 =	vand.u32 $0xFFFFFC00, v32;
	v35 =	vand.u32 $0xC000, v35;
	v59 =	vand.u32 $0x380, v58  }
0x1da: {  	v21 =	vld [tilespmem:s10+$0x0];
	v10 =	vadd.s32 v10, v11;
	v11 =	vand.u32 $0x380, v12;
	v12 =	vshll.u32 v5, $0xB  }
0x1db: {  	v30 =	vshll.u32 v2, v3;
	v15 =	vadd.s32 v15, v17;
	v10 =	vor.u32 v11, v10  }
0x1dc: {  	v11 =	vshll.u32 v6, $0x3;
	v12 =	vand.u32 $0xC000, v12;
	v22 =	vor.u32 v4, v10  }
0x1dd: {  	v4 =	vshll.u32 v8, $0x3;
	v10 =	vshll.u32 v7, $0xB;
	v11 =	vand.u32 $0xFFFFFC00, v11  }
0x1de: {  	v8 =	vand.u32 $0x7F, v8;
	v4 =	vand.u32 $0xFFFFFC00, v4;
	v3 =	vand.u32 $0xC000, v10  }
0x1df: {  	v10 =	vand.u32 $0xFFFFFC00, v13;
	v13 =	vshll.u32 v21, $0x3;
	v11 =	vadd.s32 v35, v11  }
0x1e0: {  	v13 =	vand.u32 $0xFFFFFC00, v13;
	v4 =	vadd.s32 v12, v4;
	v12 =	vshll.u32 v23, $0x7  }
0x1e1: {  	v3 =	vadd.s32 v3, v10;
	v10 =	vshll.u32 v25, $0x7;
	v17 =	vadd.s32 v18, v13  }
0x1e2: {  	v18 =	vadd.s32 v26, v27;
	v13 =	vand.u32 $0x380, v36;
	v26 =	vand.u32 $0x380, v31  }
0x1e3: {  	v27 =	vadd.s32 v28, v32;
	v28 =	vand.u32 $0x380, v33;
	v31 =	vand.u32 $0x380, v34  }
0x1e4: {  	v61 =	vand.u32 $0x380, v12;
	v62 =	vand.u32 $0x380, v10;
	v39 =	vor.u32 v13, v11  }
0x1e5: {  	v41 =	vor.u32 v26, v4;
	v11 =	vor.u32 v28, v3;
	v13 =	vor.u32 v31, v15  }
0x1e6: {  	v12 =	vor.u32 v59, v17;
	v10 =	vor.u32 v61, v18;
	v15 =	vsub.s32 v5, v0  }
0x1e7: {  	v5 =	vor.u32 v62, v27;
	v18 =	vsub.s32 v7, v0;
	v17 =	vsub.s32 v14, v0  }
0x1e8: {  	v7 =	vsub.s32 v16, v0;
	v31 =	vand.u32 $0x7F, v6;
	v16 =	vsub.s32 v23, v0  }
0x1e9: {  	v14 =	vsub.s32 v25, v0;
	v28 =	vand.u32 $0x7F, v9;
	v26 =	vand.u32 $0x7F, v20  }
0x1ea: {  	v27 =	vand.u32 $0x7F, v21;
	v4 =	vand.u32 $0x7F, v24;
	v3 =	vand.u32 $0x7F, v29  }
0x1eb: {  	v25 =	vand.u32 $0x1C, v60;
	v24 =	vand.u32 $0x1C, v63;
	v23 =	vand.u32 $0x1C, v37  }
0x1ec: {  	v21 =	vand.u32 $0x1C, v38;
	v20 =	vand.u32 $0x1C, v40;
	v6 =	vand.u32 $0x1C, v42  }
0x1ed: {  	s0 =	simm.s32 $0x0;
	s3 =	simm.s32 $0x1140;
	[tilespmem:v22+s1+$0x0] =	vst.idx.add.s32.msk vm0, v30;
	v9 =	vor.u32 v31, v39;
	v8 =	vor.u32 v8, v41;
	v22 =	vand.u32 $0x1C, v43  }
.LBB2_5:
0x1ee: {  	v29 =	vld [tilespmem:s3+$0x30];
	v11 =	vor.u32 v28, v11;
	v13 =	vor.u32 v26, v13;
	v12 =	vor.u32 v27, v12;
	s10 =	sadd.s32 $0x100, s10  }
0x1ef: {  	s0 =	sadd.s32 $0x8, s0;
	vm5 =	vlt.u32 v19, $0x100;
	v10 =	vor.u32 v4, v10;
	v19 =	vor.u32 v3, v5;
	v26 =	vld [tilespmem:s10+$0x30]  }
0x1f0: {  	vm6 =	vlt.u32 v15, $0x100;
	vm4 =	vlt.u32 v18, $0x100;
	vm3 =	vlt.u32 v17, $0x100;
	p0 =	slt.u32 s0, $0x78;
	v3 =	vld [tilespmem:s10+$0xFFFFFFC0]  }
0x1f1: {  	vm2 =	vlt.u32 v7, $0x100;
	vm1 =	vlt.u32 v16, $0x100;
	vm0 =	vlt.u32 v14, $0x100;
	v5 =	vld [tilespmem:s3+$0xFFFFFFD0]  }
0x1f2: {  	v14 =	vshll.u32 v2, v25;
	v15 =	vshll.u32 v2, v24;
	v16 =	vshll.u32 v2, v23;
	v4 =	vld [tilespmem:s10+$0xFFFFFFD0]  }
0x1f3: {  	v17 =	vshll.u32 v2, v21;
	v18 =	vshll.u32 v2, v20;
	v20 =	vshll.u32 v2, v6;
	v7 =	vld [tilespmem:s3+$0xFFFFFFE0]  }
0x1f4: {  	v22 =	vshll.u32 v2, v22;
	v21 =	vshll.u32 v29, $0xB;
	v6 =	vld [tilespmem:s10+$0xFFFFFFE0];
	v23 =	vshll.u32 v26, $0x3  }
0x1f5: {  	v25 =	vshll.u32 v29, $0x7;
	v21 =	vand.u32 $0xC000, v21;
	v24 =	vld [tilespmem:s3+$0xFFFFFFF0];
	v23 =	vand.u32 $0xFFFFFC00, v23  }
0x1f6: {  	v28 =	vsub.s32 v29, v0;
	v27 =	vld [tilespmem:s10+$0xFFFFFFF0];
	v21 =	vadd.s32 v21, v23;
	v23 =	vand.u32 $0x380, v25  }
0x1f7: {  	vm7 =	vlt.u32 v28, $0x100;
	v26 =	vand.u32 $0x7F, v26;
	v25 =	vld [tilespmem:s3+$0x0];
	v21 =	vor.u32 v23, v21  }
0x1f8: {  	v28 =	vshll.u32 v5, $0xB;
	v23 =	vshll.u32 v3, $0x3;
	v30 =	vld [tilespmem:s10+$0x0];
	v21 =	vor.u32 v26, v21  }
0x1f9: {  	v26 =	vshll.u32 v4, $0x3;
	v31 =	vshll.u32 v7, $0xB;
	v32 =	vshll.u32 v6, $0x3;
	v33 =	vld [tilespmem:s3+$0x10]  }
0x1fa: {  	v29 =	vshrl.u32 v29, $0x3;
	v23 =	vand.u32 $0xFFFFFC00, v23;
	v34 =	vshll.u32 v24, $0xB;
	v35 =	vld [tilespmem:s10+$0x10]  }
0x1fb: {  	v29 =	vand.u32 $0x1C, v29;
	v28 =	vand.u32 $0xC000, v28;
	v36 =	vshll.u32 v27, $0x3;
	v37 =	vld [tilespmem:s3+$0x20]  }
0x1fc: {  	v29 =	vshll.u32 v2, v29;
	v26 =	vand.u32 $0xFFFFFC00, v26;
	v38 =	vshll.u32 v25, $0xB;
	v39 =	vld [tilespmem:s10+$0x20]  }
0x1fd: {  	v31 =	vand.u32 $0xC000, v31;
	v32 =	vand.u32 $0xFFFFFC00, v32;
	v40 =	vshll.u32 v30, $0x3;
	[tilespmem:v21+s1+$0x0] =	vst.idx.add.s32.msk vm7, v29  }
0x1fe: {  	v29 =	vand.u32 $0xC000, v34;
	v34 =	vand.u32 $0xFFFFFC00, v36;
	v21 =	vld [tilespmem:s3+$0xFFFFFFC0];
	v36 =	vshll.u32 v33, $0xB  }
0x1ff: {  	v38 =	vand.u32 $0xC000, v38;
	v40 =	vand.u32 $0xFFFFFC00, v40;
	v41 =	vshll.u32 v35, $0x3;
	[tilespmem:v9+s1+$0x0] =	vst.idx.add.s32.msk vm5, v14  }
0x200: {  	v9 =	vand.u32 $0xC000, v36;
	v14 =	vand.u32 $0xFFFFFC00, v41;
	v36 =	vshll.u32 v37, $0xB;
	[tilespmem:v8+s1+$0x0] =	vst.idx.add.s32.msk vm6, v15  }
0x201: {  	v8 =	vshll.u32 v5, $0x7;
	v15 =	vand.u32 $0xC000, v36;
	v36 =	vshll.u32 v39, $0x3;
	[tilespmem:v11+s1+$0x0] =	vst.idx.add.s32.msk vm4, v16  }
0x202: {  	v11 =	vshll.u32 v7, $0x7;
	v16 =	vshll.u32 v24, $0x7;
	v36 =	vand.u32 $0xFFFFFC00, v36;
	[tilespmem:v13+s1+$0x0] =	vst.idx.add.s32.msk vm3, v17  }
0x203: {  	v41 =	vshll.u32 v25, $0x7;
	v13 =	vshll.u32 v21, $0xB;
	v17 =	vshll.u32 v21, $0x7;
	[tilespmem:v12+s1+$0x0] =	vst.idx.add.s32.msk vm2, v18  }
0x204: {  	v18 =	vshll.u32 v37, $0x7;
	v12 =	vand.u32 $0xC000, v13;
	v13 =	vshll.u32 v33, $0x7;
	[tilespmem:v10+s1+$0x0] =	vst.idx.add.s32.msk vm1, v20  }
0x205: {  	v20 =	vadd.s32 v31, v32;
	v10 =	vadd.s32 v12, v23;
	v12 =	vadd.s32 v28, v26  }
0x206: {  	v9 =	vadd.s32 v9, v14;
	v23 =	vadd.s32 v29, v34;
	v26 =	vadd.s32 v38, v40  }
0x207: {  	v8 =	vand.u32 $0x380, v8;
	v14 =	vand.u32 $0x380, v17;
	v17 =	vadd.s32 v15, v36;
	[tilespmem:v19+s1+$0x0] =	vst.idx.add.s32.msk vm0, v22  }
0x208: {  	v11 =	vand.u32 $0x380, v11;
	v15 =	vand.u32 $0x380, v16;
	v16 =	vand.u32 $0x380, v41  }
0x209: {  	v18 =	vand.u32 $0x380, v18;
	v22 =	vshrl.u32 v21, $0x3;
	v19 =	vand.u32 $0x380, v13  }
0x20a: {  	v31 =	vshrl.u32 v7, $0x3;
	v32 =	vshrl.u32 v24, $0x3;
	v29 =	vshrl.u32 v5, $0x3  }
0x20b: {  	v36 =	vshrl.u32 v33, $0x3;
	v34 =	vshrl.u32 v25, $0x3;
	v38 =	vshrl.u32 v37, $0x3  }
0x20c: {  	v11 =	vor.u32 v11, v20;
	v40 =	vor.u32 v14, v10;
	v8 =	vor.u32 v8, v12  }
0x20d: {  	v12 =	vor.u32 v16, v26;
	v13 =	vor.u32 v15, v23;
	v10 =	vor.u32 v19, v9  }
0x20e: {  	v15 =	vsub.s32 v5, v0;
	v5 =	vor.u32 v18, v17;
	v19 =	vsub.s32 v21, v0  }
0x20f: {  	v18 =	vsub.s32 v7, v0;
	v17 =	vsub.s32 v24, v0;
	v7 =	vsub.s32 v25, v0  }
0x210: {  	v16 =	vsub.s32 v33, v0;
	v14 =	vsub.s32 v37, v0;
	v9 =	vand.u32 $0x7F, v3  }
.Ltmp1:
0x211: {  	v28 =	vand.u32 $0x7F, v6;
	v33 =	vand.u32 $0x7F, v4;
	v26 =	vand.u32 $0x7F, v27;
	(pc) =	sbr.rel @p0 .LBB2_5-.Ltmp1, $4  }
0x212: {  	v27 =	vand.u32 $0x7F, v30;
	v4 =	vand.u32 $0x7F, v35;
	v3 =	vand.u32 $0x7F, v39  }
0x213: {  	v24 =	vand.u32 $0x1C, v29;
	v23 =	vand.u32 $0x1C, v31;
	v25 =	vand.u32 $0x1C, v22  }
0x214: {  	v6 =	vand.u32 $0x1C, v36;
	v20 =	vand.u32 $0x1C, v34;
	v21 =	vand.u32 $0x1C, v32  }
0x215: {  	s3 =	sadd.s32 $0x100, s3;
	v8 =	vor.u32 v33, v8;
	v22 =	vand.u32 $0x1C, v38;
	v9 =	vor.u32 v9, v40  }
0x216: {  	vm0 =	vlt.u32 v19, $0x100  }
0x217: {  	vm1 =	vlt.u32 v15, $0x100  }
0x218: {  	vm2 =	vlt.u32 v18, $0x100  }
0x219: {  	v11 =	vor.u32 v28, v11;
	vm3 =	vlt.u32 v17, $0x100  }
0x21a: {  	v13 =	vor.u32 v26, v13;
	vm4 =	vlt.u32 v7, $0x100  }
0x21b: {  	v57 =	vor.u32 v27, v12;
	vm5 =	vlt.u32 v16, $0x100;
	v58 =	vshll.u32 v2, v25  }
0x21c: {  	v4 =	vor.u32 v4, v10;
	vm6 =	vlt.u32 v14, $0x100;
	v59 =	vshll.u32 v2, v24;
	[tilespmem:v9+s1+$0x0] =	vst.idx.add.s32.msk vm0, v58  }
0x21d: {  	v3 =	vor.u32 v3, v5;
	v60 =	vshll.u32 v2, v23;
	[tilespmem:v8+s1+$0x0] =	vst.idx.add.s32.msk vm1, v59  }
0x21e: {  	v61 =	vshll.u32 v2, v21;
	[tilespmem:v11+s1+$0x0] =	vst.idx.add.s32.msk vm2, v60  }
0x21f: {  	v62 =	vshll.u32 v2, v20;
	[tilespmem:v13+s1+$0x0] =	vst.idx.add.s32.msk vm3, v61  }
0x220: {  	v6 =	vshll.u32 v2, v6;
	[tilespmem:v57+s1+$0x0] =	vst.idx.add.s32.msk vm4, v62  }
0x221: {  	v63 =	vshll.u32 v2, v22;
	[tilespmem:v4+s1+$0x0] =	vst.idx.add.s32.msk vm5, v6  }
0x222: {  	[tilespmem:v3+s1+$0x0] =	vst.idx.add.s32.msk vm6, v63  }
0x223: {  	p0 =	seq.s32 s9, $0x3;
	_ =	swait.ge [sflag:s4], $0x800  }
.Ltmp2:
0x224: {  	[sflag:s4] =	ssyncset.done $0x0;
	(pc) =	sbr.rel @p0 .LBB2_8-.Ltmp2, $4  }
0x225: {  	s0 =	simm.s32 $0x2;
	[sflag:s4] =	ssyncadd.s32 $0xFFFFF800  }
0x226: {  	_ =	swait.ge [sflag:s0], $0x800  }
0x227: {  	[sflag:s0] =	ssyncset.done $0x0  }
0x228: {  	[sflag:s0] =	ssyncadd.s32 $0xFFFFF800  }
0x229: {  	s0 =	sshll.u32 s9, $0x1  }
0x22a: {  	s0 =	sadd.s32 $0x2, s0  }
0x22b: {  	s2 =	sshll.u32 s0, $0xB  }
0x22c: {  	s0 =	sshll.u32 s0, $0x7;
	s2 =	sand.u32 $0x4000, s2  }
0x22d: {  	s0 =	sand.u32 $0x300, s0;
	s2 =	sadd.s32 s6, s2  }
0x22e: {  	s0 =	sor.u32 s0, s2  }
0x22f: {  	s0 =	sshrl.u32 s0, $0x3  }
0x230: {  	s2 =	sadd.s32 s8, s0  }
0x231: {  	[tilespmem:s7], [sflag:$0x1] =	stream.linear.gather [hbm4b:s2+s7], $0x80, $0x38;
	[tilespmem:$0x12000] =	vst v63  }
0x232: {  	s3 =	sadd.s32 $0x80, s2  }
0x233: {  	[tilespmem:s12], [sflag:$0x1] =	stream.linear.gather [hbm4b:s3+s7], $0x80, $0x38;
	[tilespmem:$0x12000] =	vst v63  }
0x234: {  	s10 =	sadd.s32 $0x100, s2  }
0x235: {  	[tilespmem:s13], [sflag:$0x1] =	stream.linear.gather [hbm4b:s10+s7], $0x80, $0x38;
	[tilespmem:$0x12000] =	vst v63  }
0x236: {  	s10 =	sadd.s32 $0x180, s2  }
0x237: {  	[tilespmem:s14], [sflag:$0x1] =	stream.linear.gather [hbm4b:s10+s7], $0x80, $0x38;
	[tilespmem:$0x12000] =	vst v63  }
0x238: {  	s10 =	sadd.s32 $0x200, s2  }
0x239: {  	[tilespmem:s15], [sflag:$0x1] =	stream.linear.gather [hbm4b:s10+s7], $0x80, $0x38;
	[tilespmem:$0x12000] =	vst v63  }
0x23a: {  	s10 =	sadd.s32 $0x280, s2  }
0x23b: {  	[tilespmem:s16], [sflag:$0x1] =	stream.linear.gather [hbm4b:s10+s7], $0x80, $0x38;
	[tilespmem:$0x12000] =	vst v63  }
0x23c: {  	s10 =	sadd.s32 $0x300, s2  }
0x23d: {  	[tilespmem:s17], [sflag:$0x1] =	stream.linear.gather [hbm4b:s10+s7], $0x80, $0x38;
	[tilespmem:$0x12000] =	vst v63  }
0x23e: {  	s10 =	sadd.s32 $0x380, s2  }
0x23f: {  	[tilespmem:s18], [sflag:$0x1] =	stream.linear.gather [hbm4b:s10+s7], $0x80, $0x38;
	[tilespmem:$0x12000] =	vst v63  }
0x240: {  	s10 =	sadd.s32 $0x400, s2  }
0x241: {  	[tilespmem:s19], [sflag:$0x1] =	stream.linear.gather [hbm4b:s10+s7], $0x80, $0x38;
	[tilespmem:$0x12000] =	vst v63  }
0x242: {  	s10 =	sadd.s32 $0x480, s2  }
0x243: {  	[tilespmem:s20], [sflag:$0x1] =	stream.linear.gather [hbm4b:s10+s7], $0x80, $0x38;
	[tilespmem:$0x12000] =	vst v63  }
0x244: {  	s10 =	sadd.s32 $0x500, s2  }
0x245: {  	[tilespmem:s21], [sflag:$0x1] =	stream.linear.gather [hbm4b:s10+s7], $0x80, $0x38;
	[tilespmem:$0x12000] =	vst v63  }
0x246: {  	s10 =	sadd.s32 $0x580, s2  }
0x247: {  	[tilespmem:s22], [sflag:$0x1] =	stream.linear.gather [hbm4b:s10+s7], $0x80, $0x38;
	[tilespmem:$0x12000] =	vst v63  }
0x248: {  	s10 =	sadd.s32 $0x600, s2  }
0x249: {  	[tilespmem:s23], [sflag:$0x1] =	stream.linear.gather [hbm4b:s10+s7], $0x80, $0x38;
	[tilespmem:$0x12000] =	vst v63  }
0x24a: {  	s10 =	sadd.s32 $0x680, s2  }
0x24b: {  	[tilespmem:s24], [sflag:$0x1] =	stream.linear.gather [hbm4b:s10+s7], $0x80, $0x38;
	[tilespmem:$0x12000] =	vst v63  }
0x24c: {  	s10 =	sadd.s32 $0x700, s2  }
0x24d: {  	[tilespmem:s25], [sflag:$0x1] =	stream.linear.gather [hbm4b:s10+s7], $0x80, $0x38;
	[tilespmem:$0x12000] =	vst v63  }
0x24e: {  	s2 =	sadd.s32 $0x780, s2  }
0x24f: {  	[tilespmem:s26], [sflag:$0x1] =	stream.linear.gather [hbm4b:s2+s7], $0x80, $0x38;
	[tilespmem:$0x12000] =	vst v63  }
0x250: {  	s0 =	sadd.s32 s11, s0  }
0x251: {  	[tilespmem:s28], [sflag:$0x2] =	stream.linear.gather [hbm4b:s0+s7], $0x80, $0x38;
	[tilespmem:$0x12000] =	vst v63  }
0x252: {  	s10 =	sadd.s32 $0x80, s0  }
0x253: {  	[tilespmem:s29], [sflag:$0x2] =	stream.linear.gather [hbm4b:s10+s7], $0x80, $0x38;
	[tilespmem:$0x12000] =	vst v63  }
0x254: {  	s3 =	sadd.s32 $0x100, s0  }
0x255: {  	[tilespmem:s30], [sflag:$0x2] =	stream.linear.gather [hbm4b:s3+s7], $0x80, $0x38;
	[tilespmem:$0x12000] =	vst v63  }
0x256: {  	s10 =	sadd.s32 $0x180, s0  }
0x257: {  	[tilespmem:s31], [sflag:$0x2] =	stream.linear.gather [hbm4b:s10+s7], $0x80, $0x38;
	[tilespmem:$0x12000] =	vst v63  }
0x258: {  	s3 =	sadd.s32 $0x200, s0;
	s10 =	simm.s32 $0x1400  }
0x259: {  	[tilespmem:s10], [sflag:$0x2] =	stream.linear.gather [hbm4b:s3+s7], $0x80, $0x38;
	[tilespmem:$0x12000] =	vst v63  }
0x25a: {  	s3 =	sadd.s32 $0x280, s0;
	s10 =	simm.s32 $0x1500  }
0x25b: {  	[tilespmem:s10], [sflag:$0x2] =	stream.linear.gather [hbm4b:s3+s7], $0x80, $0x38;
	[tilespmem:$0x12000] =	vst v63  }
0x25c: {  	s3 =	sadd.s32 $0x300, s0;
	s10 =	simm.s32 $0x1600  }
0x25d: {  	[tilespmem:s10], [sflag:$0x2] =	stream.linear.gather [hbm4b:s3+s7], $0x80, $0x38;
	[tilespmem:$0x12000] =	vst v63  }
0x25e: {  	s3 =	sadd.s32 $0x380, s0;
	s10 =	simm.s32 $0x1700  }
0x25f: {  	[tilespmem:s10], [sflag:$0x2] =	stream.linear.gather [hbm4b:s3+s7], $0x80, $0x38;
	[tilespmem:$0x12000] =	vst v63  }
0x260: {  	s3 =	sadd.s32 $0x400, s0;
	s10 =	simm.s32 $0x1800  }
0x261: {  	[tilespmem:s10], [sflag:$0x2] =	stream.linear.gather [hbm4b:s3+s7], $0x80, $0x38;
	[tilespmem:$0x12000] =	vst v63  }
0x262: {  	s3 =	sadd.s32 $0x480, s0;
	s10 =	simm.s32 $0x1900  }
0x263: {  	[tilespmem:s10], [sflag:$0x2] =	stream.linear.gather [hbm4b:s3+s7], $0x80, $0x38;
	[tilespmem:$0x12000] =	vst v63  }
0x264: {  	s3 =	sadd.s32 $0x500, s0;
	s10 =	simm.s32 $0x1A00  }
0x265: {  	[tilespmem:s10], [sflag:$0x2] =	stream.linear.gather [hbm4b:s3+s7], $0x80, $0x38;
	[tilespmem:$0x12000] =	vst v63  }
0x266: {  	s3 =	sadd.s32 $0x580, s0;
	s10 =	simm.s32 $0x1B00  }
0x267: {  	[tilespmem:s10], [sflag:$0x2] =	stream.linear.gather [hbm4b:s3+s7], $0x80, $0x38;
	[tilespmem:$0x12000] =	vst v63  }
0x268: {  	s3 =	sadd.s32 $0x600, s0;
	s10 =	simm.s32 $0x1C00  }
0x269: {  	[tilespmem:s10], [sflag:$0x2] =	stream.linear.gather [hbm4b:s3+s7], $0x80, $0x38;
	[tilespmem:$0x12000] =	vst v63  }
0x26a: {  	s3 =	sadd.s32 $0x680, s0;
	s10 =	simm.s32 $0x1D00  }
0x26b: {  	[tilespmem:s10], [sflag:$0x2] =	stream.linear.gather [hbm4b:s3+s7], $0x80, $0x38;
	[tilespmem:$0x12000] =	vst v63  }
0x26c: {  	s3 =	sadd.s32 $0x700, s0;
	s10 =	simm.s32 $0x1E00  }
0x26d: {  	[tilespmem:s10], [sflag:$0x2] =	stream.linear.gather [hbm4b:s3+s7], $0x80, $0x38;
	[tilespmem:$0x12000] =	vst v63  }
0x26e: {  	s0 =	sadd.s32 $0x780, s0;
	s10 =	simm.s32 $0x1F00  }
0x26f: {  	[tilespmem:s10], [sflag:$0x2] =	stream.linear.gather [hbm4b:s0+s7], $0x80, $0x38;
	[tilespmem:$0x12000] =	vst v63  }
.LBB2_8:
0x270: {  	s0 =	simm.s32 $0x10F0  }
0x271: {  	s10 =	simm.s32 $0xF0;
	v3 =	vld [tilespmem:s0+$0x0]  }
0x272: {  	v4 =	vld [tilespmem:s10+$0x0]  }
0x273: {  	v5 =	vld [tilespmem:s0+$0xFFFFFFA0]  }
0x274: {  	v7 =	vld [tilespmem:s0+$0xFFFFFFB0]  }
0x275: {  	v14 =	vld [tilespmem:s0+$0xFFFFFFC0]  }
0x276: {  	v20 =	vld [tilespmem:s10+$0xFFFFFFC0]  }
0x277: {  	v16 =	vld [tilespmem:s0+$0xFFFFFFD0]  }
0x278: {  	v22 =	vld [tilespmem:s0+$0xFFFFFFE0]  }
0x279: {  	v23 =	vld [tilespmem:s10+$0xFFFFFFE0]  }
0x27a: {  	v24 =	vld [tilespmem:s0+$0xFFFFFFF0]  }
0x27b: {  	v25 =	vld [tilespmem:s10+$0xFFFFFFF0]  }
0x27c: {  	v19 =	vld [tilespmem:s0+$0xFFFFFF90];
	v10 =	vshll.u32 v3, $0xB;
	v11 =	vshll.u32 v4, $0x3  }
0x27d: {  	v12 =	vshll.u32 v3, $0x7;
	v13 =	vsub.s32 v3, v0;
	v4 =	vand.u32 $0x7F, v4  }
0x27e: {  	v15 =	vshll.u32 v14, $0xB;
	v3 =	vshrl.u32 v3, $0x3;
	v17 =	vshll.u32 v20, $0x3  }
0x27f: {  	v18 =	vshll.u32 v16, $0xB;
	v26 =	vshll.u32 v22, $0xB;
	v27 =	vshll.u32 v23, $0x3  }
0x280: {  	v28 =	vshll.u32 v24, $0xB;
	v31 =	vshll.u32 v5, $0x7;
	v32 =	vshll.u32 v25, $0x3  }
0x281: {  	v9 =	vld [tilespmem:s10+$0xFFFFFFB0];
	v33 =	vshll.u32 v7, $0x7;
	v34 =	vshll.u32 v14, $0x7;
	v35 =	vshll.u32 v19, $0xB  }
0x282: {  	v36 =	vshll.u32 v19, $0x7;
	v58 =	vshll.u32 v16, $0x7;
	v60 =	vshrl.u32 v19, $0x3  }
0x283: {  	v63 =	vshrl.u32 v5, $0x3;
	v37 =	vshrl.u32 v7, $0x3;
	v38 =	vshrl.u32 v14, $0x3  }
0x284: {  	v40 =	vshrl.u32 v16, $0x3;
	v42 =	vshrl.u32 v22, $0x3;
	v43 =	vshrl.u32 v24, $0x3  }
0x285: {  	v19 =	vsub.s32 v19, v0;
	v10 =	vand.u32 $0xC000, v10;
	v11 =	vand.u32 $0xFFFFFC00, v11  }
0x286: {  	vm0 =	vlt.u32 v13, $0x100;
	v13 =	vshll.u32 v9, $0x3;
	v3 =	vand.u32 $0x1C, v3  }
0x287: {  	v6 =	vld [tilespmem:s10+$0xFFFFFF90];
	v15 =	vand.u32 $0xC000, v15;
	v17 =	vand.u32 $0xFFFFFC00, v17;
	v18 =	vand.u32 $0xC000, v18  }
0x288: {  	v8 =	vld [tilespmem:s10+$0xFFFFFFA0];
	v26 =	vand.u32 $0xC000, v26;
	v27 =	vand.u32 $0xFFFFFC00, v27;
	v28 =	vand.u32 $0xC000, v28  }
0x289: {  	v32 =	vand.u32 $0xFFFFFC00, v32;
	v35 =	vand.u32 $0xC000, v35;
	v59 =	vand.u32 $0x380, v58  }
0x28a: {  	v21 =	vld [tilespmem:s10+$0xFFFFFFD0];
	v10 =	vadd.s32 v10, v11;
	v11 =	vand.u32 $0x380, v12;
	v12 =	vshll.u32 v5, $0xB  }
0x28b: {  	v30 =	vshll.u32 v2, v3;
	v15 =	vadd.s32 v15, v17;
	v10 =	vor.u32 v11, v10  }
0x28c: {  	v11 =	vshll.u32 v6, $0x3;
	v12 =	vand.u32 $0xC000, v12;
	v29 =	vor.u32 v4, v10  }
0x28d: {  	v4 =	vshll.u32 v8, $0x3;
	v10 =	vshll.u32 v7, $0xB;
	v11 =	vand.u32 $0xFFFFFC00, v11  }
0x28e: {  	v8 =	vand.u32 $0x7F, v8;
	v4 =	vand.u32 $0xFFFFFC00, v4;
	v3 =	vand.u32 $0xC000, v10  }
0x28f: {  	v10 =	vand.u32 $0xFFFFFC00, v13;
	v13 =	vshll.u32 v21, $0x3;
	v11 =	vadd.s32 v35, v11  }
0x290: {  	v13 =	vand.u32 $0xFFFFFC00, v13;
	v4 =	vadd.s32 v12, v4;
	v12 =	vshll.u32 v22, $0x7  }
0x291: {  	v3 =	vadd.s32 v3, v10;
	v10 =	vshll.u32 v24, $0x7;
	v17 =	vadd.s32 v18, v13  }
0x292: {  	v18 =	vadd.s32 v26, v27;
	v13 =	vand.u32 $0x380, v36;
	v26 =	vand.u32 $0x380, v31  }
0x293: {  	v27 =	vadd.s32 v28, v32;
	v28 =	vand.u32 $0x380, v33;
	v31 =	vand.u32 $0x380, v34  }
0x294: {  	v61 =	vand.u32 $0x380, v12;
	v62 =	vand.u32 $0x380, v10;
	v39 =	vor.u32 v13, v11  }
0x295: {  	v41 =	vor.u32 v26, v4;
	v11 =	vor.u32 v28, v3;
	v13 =	vor.u32 v31, v15  }
0x296: {  	v12 =	vor.u32 v59, v17;
	v10 =	vor.u32 v61, v18;
	v15 =	vsub.s32 v5, v0  }
0x297: {  	v5 =	vor.u32 v62, v27;
	v18 =	vsub.s32 v7, v0;
	v17 =	vsub.s32 v14, v0  }
0x298: {  	v7 =	vsub.s32 v16, v0;
	v31 =	vand.u32 $0x7F, v6;
	v16 =	vsub.s32 v22, v0  }
0x299: {  	v14 =	vsub.s32 v24, v0;
	v28 =	vand.u32 $0x7F, v9;
	v26 =	vand.u32 $0x7F, v20  }
0x29a: {  	v27 =	vand.u32 $0x7F, v21;
	v4 =	vand.u32 $0x7F, v23;
	v3 =	vand.u32 $0x7F, v25  }
0x29b: {  	v25 =	vand.u32 $0x1C, v60;
	v24 =	vand.u32 $0x1C, v63;
	v23 =	vand.u32 $0x1C, v37  }
0x29c: {  	v22 =	vand.u32 $0x1C, v38;
	v20 =	vand.u32 $0x1C, v40;
	v6 =	vand.u32 $0x1C, v42  }
0x29d: {  	s3 =	simm.s32 $0x11F0;
	s0 =	simm.s32 $0x0;
	v21 =	vand.u32 $0x1C, v43;
	[tilespmem:v29+s1+$0x0] =	vst.idx.add.s32.msk vm0, v30;
	v9 =	vor.u32 v31, v39;
	v8 =	vor.u32 v8, v41  }
.LBB2_9:
0x29e: {  	v29 =	vld [tilespmem:s3+$0x0];
	v11 =	vor.u32 v28, v11;
	v13 =	vor.u32 v26, v13;
	v12 =	vor.u32 v27, v12;
	s10 =	sadd.s32 $0x100, s10  }
0x29f: {  	s0 =	sadd.s32 $0x8, s0;
	vm5 =	vlt.u32 v19, $0x100;
	v10 =	vor.u32 v4, v10;
	v19 =	vor.u32 v3, v5;
	v26 =	vld [tilespmem:s10+$0x0]  }
0x2a0: {  	vm6 =	vlt.u32 v15, $0x100;
	vm4 =	vlt.u32 v18, $0x100;
	vm3 =	vlt.u32 v17, $0x100;
	p0 =	slt.u32 s0, $0x78;
	v3 =	vld [tilespmem:s10+$0xFFFFFF90]  }
0x2a1: {  	vm2 =	vlt.u32 v7, $0x100;
	vm1 =	vlt.u32 v16, $0x100;
	vm0 =	vlt.u32 v14, $0x100;
	v5 =	vld [tilespmem:s3+$0xFFFFFFA0]  }
0x2a2: {  	v14 =	vshll.u32 v2, v25;
	v15 =	vshll.u32 v2, v24;
	v16 =	vshll.u32 v2, v23;
	v4 =	vld [tilespmem:s10+$0xFFFFFFA0]  }
0x2a3: {  	v17 =	vshll.u32 v2, v22;
	v18 =	vshll.u32 v2, v20;
	v20 =	vshll.u32 v2, v6;
	v7 =	vld [tilespmem:s3+$0xFFFFFFB0]  }
0x2a4: {  	v21 =	vshll.u32 v2, v21;
	v22 =	vshll.u32 v29, $0xB;
	v6 =	vld [tilespmem:s10+$0xFFFFFFB0];
	v23 =	vshll.u32 v26, $0x3  }
0x2a5: {  	v25 =	vshll.u32 v29, $0x7;
	v22 =	vand.u32 $0xC000, v22;
	v24 =	vld [tilespmem:s3+$0xFFFFFFC0];
	v23 =	vand.u32 $0xFFFFFC00, v23  }
0x2a6: {  	v28 =	vsub.s32 v29, v0;
	v27 =	vld [tilespmem:s10+$0xFFFFFFC0];
	v22 =	vadd.s32 v22, v23;
	v23 =	vand.u32 $0x380, v25  }
0x2a7: {  	vm7 =	vlt.u32 v28, $0x100;
	v26 =	vand.u32 $0x7F, v26;
	v25 =	vld [tilespmem:s3+$0xFFFFFFD0];
	v22 =	vor.u32 v23, v22  }
0x2a8: {  	v28 =	vshll.u32 v5, $0xB;
	v23 =	vshll.u32 v3, $0x3;
	v30 =	vld [tilespmem:s10+$0xFFFFFFD0];
	v22 =	vor.u32 v26, v22  }
0x2a9: {  	v26 =	vshll.u32 v4, $0x3;
	v31 =	vshll.u32 v7, $0xB;
	v32 =	vshll.u32 v6, $0x3;
	v33 =	vld [tilespmem:s3+$0xFFFFFFE0]  }
0x2aa: {  	v29 =	vshrl.u32 v29, $0x3;
	v23 =	vand.u32 $0xFFFFFC00, v23;
	v34 =	vshll.u32 v24, $0xB;
	v35 =	vld [tilespmem:s10+$0xFFFFFFE0]  }
0x2ab: {  	v29 =	vand.u32 $0x1C, v29;
	v28 =	vand.u32 $0xC000, v28;
	v36 =	vshll.u32 v27, $0x3;
	v37 =	vld [tilespmem:s3+$0xFFFFFFF0]  }
0x2ac: {  	v29 =	vshll.u32 v2, v29;
	v26 =	vand.u32 $0xFFFFFC00, v26;
	v38 =	vshll.u32 v25, $0xB;
	v39 =	vld [tilespmem:s10+$0xFFFFFFF0]  }
0x2ad: {  	v31 =	vand.u32 $0xC000, v31;
	v32 =	vand.u32 $0xFFFFFC00, v32;
	v40 =	vshll.u32 v30, $0x3;
	[tilespmem:v22+s1+$0x0] =	vst.idx.add.s32.msk vm7, v29  }
0x2ae: {  	v29 =	vand.u32 $0xC000, v34;
	v34 =	vand.u32 $0xFFFFFC00, v36;
	v22 =	vld [tilespmem:s3+$0xFFFFFF90];
	v36 =	vshll.u32 v33, $0xB  }
0x2af: {  	v38 =	vand.u32 $0xC000, v38;
	v40 =	vand.u32 $0xFFFFFC00, v40;
	v41 =	vshll.u32 v35, $0x3;
	[tilespmem:v9+s1+$0x0] =	vst.idx.add.s32.msk vm5, v14  }
0x2b0: {  	v9 =	vand.u32 $0xC000, v36;
	v14 =	vand.u32 $0xFFFFFC00, v41;
	v36 =	vshll.u32 v37, $0xB;
	[tilespmem:v8+s1+$0x0] =	vst.idx.add.s32.msk vm6, v15  }
0x2b1: {  	v8 =	vshll.u32 v5, $0x7;
	v15 =	vand.u32 $0xC000, v36;
	v36 =	vshll.u32 v39, $0x3;
	[tilespmem:v11+s1+$0x0] =	vst.idx.add.s32.msk vm4, v16  }
0x2b2: {  	v11 =	vshll.u32 v7, $0x7;
	v16 =	vshll.u32 v24, $0x7;
	v36 =	vand.u32 $0xFFFFFC00, v36;
	[tilespmem:v13+s1+$0x0] =	vst.idx.add.s32.msk vm3, v17  }
0x2b3: {  	v41 =	vshll.u32 v25, $0x7;
	v13 =	vshll.u32 v22, $0xB;
	v17 =	vshll.u32 v22, $0x7;
	[tilespmem:v12+s1+$0x0] =	vst.idx.add.s32.msk vm2, v18  }
0x2b4: {  	v18 =	vshll.u32 v37, $0x7;
	v12 =	vand.u32 $0xC000, v13;
	v13 =	vshll.u32 v33, $0x7;
	[tilespmem:v10+s1+$0x0] =	vst.idx.add.s32.msk vm1, v20  }
0x2b5: {  	v20 =	vadd.s32 v31, v32;
	v10 =	vadd.s32 v12, v23;
	v12 =	vadd.s32 v28, v26  }
0x2b6: {  	v9 =	vadd.s32 v9, v14;
	v23 =	vadd.s32 v29, v34;
	v26 =	vadd.s32 v38, v40  }
0x2b7: {  	v8 =	vand.u32 $0x380, v8;
	v14 =	vand.u32 $0x380, v17;
	v17 =	vadd.s32 v15, v36;
	[tilespmem:v19+s1+$0x0] =	vst.idx.add.s32.msk vm0, v21  }
0x2b8: {  	v11 =	vand.u32 $0x380, v11;
	v15 =	vand.u32 $0x380, v16;
	v16 =	vand.u32 $0x380, v41  }
0x2b9: {  	v18 =	vand.u32 $0x380, v18;
	v21 =	vshrl.u32 v22, $0x3;
	v19 =	vand.u32 $0x380, v13  }
0x2ba: {  	v31 =	vshrl.u32 v7, $0x3;
	v32 =	vshrl.u32 v24, $0x3;
	v29 =	vshrl.u32 v5, $0x3  }
0x2bb: {  	v36 =	vshrl.u32 v33, $0x3;
	v34 =	vshrl.u32 v25, $0x3;
	v38 =	vshrl.u32 v37, $0x3  }
0x2bc: {  	v11 =	vor.u32 v11, v20;
	v40 =	vor.u32 v14, v10;
	v8 =	vor.u32 v8, v12  }
0x2bd: {  	v12 =	vor.u32 v16, v26;
	v13 =	vor.u32 v15, v23;
	v10 =	vor.u32 v19, v9  }
0x2be: {  	v15 =	vsub.s32 v5, v0;
	v5 =	vor.u32 v18, v17;
	v19 =	vsub.s32 v22, v0  }
0x2bf: {  	v18 =	vsub.s32 v7, v0;
	v17 =	vsub.s32 v24, v0;
	v7 =	vsub.s32 v25, v0  }
0x2c0: {  	v16 =	vsub.s32 v33, v0;
	v14 =	vsub.s32 v37, v0;
	v9 =	vand.u32 $0x7F, v3  }
.Ltmp3:
0x2c1: {  	v28 =	vand.u32 $0x7F, v6;
	v33 =	vand.u32 $0x7F, v4;
	v26 =	vand.u32 $0x7F, v27;
	(pc) =	sbr.rel @p0 .LBB2_9-.Ltmp3, $4  }
0x2c2: {  	v27 =	vand.u32 $0x7F, v30;
	v4 =	vand.u32 $0x7F, v35;
	v3 =	vand.u32 $0x7F, v39  }
0x2c3: {  	v24 =	vand.u32 $0x1C, v29;
	v23 =	vand.u32 $0x1C, v31;
	v25 =	vand.u32 $0x1C, v21  }
0x2c4: {  	v6 =	vand.u32 $0x1C, v36;
	v20 =	vand.u32 $0x1C, v34;
	v22 =	vand.u32 $0x1C, v32  }
0x2c5: {  	s3 =	sadd.s32 $0x100, s3;
	v8 =	vor.u32 v33, v8;
	v21 =	vand.u32 $0x1C, v38;
	v9 =	vor.u32 v9, v40  }
0x2c6: {  	vm0 =	vlt.u32 v19, $0x100  }
0x2c7: {  	vm1 =	vlt.u32 v15, $0x100  }
0x2c8: {  	vm2 =	vlt.u32 v18, $0x100  }
0x2c9: {  	v11 =	vor.u32 v28, v11;
	vm3 =	vlt.u32 v17, $0x100  }
0x2ca: {  	v13 =	vor.u32 v26, v13;
	vm4 =	vlt.u32 v7, $0x100  }
0x2cb: {  	v57 =	vor.u32 v27, v12;
	vm5 =	vlt.u32 v16, $0x100;
	v58 =	vshll.u32 v2, v25  }
0x2cc: {  	v4 =	vor.u32 v4, v10;
	vm6 =	vlt.u32 v14, $0x100;
	v59 =	vshll.u32 v2, v24;
	s9 =	sadd.s32 $0x1, s9;
	[tilespmem:v9+s1+$0x0] =	vst.idx.add.s32.msk vm0, v58  }
0x2cd: {  	v3 =	vor.u32 v3, v5;
	v60 =	vshll.u32 v2, v23;
	p0 =	sne.s32 s9, $0x4;
	[tilespmem:v8+s1+$0x0] =	vst.idx.add.s32.msk vm1, v59  }
.Ltmp4:
0x2ce: {  	v61 =	vshll.u32 v2, v22;
	[tilespmem:v11+s1+$0x0] =	vst.idx.add.s32.msk vm2, v60;
	(pc) =	sbr.rel @p0 .LBB2_4-.Ltmp4, $4  }
0x2cf: {  	v62 =	vshll.u32 v2, v20;
	[tilespmem:v13+s1+$0x0] =	vst.idx.add.s32.msk vm3, v61  }
0x2d0: {  	v6 =	vshll.u32 v2, v6;
	[tilespmem:v57+s1+$0x0] =	vst.idx.add.s32.msk vm4, v62  }
0x2d1: {  	v63 =	vshll.u32 v2, v21;
	[tilespmem:v4+s1+$0x0] =	vst.idx.add.s32.msk vm5, v6  }
0x2d2: {  	[tilespmem:v3+s1+$0x0] =	vst.idx.add.s32.msk vm6, v63  }
0x2d3: {  	s0 =	sld [smem:$0x7D8];
	_ =	sdelay $0x1  }
0x2d4: {  	s2 =	simm.s32 $0x3  }
0x2d5: {  	[hbm4b:s0+s7] =	stream.linear.scatter [tilespmem:s1], [sflag:$0x3], $0x10000, $0x38;
	[tilespmem:$0x12000] =	vst v63  }
0x2d6: {  	_ =	swait.ge [sflag:s2], $0x10000  }
0x2d7: {  	s3 =	sld [smem:$0x7D7]  }
0x2d8: {  	s31 =	sld [smem:$0x7D9];
	_ =	sdelay $0x1  }
0x2d9: {  	s3 =	sadd.s32 $0x1, s3  }
0x2da: {  	p0 =	sne.s32 s3, s31  }
.Ltmp5:
0x2db: {  	_ = 	snop;
	(pc) =	sbr.rel @p0 .LBB2_1-.Ltmp5, $3  }
0x2dc: {  	_ =	sdelay $0x1  }
0x2dd: {  	[sflag:s2] =	ssyncset.done $0x0  }
0x2de: {  	[sflag:s2] =	ssyncadd.s32 $0xFFFF0000  }
0x2df: {  	_ =	sfence.sel $0x180000  }
0x2e0: {  	[bflag:$0x0] =	sbarrier.arrive $0xFFFF  }
0x2e1: {  	_ =	strace $0x90000047  }
0x2e2: {  	s0 =	stileid.u32;
	[bflag:$0x2] =	sbarrier.arrive $0xFFFF  }
0x2e3: {  	p0 =	sne.s32 s0, $0x0;
	s0 =	rddreg [dreg:$0x1]  }
0x2e4: {  	s0 =	sadd.s32 @!p0 $0x100000, s0  }
0x2e5: {  	[sflag:s0] =	ssyncadd.tile.s32 @!p0 $0x1;
	_ =	shalt  }
.Lfunc_end2:
_tile_overlayer_lowered:
.L_overlay_start_2:
0x2e6: {  	(tag) =	ssettag $0x2  }
0x2e7: {  	s0 =	rddreg [dreg:$0x0];
	s2 =	stileid.u32  }
0x2e8: {  	s1 =	rddreg [dreg:$0x1];
	p0 =	sne.s32 s2, $0x0  }
0x2e9: {  	s3 =	rddreg [dreg:$0x2];
	[bflag:$0x3] =	sbarrier.arrive $0xFFFF;
	s2 =	simm.s32 @!p0 $0x1C03  }
0x2ea: {  	[timem:s3], [sflag:s2] =	dma.local @!p0 [hbm:s0], s1  }
0x2eb: {  	s0 =	simm.s32 @!p0 $0x3  }
0x2ec: {  	_ =	swait.ge @!p0 [sflag:s0], s1  }
0x2ed: {  	s1 =	ssub.s32 @!p0 $0x0, s1;
	[sflag:s0] =	ssyncset.done @!p0 $0x0  }
0x2ee: {  	[sflag:s0] =	ssyncadd.s32 @!p0 s1  }
0x2ef: {  	[bflag:$0x3] =	sbarrier.arrive $0xFFFF  }
0x2f0: {  	_ =	shalt  }

</sc_bundles>
